<compile_context>
chip_gen: v7x
topology: tpu7x:2x2x1
jax: 0.10.2.dev20260603
libtpu: 0.0.44.dev20260713+nightly
codegen_flags: <defaults>
</compile_context>

<pallas_src>
import functools

import jax
import jax.numpy as jnp
from jax import lax
from jax.experimental import pallas as pl
from jax.experimental.pallas import tpu as pltpu
from jax.experimental.pallas import tpu_sc as plsc

_N = 10000
_E = 160000
_H = 256
_HH = 128
_OUT = 128
_DEPTH = 3
_NROOTS = 1024

_RBLK = 1000
_NC = 2
_NS = 16
_K = 80
_EPT = _E // _NS
_NCHUNK = _EPT // _K
_RQ = 624
_RREM = _N - _NS * _RQ
_RPW = _NROOTS // (_NC * _NS)



def _matmul_bias_body(x_ref, w_ref, b_ref, o_ref):
    o_ref[...] = (
        jnp.dot(x_ref[...], w_ref[...], preferred_element_type=jnp.float32)
        + b_ref[...]
    )


def _embed_call(x, W, b):
    return pl.pallas_call(
        _matmul_bias_body,
        grid=(_N // _RBLK,),
        in_specs=[
            pl.BlockSpec((_RBLK, _H), lambda i: (i, 0)),
            pl.BlockSpec((_H, _H), lambda i: (0, 0)),
            pl.BlockSpec((1, _H), lambda i: (0, 0)),
        ],
        out_specs=pl.BlockSpec((_RBLK, _H), lambda i: (i, 0)),
        out_shape=jax.ShapeDtypeStruct((_N, _H), jnp.float32),
    )(x, W, b)


def _hw_body(h_ref, w_ref, deg_ref, o_ref):
    dinv = lax.rsqrt(deg_ref[...] + 1.0)
    o_ref[0] = (
        jnp.dot(h_ref[...], w_ref[...], preferred_element_type=jnp.float32)
        * dinv
    )


def _hw_call(h, W, deg):
    return pl.pallas_call(
        _hw_body,
        grid=(_N // _RBLK, _NC),
        in_specs=[
            pl.BlockSpec((_RBLK, _H), lambda i, j: (i, 0)),
            pl.BlockSpec((_H, _HH), lambda i, j: (0, j)),
            pl.BlockSpec((_RBLK, 1), lambda i, j: (i, 0)),
        ],
        out_specs=pl.BlockSpec((1, _RBLK, _HH), lambda i, j: (j, i, 0)),
        out_shape=jax.ShapeDtypeStruct((_NC, _N, _HH), jnp.float32),
    )(h, W, deg)


def _ln_body(h_ref, p_ref, hw_ref, deg_ref, b_ref, g_ref, be_ref, o_ref):
    dinv = lax.rsqrt(deg_ref[...] + 1.0)
    p = jnp.concatenate([p_ref[0], p_ref[1]], axis=1)
    hwp = jnp.concatenate([hw_ref[0], hw_ref[1]], axis=1)
    t = h_ref[...] + (p + hwp) * dinv + b_ref[...]
    mu = jnp.mean(t, axis=1, keepdims=True)
    var = jnp.mean((t - mu) * (t - mu), axis=1, keepdims=True)
    o_ref[...] = (t - mu) * lax.rsqrt(var + 1e-5) * g_ref[...] + be_ref[...]


def _ln_call(h, p2, hw2, deg, b, gamma, beta):
    return pl.pallas_call(
        _ln_body,
        grid=(_N // _RBLK,),
        in_specs=[
            pl.BlockSpec((_RBLK, _H), lambda i: (i, 0)),
            pl.BlockSpec((_NC, _RBLK, _HH), lambda i: (0, i, 0)),
            pl.BlockSpec((_NC, _RBLK, _HH), lambda i: (0, i, 0)),
            pl.BlockSpec((_RBLK, 1), lambda i: (i, 0)),
            pl.BlockSpec((1, _H), lambda i: (0, 0)),
            pl.BlockSpec((1, _H), lambda i: (0, 0)),
            pl.BlockSpec((1, _H), lambda i: (0, 0)),
        ],
        out_specs=pl.BlockSpec((_RBLK, _H), lambda i: (i, 0)),
        out_shape=jax.ShapeDtypeStruct((_N, _H), jnp.float32),
    )(h, p2, hw2, deg, b, gamma, beta)


def _out_call(hr, W, b):
    return pl.pallas_call(
        _matmul_bias_body,
        in_specs=[
            pl.BlockSpec((_NROOTS, _H), lambda: (0, 0)),
            pl.BlockSpec((_H, _OUT), lambda: (0, 0)),
            pl.BlockSpec((1, _OUT), lambda: (0, 0)),
        ],
        out_specs=pl.BlockSpec((_NROOTS, _OUT), lambda: (0, 0)),
        out_shape=jax.ShapeDtypeStruct((_NROOTS, _OUT), jnp.float32),
    )(hr, W, b)



@functools.lru_cache(maxsize=1)
def _build_sc_kernels():
    mesh = plsc.VectorSubcoreMesh(
        core_axis_name="c", subcore_axis_name="s",
        num_cores=_NC, num_subcores=_NS,
    )

    def _copy_rows(s, src, dst, src_off=0, dst_off=0):
        pltpu.sync_copy(
            src.at[pl.ds(src_off + s * _RQ, _RQ)],
            dst.at[pl.ds(dst_off + s * _RQ, _RQ)],
        )

        @pl.when(s == _NS - 1)
        def _():
            pltpu.sync_copy(
                src.at[pl.ds(src_off + _NS * _RQ, _RREM)],
                dst.at[pl.ds(dst_off + _NS * _RQ, _RREM)],
            )

    @functools.partial(
        pl.kernel,
        out_type=jax.ShapeDtypeStruct((_N, 16), jnp.float32),
        mesh=mesh,
        scratch_types=[
            pltpu.VMEM((_K,), jnp.int32),
            pltpu.VMEM((_K, 16), jnp.float32),
            pltpu.VMEM_SHARED((_N, 16), jnp.float32),
        ],
    )
    def deg_kernel(d_hbm, zeros_hbm, out_hbm, didx_v, ones_v, table_sh):
        c = lax.axis_index("c")
        s = lax.axis_index("s")

        @pl.when(c == 0)
        def _():
            _copy_rows(s, zeros_hbm, table_sh)

            def _fill(i, carry):
                ones_v[i] = jnp.ones((16,), jnp.float32)
                return carry

            lax.fori_loop(0, _K, _fill, 0)
            plsc.subcore_barrier()

            def _chunk(j, carry):
                base = s * _EPT + j * _K
                pltpu.sync_copy(d_hbm.at[pl.ds(base, _K)], didx_v)
                pltpu.sync_copy(ones_v, table_sh.at[didx_v], add=True)
                return carry

            lax.fori_loop(0, _NCHUNK, _chunk, 0)
            plsc.subcore_barrier()
            _copy_rows(s, table_sh, out_hbm)

    @functools.partial(
        pl.kernel,
        out_type=jax.ShapeDtypeStruct((_NC * _N, _HH), jnp.float32),
        mesh=mesh,
        scratch_types=[
            pltpu.VMEM((_K,), jnp.int32),
            pltpu.VMEM((_K,), jnp.int32),
            pltpu.VMEM((_K,), jnp.int32),
            pltpu.VMEM((_K,), jnp.int32),
            pltpu.VMEM((_K, _HH), jnp.float32),
            pltpu.VMEM((_K, _HH), jnp.float32),
            pltpu.VMEM_SHARED((_N, _HH), jnp.float32),
            pltpu.SemaphoreType.DMA,
            pltpu.SemaphoreType.DMA,
        ],
    )
    def agg_kernel(s_hbm, d_hbm, hw_hbm, zeros_hbm, out_hbm,
                   sidx_a, sidx_b, didx_a, didx_b, rows_a, rows_b, acc_sh,
                   sem_a, sem_b):
        c = lax.axis_index("c")
        s = lax.axis_index("s")
        rowoff = c * _N

        def _sslice(j):
            return s_hbm.at[pl.ds((c * _NS + s) * _EPT + j * _K, _K)]

        def _dslice(j):
            return d_hbm.at[pl.ds(s * _EPT + j * _K, _K)]

        _copy_rows(s, zeros_hbm, acc_sh)
        plsc.subcore_barrier()

        pltpu.sync_copy(_sslice(0), sidx_a)
        pltpu.async_copy(hw_hbm.at[sidx_a], rows_a, sem_a).wait()
        pltpu.sync_copy(_dslice(0), didx_a)

        def _pair(t, carry):
            j0 = 2 * t
            pltpu.sync_copy(_sslice(j0 + 1), sidx_b)
            cp_b = pltpu.async_copy(hw_hbm.at[sidx_b], rows_b, sem_b)
            pltpu.sync_copy(_dslice(j0 + 1), didx_b)
            pltpu.sync_copy(rows_a, acc_sh.at[didx_a], add=True)
            cp_b.wait()
            pltpu.sync_copy(_sslice(j0 + 2), sidx_a)
            cp_a = pltpu.async_copy(hw_hbm.at[sidx_a], rows_a, sem_a)
            pltpu.sync_copy(_dslice(j0 + 2), didx_a)
            pltpu.sync_copy(rows_b, acc_sh.at[didx_b], add=True)
            cp_a.wait()
            return carry

        lax.fori_loop(0, (_NCHUNK - 1) // 2, _pair, 0)
        pltpu.sync_copy(rows_a, acc_sh.at[didx_a], add=True)

        plsc.subcore_barrier()
        _copy_rows(s, acc_sh, out_hbm, dst_off=rowoff)

    @functools.partial(
        pl.kernel,
        out_type=jax.ShapeDtypeStruct((_NROOTS, _H), jnp.float32),
        mesh=mesh,
        scratch_types=[
            pltpu.VMEM((_RPW,), jnp.int32),
            pltpu.VMEM((8, _H), jnp.float32),
            pltpu.SemaphoreType.DMA,
        ],
    )
    def root_gather(h_hbm, roots_hbm, out_hbm, idx_v, rows_v, sem):
        wid = lax.axis_index("s") * _NC + lax.axis_index("c")
        base = wid * _RPW
        pltpu.sync_copy(roots_hbm.at[pl.ds(base, _RPW)], idx_v)

        def _step(t, carry):
            pltpu.async_copy(h_hbm.at[idx_v.at[pl.ds(t * 8, 8)]],
                             rows_v, sem).wait()
            pltpu.sync_copy(rows_v, out_hbm.at[pl.ds(base + t * 8, 8)])
            return carry

        lax.fori_loop(0, _RPW // 8, _step, 0)

    return deg_kernel, agg_kernel, root_gather



def kernel(x, edge_index, root_mask, W_embed, b_embed, Ws, bs,
           ln_gamma, ln_beta, W_out, b_out):
    deg_kernel, agg_kernel, root_gather = _build_sc_kernels()
    src = edge_index[0]
    dst = edge_index[1]
    src2 = jnp.concatenate([src, src + _N]).reshape(_NC * _NS * _EPT)
    zeros16 = jnp.zeros((_N, 16), jnp.float32)
    zeros128 = jnp.zeros((_N, _HH), jnp.float32)

    deg = deg_kernel(dst, zeros16)[:, :1]
    h = _embed_call(x, W_embed, b_embed.reshape(1, _H))
    for i in range(_DEPTH):
        hw2 = _hw_call(h, Ws[i], deg)
        p = agg_kernel(src2, dst, hw2.reshape(_NC * _N, _HH), zeros128)
        h = _ln_call(
            h, p.reshape(_NC, _N, _HH), hw2, deg,
            bs[i].reshape(1, _H),
            ln_gamma[i].reshape(1, _H),
            ln_beta[i].reshape(1, _H),
        )
    hr = root_gather(h, root_mask)
    return _out_call(hr, W_out, b_out.reshape(1, _OUT))

# --- scband reference (transcript-rebuilt; emitter-appended) ---
"""Pipeline reference for scband-graph-model-43508018709319 (READ-ONLY COPY).

The authoritative reference and input builder live on the scoring server;
editing this copy changes nothing except your own understanding.
"""

import jax, jax.numpy as jnp
import numpy as np

N = 10000
E = 160000
IN_DIM = 256
H = 256
OUT = 128
DEPTH = 3
N_ROOTS = 1024


def setup_inputs(seed: int = 0):
    key = jax.random.key(seed)
    ks = jax.random.split(key, 8)
    x = jax.random.normal(ks[0], (N, IN_DIM), dtype=jnp.float32)
    edge_index = jax.random.randint(ks[1], (2, E), 0, N, dtype=jnp.int32)
    root_mask = jax.random.randint(ks[2], (N_ROOTS,), 0, N, dtype=jnp.int32)
    # embed_label: Linear(in_dim, h_dim), weight init normal(0, 1)
    W_embed = jax.random.normal(ks[3], (IN_DIM, H), dtype=jnp.float32)
    b_embed = jnp.zeros((H,), dtype=jnp.float32)
    # GCN layer weights (xavier uniform)
    g = float(np.sqrt(6.0 / (H + H)))
    Ws = jax.random.uniform(ks[4], (DEPTH, H, H), minval=-g, maxval=g, dtype=jnp.float32)
    bs = jnp.zeros((DEPTH, H), dtype=jnp.float32)
    ln_gamma = jnp.ones((DEPTH, H), dtype=jnp.float32)
    ln_beta = jnp.zeros((DEPTH, H), dtype=jnp.float32)
    g2 = float(np.sqrt(6.0 / (H + OUT)))
    W_out = jax.random.uniform(ks[5], (H, OUT), minval=-g2, maxval=g2, dtype=jnp.float32)
    b_out = jnp.zeros((OUT,), dtype=jnp.float32)
    return {"x": x, "edge_index": edge_index, "root_mask": root_mask,
            "W_embed": W_embed, "b_embed": b_embed, "Ws": Ws, "bs": bs,
            "ln_gamma": ln_gamma, "ln_beta": ln_beta, "W_out": W_out, "b_out": b_out}


def _layernorm(h, gamma, beta):
    mu = jnp.mean(h, axis=-1, keepdims=True)
    var = jnp.var(h, axis=-1, keepdims=True)
    return (h - mu) / jnp.sqrt(var + 1e-5) * gamma + beta


def reference(x, edge_index, root_mask, W_embed, b_embed, Ws, bs, ln_gamma, ln_beta, W_out, b_out):
    n = x.shape[0]
    # embed_label
    h = x @ W_embed + b_embed
    # GCN normalization with self loops (symmetric norm, as in PyG GCNConv)
    src = edge_index[0]
    dst = edge_index[1]
    loops = jnp.arange(n, dtype=src.dtype)
    s = jnp.concatenate([src, loops])
    d = jnp.concatenate([dst, loops])
    deg = jnp.zeros((n,), dtype=jnp.float32).at[d].add(1.0)
    dinv = jax.lax.rsqrt(deg)
    norm = (dinv[s] * dinv[d])[:, None]
    for i in range(DEPTH):
        hw = h @ Ws[i]
        m = hw[s] * norm
        agg = jnp.zeros((n, H), dtype=h.dtype).at[d].add(m) + bs[i]
        h = h + agg  # residual
        h = _layernorm(h, ln_gamma[i], ln_beta[i])  # layer norm
    out = h @ W_out + b_out
    return out[root_mask]

if __name__ == "__main__":
    import jax
    _d = setup_inputs()
    print(jax.jit(kernel)(*tuple(_d.values())))

</pallas_src>

<mosaic_0001>
#map = affine_map<(d0, d1) -> (0)>
#map1 = affine_map<(d0, d1) -> (0, 0)>
module attributes {stable_mosaic.version = 14 : i64} {
  func.func @deg_kernel(%arg0: i32, %arg1: i32, %arg2: memref<160000xi32, #tpu.memory_space<hbm>>, %arg3: memref<10000x16xf32, #tpu.memory_space<hbm>>, %arg4: memref<10000x16xf32, #tpu.memory_space<hbm>>, %arg5: memref<80xi32, #tpu.memory_space<vmem>>, %arg6: memref<80x16xf32, #tpu.memory_space<vmem>>, %arg7: memref<10000x16xf32, #tpu.memory_space<vmem_shared>>) attributes {dimension_semantics = [#tpu.dimension_semantics<core_parallel>, #tpu.dimension_semantics<subcore_parallel>], iteration_bounds = array<i64: 2, 16>, scalar_prefetch = 0 : i64, scratch_operands = 3 : i64, tpu.core_type = #tpu.core_type<sc_vector_subcore>, window_params = [{transform_indices = #map}, {transform_indices = #map1}, {transform_indices = #map1}]} {
    %eq3A = arith.constant 0 : i32
    %eq3A_0 = arith.cmpi eq, %arg0, %eq3A : i32
    %convert_element_type3A = arith.extui %eq3A_0 : i1 to i32
    %cond3A = arith.constant 0 : i32
    %cond3A_1 = arith.cmpi ne, %convert_element_type3A, %cond3A : i32
    scf.if %cond3A_1 {
      %mul3A = arith.constant 624 : i32
      %mul3A_2 = arith.muli %arg1, %mul3A : i32
      %add3A = arith.constant 0 : i32
      %add3A_3 = arith.addi %add3A, %mul3A_2 : i32
      %mul3A_4 = arith.constant 624 : i32
      %mul3A_5 = arith.muli %arg1, %mul3A_4 : i32
      %add3A_6 = arith.constant 0 : i32
      %add3A_7 = arith.addi %add3A_6, %mul3A_5 : i32
      "tpu.region"() ({
        %run_scoped3A = tpu.sem_alloc : memref<!tpu.dma_semaphore, #tpu.memory_space<semaphore_mem>>
        %dma_start3A = arith.constant 0 : i32
        %dma_start3A_38 = tpu.memref_slice %arg7[%add3A_7, %dma_start3A] : memref<10000x16xf32, #tpu.memory_space<vmem_shared>> -> memref<624x16xf32, #tpu.memory_space<vmem_shared>>
        %dma_start3A_39 = arith.constant 0 : i32
        %dma_start3A_40 = tpu.memref_slice %arg3[%add3A_3, %dma_start3A_39] : memref<10000x16xf32, #tpu.memory_space<hbm>> -> memref<624x16xf32, #tpu.memory_space<hbm>>
        tpu.enqueue_dma source(%dma_start3A_40 : memref<624x16xf32, #tpu.memory_space<hbm>>) target(%dma_start3A_38 : memref<624x16xf32, #tpu.memory_space<vmem_shared>>) target_semaphore(%run_scoped3A : memref<!tpu.dma_semaphore, #tpu.memory_space<semaphore_mem>>)
        %dma_wait3A = arith.constant 0 : i32
        %dma_wait3A_41 = tpu.memref_slice %arg7[%add3A_7, %dma_wait3A] : memref<10000x16xf32, #tpu.memory_space<vmem_shared>> -> memref<624x16xf32, #tpu.memory_space<vmem_shared>>
        %dma_wait3A_42 = arith.constant 0 : i32
        %dma_wait3A_43 = tpu.memref_slice %arg3[%add3A_3, %dma_wait3A_42] : memref<10000x16xf32, #tpu.memory_space<hbm>> -> memref<624x16xf32, #tpu.memory_space<hbm>>
        tpu.wait_dma2 semaphore(%run_scoped3A : memref<!tpu.dma_semaphore, #tpu.memory_space<semaphore_mem>>) src(%dma_wait3A_43 : memref<624x16xf32, #tpu.memory_space<hbm>>) dst(%dma_wait3A_41 : memref<624x16xf32, #tpu.memory_space<vmem_shared>>)
        tpu.yield
      }) : () -> ()
      %eq3A_8 = arith.constant 15 : i32
      %eq3A_9 = arith.cmpi eq, %arg1, %eq3A_8 : i32
      %convert_element_type3A_10 = arith.extui %eq3A_9 : i1 to i32
      %cond3A_11 = arith.constant 0 : i32
      %cond3A_12 = arith.cmpi ne, %convert_element_type3A_10, %cond3A_11 : i32
      scf.if %cond3A_12 {
        "tpu.region"() ({
          %run_scoped3A = tpu.sem_alloc : memref<!tpu.dma_semaphore, #tpu.memory_space<semaphore_mem>>
          %dma_start3A = arith.constant 9984 : i32
          %dma_start3A_38 = arith.constant 0 : i32
          %dma_start3A_39 = tpu.memref_slice %arg7[%dma_start3A, %dma_start3A_38] : memref<10000x16xf32, #tpu.memory_space<vmem_shared>> -> memref<16x16xf32, #tpu.memory_space<vmem_shared>>
          %dma_start3A_40 = arith.constant 9984 : i32
          %dma_start3A_41 = arith.constant 0 : i32
          %dma_start3A_42 = tpu.memref_slice %arg3[%dma_start3A_40, %dma_start3A_41] : memref<10000x16xf32, #tpu.memory_space<hbm>> -> memref<16x16xf32, #tpu.memory_space<hbm>>
          tpu.enqueue_dma source(%dma_start3A_42 : memref<16x16xf32, #tpu.memory_space<hbm>>) target(%dma_start3A_39 : memref<16x16xf32, #tpu.memory_space<vmem_shared>>) target_semaphore(%run_scoped3A : memref<!tpu.dma_semaphore, #tpu.memory_space<semaphore_mem>>)
          %dma_wait3A = arith.constant 9984 : i32
          %dma_wait3A_43 = arith.constant 0 : i32
          %dma_wait3A_44 = tpu.memref_slice %arg7[%dma_wait3A, %dma_wait3A_43] : memref<10000x16xf32, #tpu.memory_space<vmem_shared>> -> memref<16x16xf32, #tpu.memory_space<vmem_shared>>
          %dma_wait3A_45 = arith.constant 9984 : i32
          %dma_wait3A_46 = arith.constant 0 : i32
          %dma_wait3A_47 = tpu.memref_slice %arg3[%dma_wait3A_45, %dma_wait3A_46] : memref<10000x16xf32, #tpu.memory_space<hbm>> -> memref<16x16xf32, #tpu.memory_space<hbm>>
          tpu.wait_dma2 semaphore(%run_scoped3A : memref<!tpu.dma_semaphore, #tpu.memory_space<semaphore_mem>>) src(%dma_wait3A_47 : memref<16x16xf32, #tpu.memory_space<hbm>>) dst(%dma_wait3A_44 : memref<16x16xf32, #tpu.memory_space<vmem_shared>>)
          tpu.yield
        }) : () -> ()
      } else {
      }
      %scan3A = arith.constant 0 : i32
      %scan3A_13 = arith.constant 0 : i32
      %scan3A_14 = arith.constant 80 : i32
      %scan3A_15 = arith.addi %scan3A_13, %scan3A_14 : i32
      %scan3A_16 = arith.constant 1 : i32
      scf.for %scan3A_38 = %scan3A_13 to %scan3A_15 step %scan3A_16  : i32 {
        %broadcast_in_dim3A = arith.constant 1.000000e+00 : f32
        %broadcast_in_dim3A_39 = vector.broadcast %broadcast_in_dim3A : f32 to vector<16xf32>
        %swap3A = arith.index_cast %scan3A_38 : i32 to index
        %swap3A_40 = arith.constant 0 : index
        %swap3A_41 = tpu.vector_load %arg6[%swap3A, %swap3A_40] {strides = array<i32>} : memref<80x16xf32, #tpu.memory_space<vmem>>, vector<1x16xf32>,
        %swap3A_42 = vector.shape_cast %swap3A_41 : vector<1x16xf32> to vector<16xf32>
        %swap3A_43 = vector.shape_cast %broadcast_in_dim3A_39 : vector<16xf32> to vector<1x16xf32>
        tpu.vector_store %arg6[%swap3A, %swap3A_40], %swap3A_43 {strides = array<i32>} : memref<80x16xf32, #tpu.memory_space<vmem>>, vector<1x16xf32>,
      }
      %scan3A_17 = arith.constant 80 : i32
      %barrier3A = arith.constant 0 : index
      tpu.barrier barrier_id(%barrier3A)
      %scan3A_18 = arith.constant 0 : i32
      %scan3A_19 = arith.constant 0 : i32
      %scan3A_20 = arith.constant 125 : i32
      %scan3A_21 = arith.addi %scan3A_19, %scan3A_20 : i32
      %scan3A_22 = arith.constant 1 : i32
      scf.for %scan3A_38 = %scan3A_19 to %scan3A_21 step %scan3A_22  : i32 {
        %mul3A_39 = arith.constant 10000 : i32
        %mul3A_40 = arith.muli %arg1, %mul3A_39 : i32
        %mul3A_41 = arith.constant 80 : i32
        %mul3A_42 = arith.muli %scan3A_38, %mul3A_41 : i32
        %add3A_43 = arith.addi %mul3A_40, %mul3A_42 : i32
        "tpu.region"() ({
          %run_scoped3A = tpu.sem_alloc : memref<!tpu.dma_semaphore, #tpu.memory_space<semaphore_mem>>
          %dma_start3A = tpu.memref_slice %arg2[%add3A_43] : memref<160000xi32, #tpu.memory_space<hbm>> -> memref<80xi32, #tpu.memory_space<hbm>>
          %dma_start3A_44 = tpu.memref_slice %arg2[%add3A_43] : memref<160000xi32, #tpu.memory_space<hbm>> -> memref<80xi32, #tpu.memory_space<hbm>>
          tpu.enqueue_dma source(%dma_start3A_44 : memref<80xi32, #tpu.memory_space<hbm>>) target(%arg5 : memref<80xi32, #tpu.memory_space<vmem>>) target_semaphore(%run_scoped3A : memref<!tpu.dma_semaphore, #tpu.memory_space<semaphore_mem>>)
          %dma_wait3A = tpu.memref_slice %arg2[%add3A_43] : memref<160000xi32, #tpu.memory_space<hbm>> -> memref<80xi32, #tpu.memory_space<hbm>>
          %dma_wait3A_45 = tpu.memref_slice %arg2[%add3A_43] : memref<160000xi32, #tpu.memory_space<hbm>> -> memref<80xi32, #tpu.memory_space<hbm>>
          tpu.wait_dma2 semaphore(%run_scoped3A : memref<!tpu.dma_semaphore, #tpu.memory_space<semaphore_mem>>) src(%dma_wait3A_45 : memref<80xi32, #tpu.memory_space<hbm>>) dst(%arg5 : memref<80xi32, #tpu.memory_space<vmem>>)
          tpu.yield
        }) : () -> ()
        "tpu.region"() ({
          %run_scoped3A = tpu.sem_alloc : memref<!tpu.dma_semaphore, #tpu.memory_space<semaphore_mem>>
          %dma_start3A = arith.constant 0 : i32
          %dma_start3A_44 = arith.constant 0 : i32
          %dma_start3A_45 = tpu.memref_slice %arg7[%dma_start3A, %dma_start3A_44] : memref<10000x16xf32, #tpu.memory_space<vmem_shared>> -> memref<10000x16xf32, #tpu.memory_space<vmem_shared>>
          tpu.enqueue_indirect_dma source(%arg6 : memref<80x16xf32, #tpu.memory_space<vmem>>) target(%dma_start3A_45 : memref<10000x16xf32, #tpu.memory_space<vmem_shared>>) offsets(%arg5 : memref<80xi32, #tpu.memory_space<vmem>>) semaphore(%run_scoped3A : memref<!tpu.dma_semaphore, #tpu.memory_space<semaphore_mem>>) {add = true}
          %dma_wait3A = arith.constant 0 : i32
          %dma_wait3A_46 = arith.constant 0 : i32
          %dma_wait3A_47 = tpu.memref_slice %arg7[%dma_wait3A, %dma_wait3A_46] : memref<10000x16xf32, #tpu.memory_space<vmem_shared>> -> memref<10000x16xf32, #tpu.memory_space<vmem_shared>>
          tpu.wait_indirect_dma semaphore(%run_scoped3A : memref<!tpu.dma_semaphore, #tpu.memory_space<semaphore_mem>>) src(%arg6 : memref<80x16xf32, #tpu.memory_space<vmem>>) dst(%dma_wait3A_47 : memref<10000x16xf32, #tpu.memory_space<vmem_shared>>)
          tpu.yield
        }) : () -> ()
      }
      %scan3A_23 = arith.constant 125 : i32
      %barrier3A_24 = arith.constant 0 : index
      tpu.barrier barrier_id(%barrier3A_24)
      %mul3A_25 = arith.constant 624 : i32
      %mul3A_26 = arith.muli %arg1, %mul3A_25 : i32
      %add3A_27 = arith.constant 0 : i32
      %add3A_28 = arith.addi %add3A_27, %mul3A_26 : i32
      %mul3A_29 = arith.constant 624 : i32
      %mul3A_30 = arith.muli %arg1, %mul3A_29 : i32
      %add3A_31 = arith.constant 0 : i32
      %add3A_32 = arith.addi %add3A_31, %mul3A_30 : i32
      "tpu.region"() ({
        %run_scoped3A = tpu.sem_alloc : memref<!tpu.dma_semaphore, #tpu.memory_space<semaphore_mem>>
        %dma_start3A = arith.constant 0 : i32
        %dma_start3A_38 = tpu.memref_slice %arg4[%add3A_32, %dma_start3A] : memref<10000x16xf32, #tpu.memory_space<hbm>> -> memref<624x16xf32, #tpu.memory_space<hbm>>
        %dma_start3A_39 = arith.constant 0 : i32
        %dma_start3A_40 = tpu.memref_slice %arg7[%add3A_28, %dma_start3A_39] : memref<10000x16xf32, #tpu.memory_space<vmem_shared>> -> memref<624x16xf32, #tpu.memory_space<vmem_shared>>
        tpu.enqueue_dma source(%dma_start3A_40 : memref<624x16xf32, #tpu.memory_space<vmem_shared>>) target(%dma_start3A_38 : memref<624x16xf32, #tpu.memory_space<hbm>>) target_semaphore(%run_scoped3A : memref<!tpu.dma_semaphore, #tpu.memory_space<semaphore_mem>>)
        %dma_wait3A = arith.constant 0 : i32
        %dma_wait3A_41 = tpu.memref_slice %arg4[%add3A_32, %dma_wait3A] : memref<10000x16xf32, #tpu.memory_space<hbm>> -> memref<624x16xf32, #tpu.memory_space<hbm>>
        %dma_wait3A_42 = arith.constant 0 : i32
        %dma_wait3A_43 = tpu.memref_slice %arg7[%add3A_28, %dma_wait3A_42] : memref<10000x16xf32, #tpu.memory_space<vmem_shared>> -> memref<624x16xf32, #tpu.memory_space<vmem_shared>>
        tpu.wait_dma2 semaphore(%run_scoped3A : memref<!tpu.dma_semaphore, #tpu.memory_space<semaphore_mem>>) src(%dma_wait3A_43 : memref<624x16xf32, #tpu.memory_space<vmem_shared>>) dst(%dma_wait3A_41 : memref<624x16xf32, #tpu.memory_space<hbm>>)
        tpu.yield
      }) : () -> ()
      %eq3A_33 = arith.constant 15 : i32
      %eq3A_34 = arith.cmpi eq, %arg1, %eq3A_33 : i32
      %convert_element_type3A_35 = arith.extui %eq3A_34 : i1 to i32
      %cond3A_36 = arith.constant 0 : i32
      %cond3A_37 = arith.cmpi ne, %convert_element_type3A_35, %cond3A_36 : i32
      scf.if %cond3A_37 {
        "tpu.region"() ({
          %run_scoped3A = tpu.sem_alloc : memref<!tpu.dma_semaphore, #tpu.memory_space<semaphore_mem>>
          %dma_start3A = arith.constant 9984 : i32
          %dma_start3A_38 = arith.constant 0 : i32
          %dma_start3A_39 = tpu.memref_slice %arg4[%dma_start3A, %dma_start3A_38] : memref<10000x16xf32, #tpu.memory_space<hbm>> -> memref<16x16xf32, #tpu.memory_space<hbm>>
          %dma_start3A_40 = arith.constant 9984 : i32
          %dma_start3A_41 = arith.constant 0 : i32
          %dma_start3A_42 = tpu.memref_slice %arg7[%dma_start3A_40, %dma_start3A_41] : memref<10000x16xf32, #tpu.memory_space<vmem_shared>> -> memref<16x16xf32, #tpu.memory_space<vmem_shared>>
          tpu.enqueue_dma source(%dma_start3A_42 : memref<16x16xf32, #tpu.memory_space<vmem_shared>>) target(%dma_start3A_39 : memref<16x16xf32, #tpu.memory_space<hbm>>) target_semaphore(%run_scoped3A : memref<!tpu.dma_semaphore, #tpu.memory_space<semaphore_mem>>)
          %dma_wait3A = arith.constant 9984 : i32
          %dma_wait3A_43 = arith.constant 0 : i32
          %dma_wait3A_44 = tpu.memref_slice %arg4[%dma_wait3A, %dma_wait3A_43] : memref<10000x16xf32, #tpu.memory_space<hbm>> -> memref<16x16xf32, #tpu.memory_space<hbm>>
          %dma_wait3A_45 = arith.constant 9984 : i32
          %dma_wait3A_46 = arith.constant 0 : i32
          %dma_wait3A_47 = tpu.memref_slice %arg7[%dma_wait3A_45, %dma_wait3A_46] : memref<10000x16xf32, #tpu.memory_space<vmem_shared>> -> memref<16x16xf32, #tpu.memory_space<vmem_shared>>
          tpu.wait_dma2 semaphore(%run_scoped3A : memref<!tpu.dma_semaphore, #tpu.memory_space<semaphore_mem>>) src(%dma_wait3A_47 : memref<16x16xf32, #tpu.memory_space<vmem_shared>>) dst(%dma_wait3A_44 : memref<16x16xf32, #tpu.memory_space<hbm>>)
          tpu.yield
        }) : () -> ()
      } else {
      }
    } else {
    }
    return
  }
}

#map = affine_map<(d0, d1) -> (0)>
#map1 = affine_map<(d0, d1) -> (0, 0)>
module attributes {stable_mosaic.version = 14 : i64} {
  func.func @agg_kernel(%arg0: i32, %arg1: i32, %arg2: memref<320000xi32, #tpu.memory_space<hbm>>, %arg3: memref<160000xi32, #tpu.memory_space<hbm>>, %arg4: memref<20000x128xf32, #tpu.memory_space<hbm>>, %arg5: memref<10000x128xf32, #tpu.memory_space<hbm>>, %arg6: memref<20000x128xf32, #tpu.memory_space<hbm>>, %arg7: memref<80xi32, #tpu.memory_space<vmem>>, %arg8: memref<80xi32, #tpu.memory_space<vmem>>, %arg9: memref<80xi32, #tpu.memory_space<vmem>>, %arg10: memref<80xi32, #tpu.memory_space<vmem>>, %arg11: memref<80x128xf32, #tpu.memory_space<vmem>>, %arg12: memref<80x128xf32, #tpu.memory_space<vmem>>, %arg13: memref<10000x128xf32, #tpu.memory_space<vmem_shared>>, %arg14: memref<!tpu.dma_semaphore, #tpu.memory_space<semaphore_mem>>, %arg15: memref<!tpu.dma_semaphore, #tpu.memory_space<semaphore_mem>>) attributes {dimension_semantics = [#tpu.dimension_semantics<core_parallel>, #tpu.dimension_semantics<subcore_parallel>], iteration_bounds = array<i64: 2, 16>, scalar_prefetch = 0 : i64, scratch_operands = 9 : i64, tpu.core_type = #tpu.core_type<sc_vector_subcore>, window_params = [{transform_indices = #map}, {transform_indices = #map}, {transform_indices = #map1}, {transform_indices = #map1}, {transform_indices = #map1}]} {
    %mul3A = arith.constant 10000 : i32
    %mul3A_0 = arith.muli %arg0, %mul3A : i32
    %mul3A_1 = arith.constant 624 : i32
    %mul3A_2 = arith.muli %arg1, %mul3A_1 : i32
    %add3A = arith.constant 0 : i32
    %add3A_3 = arith.addi %add3A, %mul3A_2 : i32
    %mul3A_4 = arith.constant 624 : i32
    %mul3A_5 = arith.muli %arg1, %mul3A_4 : i32
    %add3A_6 = arith.constant 0 : i32
    %add3A_7 = arith.addi %add3A_6, %mul3A_5 : i32
    "tpu.region"() ({
      %run_scoped3A = tpu.sem_alloc : memref<!tpu.dma_semaphore, #tpu.memory_space<semaphore_mem>>
      %dma_start3A_43 = arith.constant 0 : i32
      %dma_start3A_44 = tpu.memref_slice %arg13[%add3A_7, %dma_start3A_43] : memref<10000x128xf32, #tpu.memory_space<vmem_shared>> -> memref<624x128xf32, #tpu.memory_space<vmem_shared>>
      %dma_start3A_45 = arith.constant 0 : i32
      %dma_start3A_46 = tpu.memref_slice %arg5[%add3A_3, %dma_start3A_45] : memref<10000x128xf32, #tpu.memory_space<hbm>> -> memref<624x128xf32, #tpu.memory_space<hbm>>
      tpu.enqueue_dma source(%dma_start3A_46 : memref<624x128xf32, #tpu.memory_space<hbm>>) target(%dma_start3A_44 : memref<624x128xf32, #tpu.memory_space<vmem_shared>>) target_semaphore(%run_scoped3A : memref<!tpu.dma_semaphore, #tpu.memory_space<semaphore_mem>>)
      %dma_wait3A_47 = arith.constant 0 : i32
      %dma_wait3A_48 = tpu.memref_slice %arg13[%add3A_7, %dma_wait3A_47] : memref<10000x128xf32, #tpu.memory_space<vmem_shared>> -> memref<624x128xf32, #tpu.memory_space<vmem_shared>>
      %dma_wait3A_49 = arith.constant 0 : i32
      %dma_wait3A_50 = tpu.memref_slice %arg5[%add3A_3, %dma_wait3A_49] : memref<10000x128xf32, #tpu.memory_space<hbm>> -> memref<624x128xf32, #tpu.memory_space<hbm>>
      tpu.wait_dma2 semaphore(%run_scoped3A : memref<!tpu.dma_semaphore, #tpu.memory_space<semaphore_mem>>) src(%dma_wait3A_50 : memref<624x128xf32, #tpu.memory_space<hbm>>) dst(%dma_wait3A_48 : memref<624x128xf32, #tpu.memory_space<vmem_shared>>)
      tpu.yield
    }) : () -> ()
    %eq3A = arith.constant 15 : i32
    %eq3A_8 = arith.cmpi eq, %arg1, %eq3A : i32
    %convert_element_type3A = arith.extui %eq3A_8 : i1 to i32
    %cond3A = arith.constant 0 : i32
    %cond3A_9 = arith.cmpi ne, %convert_element_type3A, %cond3A : i32
    scf.if %cond3A_9 {
      "tpu.region"() ({
        %run_scoped3A = tpu.sem_alloc : memref<!tpu.dma_semaphore, #tpu.memory_space<semaphore_mem>>
        %dma_start3A_43 = arith.constant 9984 : i32
        %dma_start3A_44 = arith.constant 0 : i32
        %dma_start3A_45 = tpu.memref_slice %arg13[%dma_start3A_43, %dma_start3A_44] : memref<10000x128xf32, #tpu.memory_space<vmem_shared>> -> memref<16x128xf32, #tpu.memory_space<vmem_shared>>
        %dma_start3A_46 = arith.constant 9984 : i32
        %dma_start3A_47 = arith.constant 0 : i32
        %dma_start3A_48 = tpu.memref_slice %arg5[%dma_start3A_46, %dma_start3A_47] : memref<10000x128xf32, #tpu.memory_space<hbm>> -> memref<16x128xf32, #tpu.memory_space<hbm>>
        tpu.enqueue_dma source(%dma_start3A_48 : memref<16x128xf32, #tpu.memory_space<hbm>>) target(%dma_start3A_45 : memref<16x128xf32, #tpu.memory_space<vmem_shared>>) target_semaphore(%run_scoped3A : memref<!tpu.dma_semaphore, #tpu.memory_space<semaphore_mem>>)
        %dma_wait3A_49 = arith.constant 9984 : i32
        %dma_wait3A_50 = arith.constant 0 : i32
        %dma_wait3A_51 = tpu.memref_slice %arg13[%dma_wait3A_49, %dma_wait3A_50] : memref<10000x128xf32, #tpu.memory_space<vmem_shared>> -> memref<16x128xf32, #tpu.memory_space<vmem_shared>>
        %dma_wait3A_52 = arith.constant 9984 : i32
        %dma_wait3A_53 = arith.constant 0 : i32
        %dma_wait3A_54 = tpu.memref_slice %arg5[%dma_wait3A_52, %dma_wait3A_53] : memref<10000x128xf32, #tpu.memory_space<hbm>> -> memref<16x128xf32, #tpu.memory_space<hbm>>
        tpu.wait_dma2 semaphore(%run_scoped3A : memref<!tpu.dma_semaphore, #tpu.memory_space<semaphore_mem>>) src(%dma_wait3A_54 : memref<16x128xf32, #tpu.memory_space<hbm>>) dst(%dma_wait3A_51 : memref<16x128xf32, #tpu.memory_space<vmem_shared>>)
        tpu.yield
      }) : () -> ()
    } else {
    }
    %barrier3A = arith.constant 0 : index
    tpu.barrier barrier_id(%barrier3A)
    %mul3A_10 = arith.constant 16 : i32
    %mul3A_11 = arith.muli %arg0, %mul3A_10 : i32
    %add3A_12 = arith.addi %mul3A_11, %arg1 : i32
    %mul3A_13 = arith.constant 10000 : i32
    %mul3A_14 = arith.muli %add3A_12, %mul3A_13 : i32
    %add3A_15 = arith.constant 0 : i32
    %add3A_16 = arith.addi %mul3A_14, %add3A_15 : i32
    "tpu.region"() ({
      %run_scoped3A = tpu.sem_alloc : memref<!tpu.dma_semaphore, #tpu.memory_space<semaphore_mem>>
      %dma_start3A_43 = tpu.memref_slice %arg2[%add3A_16] : memref<320000xi32, #tpu.memory_space<hbm>> -> memref<80xi32, #tpu.memory_space<hbm>>
      %dma_start3A_44 = tpu.memref_slice %arg2[%add3A_16] : memref<320000xi32, #tpu.memory_space<hbm>> -> memref<80xi32, #tpu.memory_space<hbm>>
      tpu.enqueue_dma source(%dma_start3A_44 : memref<80xi32, #tpu.memory_space<hbm>>) target(%arg7 : memref<80xi32, #tpu.memory_space<vmem>>) target_semaphore(%run_scoped3A : memref<!tpu.dma_semaphore, #tpu.memory_space<semaphore_mem>>)
      %dma_wait3A_45 = tpu.memref_slice %arg2[%add3A_16] : memref<320000xi32, #tpu.memory_space<hbm>> -> memref<80xi32, #tpu.memory_space<hbm>>
      %dma_wait3A_46 = tpu.memref_slice %arg2[%add3A_16] : memref<320000xi32, #tpu.memory_space<hbm>> -> memref<80xi32, #tpu.memory_space<hbm>>
      tpu.wait_dma2 semaphore(%run_scoped3A : memref<!tpu.dma_semaphore, #tpu.memory_space<semaphore_mem>>) src(%dma_wait3A_46 : memref<80xi32, #tpu.memory_space<hbm>>) dst(%arg7 : memref<80xi32, #tpu.memory_space<vmem>>)
      tpu.yield
    }) : () -> ()
    %dma_start3A = arith.constant 0 : i32
    %dma_start3A_17 = arith.constant 0 : i32
    %dma_start3A_18 = tpu.memref_slice %arg4[%dma_start3A, %dma_start3A_17] : memref<20000x128xf32, #tpu.memory_space<hbm>> -> memref<20000x128xf32, #tpu.memory_space<hbm>>
    tpu.enqueue_indirect_dma source(%dma_start3A_18 : memref<20000x128xf32, #tpu.memory_space<hbm>>) target(%arg11 : memref<80x128xf32, #tpu.memory_space<vmem>>) offsets(%arg7 : memref<80xi32, #tpu.memory_space<vmem>>) semaphore(%arg14 : memref<!tpu.dma_semaphore, #tpu.memory_space<semaphore_mem>>)
    %dma_wait3A = arith.constant 0 : i32
    %dma_wait3A_19 = arith.constant 0 : i32
    %dma_wait3A_20 = tpu.memref_slice %arg4[%dma_wait3A, %dma_wait3A_19] : memref<20000x128xf32, #tpu.memory_space<hbm>> -> memref<20000x128xf32, #tpu.memory_space<hbm>>
    tpu.wait_indirect_dma semaphore(%arg14 : memref<!tpu.dma_semaphore, #tpu.memory_space<semaphore_mem>>) src(%dma_wait3A_20 : memref<20000x128xf32, #tpu.memory_space<hbm>>) dst(%arg11 : memref<80x128xf32, #tpu.memory_space<vmem>>)
    %mul3A_21 = arith.constant 10000 : i32
    %mul3A_22 = arith.muli %arg1, %mul3A_21 : i32
    %add3A_23 = arith.constant 0 : i32
    %add3A_24 = arith.addi %mul3A_22, %add3A_23 : i32
    "tpu.region"() ({
      %run_scoped3A = tpu.sem_alloc : memref<!tpu.dma_semaphore, #tpu.memory_space<semaphore_mem>>
      %dma_start3A_43 = tpu.memref_slice %arg3[%add3A_24] : memref<160000xi32, #tpu.memory_space<hbm>> -> memref<80xi32, #tpu.memory_space<hbm>>
      %dma_start3A_44 = tpu.memref_slice %arg3[%add3A_24] : memref<160000xi32, #tpu.memory_space<hbm>> -> memref<80xi32, #tpu.memory_space<hbm>>
      tpu.enqueue_dma source(%dma_start3A_44 : memref<80xi32, #tpu.memory_space<hbm>>) target(%arg9 : memref<80xi32, #tpu.memory_space<vmem>>) target_semaphore(%run_scoped3A : memref<!tpu.dma_semaphore, #tpu.memory_space<semaphore_mem>>)
      %dma_wait3A_45 = tpu.memref_slice %arg3[%add3A_24] : memref<160000xi32, #tpu.memory_space<hbm>> -> memref<80xi32, #tpu.memory_space<hbm>>
      %dma_wait3A_46 = tpu.memref_slice %arg3[%add3A_24] : memref<160000xi32, #tpu.memory_space<hbm>> -> memref<80xi32, #tpu.memory_space<hbm>>
      tpu.wait_dma2 semaphore(%run_scoped3A : memref<!tpu.dma_semaphore, #tpu.memory_space<semaphore_mem>>) src(%dma_wait3A_46 : memref<80xi32, #tpu.memory_space<hbm>>) dst(%arg9 : memref<80xi32, #tpu.memory_space<vmem>>)
      tpu.yield
    }) : () -> ()
    %scan3A = arith.constant 0 : i32
    %scan3A_25 = arith.constant 0 : i32
    %scan3A_26 = arith.constant 62 : i32
    %scan3A_27 = arith.addi %scan3A_25, %scan3A_26 : i32
    %scan3A_28 = arith.constant 1 : i32
    scf.for %scan3A_43 = %scan3A_25 to %scan3A_27 step %scan3A_28  : i32 {
      %mul3A_44 = arith.constant 2 : i32
      %mul3A_45 = arith.muli %mul3A_44, %scan3A_43 : i32
      %add3A_46 = arith.constant 1 : i32
      %add3A_47 = arith.addi %mul3A_45, %add3A_46 : i32
      %mul3A_48 = arith.constant 16 : i32
      %mul3A_49 = arith.muli %arg0, %mul3A_48 : i32
      %add3A_50 = arith.addi %mul3A_49, %arg1 : i32
      %mul3A_51 = arith.constant 10000 : i32
      %mul3A_52 = arith.muli %add3A_50, %mul3A_51 : i32
      %mul3A_53 = arith.constant 80 : i32
      %mul3A_54 = arith.muli %add3A_47, %mul3A_53 : i32
      %add3A_55 = arith.addi %mul3A_52, %mul3A_54 : i32
      "tpu.region"() ({
        %run_scoped3A = tpu.sem_alloc : memref<!tpu.dma_semaphore, #tpu.memory_space<semaphore_mem>>
        %dma_start3A_92 = tpu.memref_slice %arg2[%add3A_55] : memref<320000xi32, #tpu.memory_space<hbm>> -> memref<80xi32, #tpu.memory_space<hbm>>
        %dma_start3A_93 = tpu.memref_slice %arg2[%add3A_55] : memref<320000xi32, #tpu.memory_space<hbm>> -> memref<80xi32, #tpu.memory_space<hbm>>
        tpu.enqueue_dma source(%dma_start3A_93 : memref<80xi32, #tpu.memory_space<hbm>>) target(%arg8 : memref<80xi32, #tpu.memory_space<vmem>>) target_semaphore(%run_scoped3A : memref<!tpu.dma_semaphore, #tpu.memory_space<semaphore_mem>>)
        %dma_wait3A_94 = tpu.memref_slice %arg2[%add3A_55] : memref<320000xi32, #tpu.memory_space<hbm>> -> memref<80xi32, #tpu.memory_space<hbm>>
        %dma_wait3A_95 = tpu.memref_slice %arg2[%add3A_55] : memref<320000xi32, #tpu.memory_space<hbm>> -> memref<80xi32, #tpu.memory_space<hbm>>
        tpu.wait_dma2 semaphore(%run_scoped3A : memref<!tpu.dma_semaphore, #tpu.memory_space<semaphore_mem>>) src(%dma_wait3A_95 : memref<80xi32, #tpu.memory_space<hbm>>) dst(%arg8 : memref<80xi32, #tpu.memory_space<vmem>>)
        tpu.yield
      }) : () -> ()
      %dma_start3A_56 = arith.constant 0 : i32
      %dma_start3A_57 = arith.constant 0 : i32
      %dma_start3A_58 = tpu.memref_slice %arg4[%dma_start3A_56, %dma_start3A_57] : memref<20000x128xf32, #tpu.memory_space<hbm>> -> memref<20000x128xf32, #tpu.memory_space<hbm>>
      tpu.enqueue_indirect_dma source(%dma_start3A_58 : memref<20000x128xf32, #tpu.memory_space<hbm>>) target(%arg12 : memref<80x128xf32, #tpu.memory_space<vmem>>) offsets(%arg8 : memref<80xi32, #tpu.memory_space<vmem>>) semaphore(%arg15 : memref<!tpu.dma_semaphore, #tpu.memory_space<semaphore_mem>>)
      %add3A_59 = arith.constant 1 : i32
      %add3A_60 = arith.addi %mul3A_45, %add3A_59 : i32
      %mul3A_61 = arith.constant 10000 : i32
      %mul3A_62 = arith.muli %arg1, %mul3A_61 : i32
      %mul3A_63 = arith.constant 80 : i32
      %mul3A_64 = arith.muli %add3A_60, %mul3A_63 : i32
      %add3A_65 = arith.addi %mul3A_62, %mul3A_64 : i32
      "tpu.region"() ({
        %run_scoped3A = tpu.sem_alloc : memref<!tpu.dma_semaphore, #tpu.memory_space<semaphore_mem>>
        %dma_start3A_92 = tpu.memref_slice %arg3[%add3A_65] : memref<160000xi32, #tpu.memory_space<hbm>> -> memref<80xi32, #tpu.memory_space<hbm>>
        %dma_start3A_93 = tpu.memref_slice %arg3[%add3A_65] : memref<160000xi32, #tpu.memory_space<hbm>> -> memref<80xi32, #tpu.memory_space<hbm>>
        tpu.enqueue_dma source(%dma_start3A_93 : memref<80xi32, #tpu.memory_space<hbm>>) target(%arg10 : memref<80xi32, #tpu.memory_space<vmem>>) target_semaphore(%run_scoped3A : memref<!tpu.dma_semaphore, #tpu.memory_space<semaphore_mem>>)
        %dma_wait3A_94 = tpu.memref_slice %arg3[%add3A_65] : memref<160000xi32, #tpu.memory_space<hbm>> -> memref<80xi32, #tpu.memory_space<hbm>>
        %dma_wait3A_95 = tpu.memref_slice %arg3[%add3A_65] : memref<160000xi32, #tpu.memory_space<hbm>> -> memref<80xi32, #tpu.memory_space<hbm>>
        tpu.wait_dma2 semaphore(%run_scoped3A : memref<!tpu.dma_semaphore, #tpu.memory_space<semaphore_mem>>) src(%dma_wait3A_95 : memref<80xi32, #tpu.memory_space<hbm>>) dst(%arg10 : memref<80xi32, #tpu.memory_space<vmem>>)
        tpu.yield
      }) : () -> ()
      "tpu.region"() ({
        %run_scoped3A = tpu.sem_alloc : memref<!tpu.dma_semaphore, #tpu.memory_space<semaphore_mem>>
        %dma_start3A_92 = arith.constant 0 : i32
        %dma_start3A_93 = arith.constant 0 : i32
        %dma_start3A_94 = tpu.memref_slice %arg13[%dma_start3A_92, %dma_start3A_93] : memref<10000x128xf32, #tpu.memory_space<vmem_shared>> -> memref<10000x128xf32, #tpu.memory_space<vmem_shared>>
        tpu.enqueue_indirect_dma source(%arg11 : memref<80x128xf32, #tpu.memory_space<vmem>>) target(%dma_start3A_94 : memref<10000x128xf32, #tpu.memory_space<vmem_shared>>) offsets(%arg9 : memref<80xi32, #tpu.memory_space<vmem>>) semaphore(%run_scoped3A : memref<!tpu.dma_semaphore, #tpu.memory_space<semaphore_mem>>) {add = true}
        %dma_wait3A_95 = arith.constant 0 : i32
        %dma_wait3A_96 = arith.constant 0 : i32
        %dma_wait3A_97 = tpu.memref_slice %arg13[%dma_wait3A_95, %dma_wait3A_96] : memref<10000x128xf32, #tpu.memory_space<vmem_shared>> -> memref<10000x128xf32, #tpu.memory_space<vmem_shared>>
        tpu.wait_indirect_dma semaphore(%run_scoped3A : memref<!tpu.dma_semaphore, #tpu.memory_space<semaphore_mem>>) src(%arg11 : memref<80x128xf32, #tpu.memory_space<vmem>>) dst(%dma_wait3A_97 : memref<10000x128xf32, #tpu.memory_space<vmem_shared>>)
        tpu.yield
      }) : () -> ()
      %dma_wait3A_66 = arith.constant 0 : i32
      %dma_wait3A_67 = arith.constant 0 : i32
      %dma_wait3A_68 = tpu.memref_slice %arg4[%dma_wait3A_66, %dma_wait3A_67] : memref<20000x128xf32, #tpu.memory_space<hbm>> -> memref<20000x128xf32, #tpu.memory_space<hbm>>
      tpu.wait_indirect_dma semaphore(%arg15 : memref<!tpu.dma_semaphore, #tpu.memory_space<semaphore_mem>>) src(%dma_wait3A_68 : memref<20000x128xf32, #tpu.memory_space<hbm>>) dst(%arg12 : memref<80x128xf32, #tpu.memory_space<vmem>>)
      %add3A_69 = arith.constant 2 : i32
      %add3A_70 = arith.addi %mul3A_45, %add3A_69 : i32
      %mul3A_71 = arith.constant 16 : i32
      %mul3A_72 = arith.muli %arg0, %mul3A_71 : i32
      %add3A_73 = arith.addi %mul3A_72, %arg1 : i32
      %mul3A_74 = arith.constant 10000 : i32
      %mul3A_75 = arith.muli %add3A_73, %mul3A_74 : i32
      %mul3A_76 = arith.constant 80 : i32
      %mul3A_77 = arith.muli %add3A_70, %mul3A_76 : i32
      %add3A_78 = arith.addi %mul3A_75, %mul3A_77 : i32
      "tpu.region"() ({
        %run_scoped3A = tpu.sem_alloc : memref<!tpu.dma_semaphore, #tpu.memory_space<semaphore_mem>>
        %dma_start3A_92 = tpu.memref_slice %arg2[%add3A_78] : memref<320000xi32, #tpu.memory_space<hbm>> -> memref<80xi32, #tpu.memory_space<hbm>>
        %dma_start3A_93 = tpu.memref_slice %arg2[%add3A_78] : memref<320000xi32, #tpu.memory_space<hbm>> -> memref<80xi32, #tpu.memory_space<hbm>>
        tpu.enqueue_dma source(%dma_start3A_93 : memref<80xi32, #tpu.memory_space<hbm>>) target(%arg7 : memref<80xi32, #tpu.memory_space<vmem>>) target_semaphore(%run_scoped3A : memref<!tpu.dma_semaphore, #tpu.memory_space<semaphore_mem>>)
        %dma_wait3A_94 = tpu.memref_slice %arg2[%add3A_78] : memref<320000xi32, #tpu.memory_space<hbm>> -> memref<80xi32, #tpu.memory_space<hbm>>
        %dma_wait3A_95 = tpu.memref_slice %arg2[%add3A_78] : memref<320000xi32, #tpu.memory_space<hbm>> -> memref<80xi32, #tpu.memory_space<hbm>>
        tpu.wait_dma2 semaphore(%run_scoped3A : memref<!tpu.dma_semaphore, #tpu.memory_space<semaphore_mem>>) src(%dma_wait3A_95 : memref<80xi32, #tpu.memory_space<hbm>>) dst(%arg7 : memref<80xi32, #tpu.memory_space<vmem>>)
        tpu.yield
      }) : () -> ()
      %dma_start3A_79 = arith.constant 0 : i32
      %dma_start3A_80 = arith.constant 0 : i32
      %dma_start3A_81 = tpu.memref_slice %arg4[%dma_start3A_79, %dma_start3A_80] : memref<20000x128xf32, #tpu.memory_space<hbm>> -> memref<20000x128xf32, #tpu.memory_space<hbm>>
      tpu.enqueue_indirect_dma source(%dma_start3A_81 : memref<20000x128xf32, #tpu.memory_space<hbm>>) target(%arg11 : memref<80x128xf32, #tpu.memory_space<vmem>>) offsets(%arg7 : memref<80xi32, #tpu.memory_space<vmem>>) semaphore(%arg14 : memref<!tpu.dma_semaphore, #tpu.memory_space<semaphore_mem>>)
      %add3A_82 = arith.constant 2 : i32
      %add3A_83 = arith.addi %mul3A_45, %add3A_82 : i32
      %mul3A_84 = arith.constant 10000 : i32
      %mul3A_85 = arith.muli %arg1, %mul3A_84 : i32
      %mul3A_86 = arith.constant 80 : i32
      %mul3A_87 = arith.muli %add3A_83, %mul3A_86 : i32
      %add3A_88 = arith.addi %mul3A_85, %mul3A_87 : i32
      "tpu.region"() ({
        %run_scoped3A = tpu.sem_alloc : memref<!tpu.dma_semaphore, #tpu.memory_space<semaphore_mem>>
        %dma_start3A_92 = tpu.memref_slice %arg3[%add3A_88] : memref<160000xi32, #tpu.memory_space<hbm>> -> memref<80xi32, #tpu.memory_space<hbm>>
        %dma_start3A_93 = tpu.memref_slice %arg3[%add3A_88] : memref<160000xi32, #tpu.memory_space<hbm>> -> memref<80xi32, #tpu.memory_space<hbm>>
        tpu.enqueue_dma source(%dma_start3A_93 : memref<80xi32, #tpu.memory_space<hbm>>) target(%arg9 : memref<80xi32, #tpu.memory_space<vmem>>) target_semaphore(%run_scoped3A : memref<!tpu.dma_semaphore, #tpu.memory_space<semaphore_mem>>)
        %dma_wait3A_94 = tpu.memref_slice %arg3[%add3A_88] : memref<160000xi32, #tpu.memory_space<hbm>> -> memref<80xi32, #tpu.memory_space<hbm>>
        %dma_wait3A_95 = tpu.memref_slice %arg3[%add3A_88] : memref<160000xi32, #tpu.memory_space<hbm>> -> memref<80xi32, #tpu.memory_space<hbm>>
        tpu.wait_dma2 semaphore(%run_scoped3A : memref<!tpu.dma_semaphore, #tpu.memory_space<semaphore_mem>>) src(%dma_wait3A_95 : memref<80xi32, #tpu.memory_space<hbm>>) dst(%arg9 : memref<80xi32, #tpu.memory_space<vmem>>)
        tpu.yield
      }) : () -> ()
      "tpu.region"() ({
        %run_scoped3A = tpu.sem_alloc : memref<!tpu.dma_semaphore, #tpu.memory_space<semaphore_mem>>
        %dma_start3A_92 = arith.constant 0 : i32
        %dma_start3A_93 = arith.constant 0 : i32
        %dma_start3A_94 = tpu.memref_slice %arg13[%dma_start3A_92, %dma_start3A_93] : memref<10000x128xf32, #tpu.memory_space<vmem_shared>> -> memref<10000x128xf32, #tpu.memory_space<vmem_shared>>
        tpu.enqueue_indirect_dma source(%arg12 : memref<80x128xf32, #tpu.memory_space<vmem>>) target(%dma_start3A_94 : memref<10000x128xf32, #tpu.memory_space<vmem_shared>>) offsets(%arg10 : memref<80xi32, #tpu.memory_space<vmem>>) semaphore(%run_scoped3A : memref<!tpu.dma_semaphore, #tpu.memory_space<semaphore_mem>>) {add = true}
        %dma_wait3A_95 = arith.constant 0 : i32
        %dma_wait3A_96 = arith.constant 0 : i32
        %dma_wait3A_97 = tpu.memref_slice %arg13[%dma_wait3A_95, %dma_wait3A_96] : memref<10000x128xf32, #tpu.memory_space<vmem_shared>> -> memref<10000x128xf32, #tpu.memory_space<vmem_shared>>
        tpu.wait_indirect_dma semaphore(%run_scoped3A : memref<!tpu.dma_semaphore, #tpu.memory_space<semaphore_mem>>) src(%arg12 : memref<80x128xf32, #tpu.memory_space<vmem>>) dst(%dma_wait3A_97 : memref<10000x128xf32, #tpu.memory_space<vmem_shared>>)
        tpu.yield
      }) : () -> ()
      %dma_wait3A_89 = arith.constant 0 : i32
      %dma_wait3A_90 = arith.constant 0 : i32
      %dma_wait3A_91 = tpu.memref_slice %arg4[%dma_wait3A_89, %dma_wait3A_90] : memref<20000x128xf32, #tpu.memory_space<hbm>> -> memref<20000x128xf32, #tpu.memory_space<hbm>>
      tpu.wait_indirect_dma semaphore(%arg14 : memref<!tpu.dma_semaphore, #tpu.memory_space<semaphore_mem>>) src(%dma_wait3A_91 : memref<20000x128xf32, #tpu.memory_space<hbm>>) dst(%arg11 : memref<80x128xf32, #tpu.memory_space<vmem>>)
    }
    %scan3A_29 = arith.constant 62 : i32
    "tpu.region"() ({
      %run_scoped3A = tpu.sem_alloc : memref<!tpu.dma_semaphore, #tpu.memory_space<semaphore_mem>>
      %dma_start3A_43 = arith.constant 0 : i32
      %dma_start3A_44 = arith.constant 0 : i32
      %dma_start3A_45 = tpu.memref_slice %arg13[%dma_start3A_43, %dma_start3A_44] : memref<10000x128xf32, #tpu.memory_space<vmem_shared>> -> memref<10000x128xf32, #tpu.memory_space<vmem_shared>>
      tpu.enqueue_indirect_dma source(%arg11 : memref<80x128xf32, #tpu.memory_space<vmem>>) target(%dma_start3A_45 : memref<10000x128xf32, #tpu.memory_space<vmem_shared>>) offsets(%arg9 : memref<80xi32, #tpu.memory_space<vmem>>) semaphore(%run_scoped3A : memref<!tpu.dma_semaphore, #tpu.memory_space<semaphore_mem>>) {add = true}
      %dma_wait3A_46 = arith.constant 0 : i32
      %dma_wait3A_47 = arith.constant 0 : i32
      %dma_wait3A_48 = tpu.memref_slice %arg13[%dma_wait3A_46, %dma_wait3A_47] : memref<10000x128xf32, #tpu.memory_space<vmem_shared>> -> memref<10000x128xf32, #tpu.memory_space<vmem_shared>>
      tpu.wait_indirect_dma semaphore(%run_scoped3A : memref<!tpu.dma_semaphore, #tpu.memory_space<semaphore_mem>>) src(%arg11 : memref<80x128xf32, #tpu.memory_space<vmem>>) dst(%dma_wait3A_48 : memref<10000x128xf32, #tpu.memory_space<vmem_shared>>)
      tpu.yield
    }) : () -> ()
    %barrier3A_30 = arith.constant 0 : index
    tpu.barrier barrier_id(%barrier3A_30)
    %mul3A_31 = arith.constant 624 : i32
    %mul3A_32 = arith.muli %arg1, %mul3A_31 : i32
    %add3A_33 = arith.constant 0 : i32
    %add3A_34 = arith.addi %add3A_33, %mul3A_32 : i32
    %mul3A_35 = arith.constant 624 : i32
    %mul3A_36 = arith.muli %arg1, %mul3A_35 : i32
    %add3A_37 = arith.addi %mul3A_0, %mul3A_36 : i32
    "tpu.region"() ({
      %run_scoped3A = tpu.sem_alloc : memref<!tpu.dma_semaphore, #tpu.memory_space<semaphore_mem>>
      %dma_start3A_43 = arith.constant 0 : i32
      %dma_start3A_44 = tpu.memref_slice %arg6[%add3A_37, %dma_start3A_43] : memref<20000x128xf32, #tpu.memory_space<hbm>> -> memref<624x128xf32, #tpu.memory_space<hbm>>
      %dma_start3A_45 = arith.constant 0 : i32
      %dma_start3A_46 = tpu.memref_slice %arg13[%add3A_34, %dma_start3A_45] : memref<10000x128xf32, #tpu.memory_space<vmem_shared>> -> memref<624x128xf32, #tpu.memory_space<vmem_shared>>
      tpu.enqueue_dma source(%dma_start3A_46 : memref<624x128xf32, #tpu.memory_space<vmem_shared>>) target(%dma_start3A_44 : memref<624x128xf32, #tpu.memory_space<hbm>>) target_semaphore(%run_scoped3A : memref<!tpu.dma_semaphore, #tpu.memory_space<semaphore_mem>>)
      %dma_wait3A_47 = arith.constant 0 : i32
      %dma_wait3A_48 = tpu.memref_slice %arg6[%add3A_37, %dma_wait3A_47] : memref<20000x128xf32, #tpu.memory_space<hbm>> -> memref<624x128xf32, #tpu.memory_space<hbm>>
      %dma_wait3A_49 = arith.constant 0 : i32
      %dma_wait3A_50 = tpu.memref_slice %arg13[%add3A_34, %dma_wait3A_49] : memref<10000x128xf32, #tpu.memory_space<vmem_shared>> -> memref<624x128xf32, #tpu.memory_space<vmem_shared>>
      tpu.wait_dma2 semaphore(%run_scoped3A : memref<!tpu.dma_semaphore, #tpu.memory_space<semaphore_mem>>) src(%dma_wait3A_50 : memref<624x128xf32, #tpu.memory_space<vmem_shared>>) dst(%dma_wait3A_48 : memref<624x128xf32, #tpu.memory_space<hbm>>)
      tpu.yield
    }) : () -> ()
    %eq3A_38 = arith.constant 15 : i32
    %eq3A_39 = arith.cmpi eq, %arg1, %eq3A_38 : i32
    %convert_element_type3A_40 = arith.extui %eq3A_39 : i1 to i32
    %cond3A_41 = arith.constant 0 : i32
    %cond3A_42 = arith.cmpi ne, %convert_element_type3A_40, %cond3A_41 : i32
    scf.if %cond3A_42 {
      %add3A_43 = arith.constant 9984 : i32
      %add3A_44 = arith.addi %mul3A_0, %add3A_43 : i32
      "tpu.region"() ({
        %run_scoped3A = tpu.sem_alloc : memref<!tpu.dma_semaphore, #tpu.memory_space<semaphore_mem>>
        %dma_start3A_45 = arith.constant 0 : i32
        %dma_start3A_46 = tpu.memref_slice %arg6[%add3A_44, %dma_start3A_45] : memref<20000x128xf32, #tpu.memory_space<hbm>> -> memref<16x128xf32, #tpu.memory_space<hbm>>
        %dma_start3A_47 = arith.constant 9984 : i32
        %dma_start3A_48 = arith.constant 0 : i32
        %dma_start3A_49 = tpu.memref_slice %arg13[%dma_start3A_47, %dma_start3A_48] : memref<10000x128xf32, #tpu.memory_space<vmem_shared>> -> memref<16x128xf32, #tpu.memory_space<vmem_shared>>
        tpu.enqueue_dma source(%dma_start3A_49 : memref<16x128xf32, #tpu.memory_space<vmem_shared>>) target(%dma_start3A_46 : memref<16x128xf32, #tpu.memory_space<hbm>>) target_semaphore(%run_scoped3A : memref<!tpu.dma_semaphore, #tpu.memory_space<semaphore_mem>>)
        %dma_wait3A_50 = arith.constant 0 : i32
        %dma_wait3A_51 = tpu.memref_slice %arg6[%add3A_44, %dma_wait3A_50] : memref<20000x128xf32, #tpu.memory_space<hbm>> -> memref<16x128xf32, #tpu.memory_space<hbm>>
        %dma_wait3A_52 = arith.constant 9984 : i32
        %dma_wait3A_53 = arith.constant 0 : i32
        %dma_wait3A_54 = tpu.memref_slice %arg13[%dma_wait3A_52, %dma_wait3A_53] : memref<10000x128xf32, #tpu.memory_space<vmem_shared>> -> memref<16x128xf32, #tpu.memory_space<vmem_shared>>
        tpu.wait_dma2 semaphore(%run_scoped3A : memref<!tpu.dma_semaphore, #tpu.memory_space<semaphore_mem>>) src(%dma_wait3A_54 : memref<16x128xf32, #tpu.memory_space<vmem_shared>>) dst(%dma_wait3A_51 : memref<16x128xf32, #tpu.memory_space<hbm>>)
        tpu.yield
      }) : () -> ()
    } else {
    }
    return
  }
}

#map = affine_map<(d0, d1) -> (0)>
#map1 = affine_map<(d0, d1) -> (0, 0)>
module attributes {stable_mosaic.version = 14 : i64} {
  func.func @agg_kernel(%arg0: i32, %arg1: i32, %arg2: memref<320000xi32, #tpu.memory_space<hbm>>, %arg3: memref<160000xi32, #tpu.memory_space<hbm>>, %arg4: memref<20000x128xf32, #tpu.memory_space<hbm>>, %arg5: memref<10000x128xf32, #tpu.memory_space<hbm>>, %arg6: memref<20000x128xf32, #tpu.memory_space<hbm>>, %arg7: memref<80xi32, #tpu.memory_space<vmem>>, %arg8: memref<80xi32, #tpu.memory_space<vmem>>, %arg9: memref<80xi32, #tpu.memory_space<vmem>>, %arg10: memref<80xi32, #tpu.memory_space<vmem>>, %arg11: memref<80x128xf32, #tpu.memory_space<vmem>>, %arg12: memref<80x128xf32, #tpu.memory_space<vmem>>, %arg13: memref<10000x128xf32, #tpu.memory_space<vmem_shared>>, %arg14: memref<!tpu.dma_semaphore, #tpu.memory_space<semaphore_mem>>, %arg15: memref<!tpu.dma_semaphore, #tpu.memory_space<semaphore_mem>>) attributes {dimension_semantics = [#tpu.dimension_semantics<core_parallel>, #tpu.dimension_semantics<subcore_parallel>], iteration_bounds = array<i64: 2, 16>, scalar_prefetch = 0 : i64, scratch_operands = 9 : i64, tpu.core_type = #tpu.core_type<sc_vector_subcore>, window_params = [{transform_indices = #map}, {transform_indices = #map}, {transform_indices = #map1}, {transform_indices = #map1}, {transform_indices = #map1}]} {
    %mul3A = arith.constant 10000 : i32
    %mul3A_0 = arith.muli %arg0, %mul3A : i32
    %mul3A_1 = arith.constant 624 : i32
    %mul3A_2 = arith.muli %arg1, %mul3A_1 : i32
    %add3A = arith.constant 0 : i32
    %add3A_3 = arith.addi %add3A, %mul3A_2 : i32
    %mul3A_4 = arith.constant 624 : i32
    %mul3A_5 = arith.muli %arg1, %mul3A_4 : i32
    %add3A_6 = arith.constant 0 : i32
    %add3A_7 = arith.addi %add3A_6, %mul3A_5 : i32
    "tpu.region"() ({
      %run_scoped3A = tpu.sem_alloc : memref<!tpu.dma_semaphore, #tpu.memory_space<semaphore_mem>>
      %dma_start3A_43 = arith.constant 0 : i32
      %dma_start3A_44 = tpu.memref_slice %arg13[%add3A_7, %dma_start3A_43] : memref<10000x128xf32, #tpu.memory_space<vmem_shared>> -> memref<624x128xf32, #tpu.memory_space<vmem_shared>>
      %dma_start3A_45 = arith.constant 0 : i32
      %dma_start3A_46 = tpu.memref_slice %arg5[%add3A_3, %dma_start3A_45] : memref<10000x128xf32, #tpu.memory_space<hbm>> -> memref<624x128xf32, #tpu.memory_space<hbm>>
      tpu.enqueue_dma source(%dma_start3A_46 : memref<624x128xf32, #tpu.memory_space<hbm>>) target(%dma_start3A_44 : memref<624x128xf32, #tpu.memory_space<vmem_shared>>) target_semaphore(%run_scoped3A : memref<!tpu.dma_semaphore, #tpu.memory_space<semaphore_mem>>)
      %dma_wait3A_47 = arith.constant 0 : i32
      %dma_wait3A_48 = tpu.memref_slice %arg13[%add3A_7, %dma_wait3A_47] : memref<10000x128xf32, #tpu.memory_space<vmem_shared>> -> memref<624x128xf32, #tpu.memory_space<vmem_shared>>
      %dma_wait3A_49 = arith.constant 0 : i32
      %dma_wait3A_50 = tpu.memref_slice %arg5[%add3A_3, %dma_wait3A_49] : memref<10000x128xf32, #tpu.memory_space<hbm>> -> memref<624x128xf32, #tpu.memory_space<hbm>>
      tpu.wait_dma2 semaphore(%run_scoped3A : memref<!tpu.dma_semaphore, #tpu.memory_space<semaphore_mem>>) src(%dma_wait3A_50 : memref<624x128xf32, #tpu.memory_space<hbm>>) dst(%dma_wait3A_48 : memref<624x128xf32, #tpu.memory_space<vmem_shared>>)
      tpu.yield
    }) : () -> ()
    %eq3A = arith.constant 15 : i32
    %eq3A_8 = arith.cmpi eq, %arg1, %eq3A : i32
    %convert_element_type3A = arith.extui %eq3A_8 : i1 to i32
    %cond3A = arith.constant 0 : i32
    %cond3A_9 = arith.cmpi ne, %convert_element_type3A, %cond3A : i32
    scf.if %cond3A_9 {
      "tpu.region"() ({
        %run_scoped3A = tpu.sem_alloc : memref<!tpu.dma_semaphore, #tpu.memory_space<semaphore_mem>>
        %dma_start3A_43 = arith.constant 9984 : i32
        %dma_start3A_44 = arith.constant 0 : i32
        %dma_start3A_45 = tpu.memref_slice %arg13[%dma_start3A_43, %dma_start3A_44] : memref<10000x128xf32, #tpu.memory_space<vmem_shared>> -> memref<16x128xf32, #tpu.memory_space<vmem_shared>>
        %dma_start3A_46 = arith.constant 9984 : i32
        %dma_start3A_47 = arith.constant 0 : i32
        %dma_start3A_48 = tpu.memref_slice %arg5[%dma_start3A_46, %dma_start3A_47] : memref<10000x128xf32, #tpu.memory_space<hbm>> -> memref<16x128xf32, #tpu.memory_space<hbm>>
        tpu.enqueue_dma source(%dma_start3A_48 : memref<16x128xf32, #tpu.memory_space<hbm>>) target(%dma_start3A_45 : memref<16x128xf32, #tpu.memory_space<vmem_shared>>) target_semaphore(%run_scoped3A : memref<!tpu.dma_semaphore, #tpu.memory_space<semaphore_mem>>)
        %dma_wait3A_49 = arith.constant 9984 : i32
        %dma_wait3A_50 = arith.constant 0 : i32
        %dma_wait3A_51 = tpu.memref_slice %arg13[%dma_wait3A_49, %dma_wait3A_50] : memref<10000x128xf32, #tpu.memory_space<vmem_shared>> -> memref<16x128xf32, #tpu.memory_space<vmem_shared>>
        %dma_wait3A_52 = arith.constant 9984 : i32
        %dma_wait3A_53 = arith.constant 0 : i32
        %dma_wait3A_54 = tpu.memref_slice %arg5[%dma_wait3A_52, %dma_wait3A_53] : memref<10000x128xf32, #tpu.memory_space<hbm>> -> memref<16x128xf32, #tpu.memory_space<hbm>>
        tpu.wait_dma2 semaphore(%run_scoped3A : memref<!tpu.dma_semaphore, #tpu.memory_space<semaphore_mem>>) src(%dma_wait3A_54 : memref<16x128xf32, #tpu.memory_space<hbm>>) dst(%dma_wait3A_51 : memref<16x128xf32, #tpu.memory_space<vmem_shared>>)
        tpu.yield
      }) : () -> ()
    } else {
    }
    %barrier3A = arith.constant 0 : index
    tpu.barrier barrier_id(%barrier3A)
    %mul3A_10 = arith.constant 16 : i32
    %mul3A_11 = arith.muli %arg0, %mul3A_10 : i32
    %add3A_12 = arith.addi %mul3A_11, %arg1 : i32
    %mul3A_13 = arith.constant 10000 : i32
    %mul3A_14 = arith.muli %add3A_12, %mul3A_13 : i32
    %add3A_15 = arith.constant 0 : i32
    %add3A_16 = arith.addi %mul3A_14, %add3A_15 : i32
    "tpu.region"() ({
      %run_scoped3A = tpu.sem_alloc : memref<!tpu.dma_semaphore, #tpu.memory_space<semaphore_mem>>
      %dma_start3A_43 = tpu.memref_slice %arg2[%add3A_16] : memref<320000xi32, #tpu.memory_space<hbm>> -> memref<80xi32, #tpu.memory_space<hbm>>
      %dma_start3A_44 = tpu.memref_slice %arg2[%add3A_16] : memref<320000xi32, #tpu.memory_space<hbm>> -> memref<80xi32, #tpu.memory_space<hbm>>
      tpu.enqueue_dma source(%dma_start3A_44 : memref<80xi32, #tpu.memory_space<hbm>>) target(%arg7 : memref<80xi32, #tpu.memory_space<vmem>>) target_semaphore(%run_scoped3A : memref<!tpu.dma_semaphore, #tpu.memory_space<semaphore_mem>>)
      %dma_wait3A_45 = tpu.memref_slice %arg2[%add3A_16] : memref<320000xi32, #tpu.memory_space<hbm>> -> memref<80xi32, #tpu.memory_space<hbm>>
      %dma_wait3A_46 = tpu.memref_slice %arg2[%add3A_16] : memref<320000xi32, #tpu.memory_space<hbm>> -> memref<80xi32, #tpu.memory_space<hbm>>
      tpu.wait_dma2 semaphore(%run_scoped3A : memref<!tpu.dma_semaphore, #tpu.memory_space<semaphore_mem>>) src(%dma_wait3A_46 : memref<80xi32, #tpu.memory_space<hbm>>) dst(%arg7 : memref<80xi32, #tpu.memory_space<vmem>>)
      tpu.yield
    }) : () -> ()
    %dma_start3A = arith.constant 0 : i32
    %dma_start3A_17 = arith.constant 0 : i32
    %dma_start3A_18 = tpu.memref_slice %arg4[%dma_start3A, %dma_start3A_17] : memref<20000x128xf32, #tpu.memory_space<hbm>> -> memref<20000x128xf32, #tpu.memory_space<hbm>>
    tpu.enqueue_indirect_dma source(%dma_start3A_18 : memref<20000x128xf32, #tpu.memory_space<hbm>>) target(%arg11 : memref<80x128xf32, #tpu.memory_space<vmem>>) offsets(%arg7 : memref<80xi32, #tpu.memory_space<vmem>>) semaphore(%arg14 : memref<!tpu.dma_semaphore, #tpu.memory_space<semaphore_mem>>)
    %dma_wait3A = arith.constant 0 : i32
    %dma_wait3A_19 = arith.constant 0 : i32
    %dma_wait3A_20 = tpu.memref_slice %arg4[%dma_wait3A, %dma_wait3A_19] : memref<20000x128xf32, #tpu.memory_space<hbm>> -> memref<20000x128xf32, #tpu.memory_space<hbm>>
    tpu.wait_indirect_dma semaphore(%arg14 : memref<!tpu.dma_semaphore, #tpu.memory_space<semaphore_mem>>) src(%dma_wait3A_20 : memref<20000x128xf32, #tpu.memory_space<hbm>>) dst(%arg11 : memref<80x128xf32, #tpu.memory_space<vmem>>)
    %mul3A_21 = arith.constant 10000 : i32
    %mul3A_22 = arith.muli %arg1, %mul3A_21 : i32
    %add3A_23 = arith.constant 0 : i32
    %add3A_24 = arith.addi %mul3A_22, %add3A_23 : i32
    "tpu.region"() ({
      %run_scoped3A = tpu.sem_alloc : memref<!tpu.dma_semaphore, #tpu.memory_space<semaphore_mem>>
      %dma_start3A_43 = tpu.memref_slice %arg3[%add3A_24] : memref<160000xi32, #tpu.memory_space<hbm>> -> memref<80xi32, #tpu.memory_space<hbm>>
      %dma_start3A_44 = tpu.memref_slice %arg3[%add3A_24] : memref<160000xi32, #tpu.memory_space<hbm>> -> memref<80xi32, #tpu.memory_space<hbm>>
      tpu.enqueue_dma source(%dma_start3A_44 : memref<80xi32, #tpu.memory_space<hbm>>) target(%arg9 : memref<80xi32, #tpu.memory_space<vmem>>) target_semaphore(%run_scoped3A : memref<!tpu.dma_semaphore, #tpu.memory_space<semaphore_mem>>)
      %dma_wait3A_45 = tpu.memref_slice %arg3[%add3A_24] : memref<160000xi32, #tpu.memory_space<hbm>> -> memref<80xi32, #tpu.memory_space<hbm>>
      %dma_wait3A_46 = tpu.memref_slice %arg3[%add3A_24] : memref<160000xi32, #tpu.memory_space<hbm>> -> memref<80xi32, #tpu.memory_space<hbm>>
      tpu.wait_dma2 semaphore(%run_scoped3A : memref<!tpu.dma_semaphore, #tpu.memory_space<semaphore_mem>>) src(%dma_wait3A_46 : memref<80xi32, #tpu.memory_space<hbm>>) dst(%arg9 : memref<80xi32, #tpu.memory_space<vmem>>)
      tpu.yield
    }) : () -> ()
    %scan3A = arith.constant 0 : i32
    %scan3A_25 = arith.constant 0 : i32
    %scan3A_26 = arith.constant 62 : i32
    %scan3A_27 = arith.addi %scan3A_25, %scan3A_26 : i32
    %scan3A_28 = arith.constant 1 : i32
    scf.for %scan3A_43 = %scan3A_25 to %scan3A_27 step %scan3A_28  : i32 {
      %mul3A_44 = arith.constant 2 : i32
      %mul3A_45 = arith.muli %mul3A_44, %scan3A_43 : i32
      %add3A_46 = arith.constant 1 : i32
      %add3A_47 = arith.addi %mul3A_45, %add3A_46 : i32
      %mul3A_48 = arith.constant 16 : i32
      %mul3A_49 = arith.muli %arg0, %mul3A_48 : i32
      %add3A_50 = arith.addi %mul3A_49, %arg1 : i32
      %mul3A_51 = arith.constant 10000 : i32
      %mul3A_52 = arith.muli %add3A_50, %mul3A_51 : i32
      %mul3A_53 = arith.constant 80 : i32
      %mul3A_54 = arith.muli %add3A_47, %mul3A_53 : i32
      %add3A_55 = arith.addi %mul3A_52, %mul3A_54 : i32
      "tpu.region"() ({
        %run_scoped3A = tpu.sem_alloc : memref<!tpu.dma_semaphore, #tpu.memory_space<semaphore_mem>>
        %dma_start3A_92 = tpu.memref_slice %arg2[%add3A_55] : memref<320000xi32, #tpu.memory_space<hbm>> -> memref<80xi32, #tpu.memory_space<hbm>>
        %dma_start3A_93 = tpu.memref_slice %arg2[%add3A_55] : memref<320000xi32, #tpu.memory_space<hbm>> -> memref<80xi32, #tpu.memory_space<hbm>>
        tpu.enqueue_dma source(%dma_start3A_93 : memref<80xi32, #tpu.memory_space<hbm>>) target(%arg8 : memref<80xi32, #tpu.memory_space<vmem>>) target_semaphore(%run_scoped3A : memref<!tpu.dma_semaphore, #tpu.memory_space<semaphore_mem>>)
        %dma_wait3A_94 = tpu.memref_slice %arg2[%add3A_55] : memref<320000xi32, #tpu.memory_space<hbm>> -> memref<80xi32, #tpu.memory_space<hbm>>
        %dma_wait3A_95 = tpu.memref_slice %arg2[%add3A_55] : memref<320000xi32, #tpu.memory_space<hbm>> -> memref<80xi32, #tpu.memory_space<hbm>>
        tpu.wait_dma2 semaphore(%run_scoped3A : memref<!tpu.dma_semaphore, #tpu.memory_space<semaphore_mem>>) src(%dma_wait3A_95 : memref<80xi32, #tpu.memory_space<hbm>>) dst(%arg8 : memref<80xi32, #tpu.memory_space<vmem>>)
        tpu.yield
      }) : () -> ()
      %dma_start3A_56 = arith.constant 0 : i32
      %dma_start3A_57 = arith.constant 0 : i32
      %dma_start3A_58 = tpu.memref_slice %arg4[%dma_start3A_56, %dma_start3A_57] : memref<20000x128xf32, #tpu.memory_space<hbm>> -> memref<20000x128xf32, #tpu.memory_space<hbm>>
      tpu.enqueue_indirect_dma source(%dma_start3A_58 : memref<20000x128xf32, #tpu.memory_space<hbm>>) target(%arg12 : memref<80x128xf32, #tpu.memory_space<vmem>>) offsets(%arg8 : memref<80xi32, #tpu.memory_space<vmem>>) semaphore(%arg15 : memref<!tpu.dma_semaphore, #tpu.memory_space<semaphore_mem>>)
      %add3A_59 = arith.constant 1 : i32
      %add3A_60 = arith.addi %mul3A_45, %add3A_59 : i32
      %mul3A_61 = arith.constant 10000 : i32
      %mul3A_62 = arith.muli %arg1, %mul3A_61 : i32
      %mul3A_63 = arith.constant 80 : i32
      %mul3A_64 = arith.muli %add3A_60, %mul3A_63 : i32
      %add3A_65 = arith.addi %mul3A_62, %mul3A_64 : i32
      "tpu.region"() ({
        %run_scoped3A = tpu.sem_alloc : memref<!tpu.dma_semaphore, #tpu.memory_space<semaphore_mem>>
        %dma_start3A_92 = tpu.memref_slice %arg3[%add3A_65] : memref<160000xi32, #tpu.memory_space<hbm>> -> memref<80xi32, #tpu.memory_space<hbm>>
        %dma_start3A_93 = tpu.memref_slice %arg3[%add3A_65] : memref<160000xi32, #tpu.memory_space<hbm>> -> memref<80xi32, #tpu.memory_space<hbm>>
        tpu.enqueue_dma source(%dma_start3A_93 : memref<80xi32, #tpu.memory_space<hbm>>) target(%arg10 : memref<80xi32, #tpu.memory_space<vmem>>) target_semaphore(%run_scoped3A : memref<!tpu.dma_semaphore, #tpu.memory_space<semaphore_mem>>)
        %dma_wait3A_94 = tpu.memref_slice %arg3[%add3A_65] : memref<160000xi32, #tpu.memory_space<hbm>> -> memref<80xi32, #tpu.memory_space<hbm>>
        %dma_wait3A_95 = tpu.memref_slice %arg3[%add3A_65] : memref<160000xi32, #tpu.memory_space<hbm>> -> memref<80xi32, #tpu.memory_space<hbm>>
        tpu.wait_dma2 semaphore(%run_scoped3A : memref<!tpu.dma_semaphore, #tpu.memory_space<semaphore_mem>>) src(%dma_wait3A_95 : memref<80xi32, #tpu.memory_space<hbm>>) dst(%arg10 : memref<80xi32, #tpu.memory_space<vmem>>)
        tpu.yield
      }) : () -> ()
      "tpu.region"() ({
        %run_scoped3A = tpu.sem_alloc : memref<!tpu.dma_semaphore, #tpu.memory_space<semaphore_mem>>
        %dma_start3A_92 = arith.constant 0 : i32
        %dma_start3A_93 = arith.constant 0 : i32
        %dma_start3A_94 = tpu.memref_slice %arg13[%dma_start3A_92, %dma_start3A_93] : memref<10000x128xf32, #tpu.memory_space<vmem_shared>> -> memref<10000x128xf32, #tpu.memory_space<vmem_shared>>
        tpu.enqueue_indirect_dma source(%arg11 : memref<80x128xf32, #tpu.memory_space<vmem>>) target(%dma_start3A_94 : memref<10000x128xf32, #tpu.memory_space<vmem_shared>>) offsets(%arg9 : memref<80xi32, #tpu.memory_space<vmem>>) semaphore(%run_scoped3A : memref<!tpu.dma_semaphore, #tpu.memory_space<semaphore_mem>>) {add = true}
        %dma_wait3A_95 = arith.constant 0 : i32
        %dma_wait3A_96 = arith.constant 0 : i32
        %dma_wait3A_97 = tpu.memref_slice %arg13[%dma_wait3A_95, %dma_wait3A_96] : memref<10000x128xf32, #tpu.memory_space<vmem_shared>> -> memref<10000x128xf32, #tpu.memory_space<vmem_shared>>
        tpu.wait_indirect_dma semaphore(%run_scoped3A : memref<!tpu.dma_semaphore, #tpu.memory_space<semaphore_mem>>) src(%arg11 : memref<80x128xf32, #tpu.memory_space<vmem>>) dst(%dma_wait3A_97 : memref<10000x128xf32, #tpu.memory_space<vmem_shared>>)
        tpu.yield
      }) : () -> ()
      %dma_wait3A_66 = arith.constant 0 : i32
      %dma_wait3A_67 = arith.constant 0 : i32
      %dma_wait3A_68 = tpu.memref_slice %arg4[%dma_wait3A_66, %dma_wait3A_67] : memref<20000x128xf32, #tpu.memory_space<hbm>> -> memref<20000x128xf32, #tpu.memory_space<hbm>>
      tpu.wait_indirect_dma semaphore(%arg15 : memref<!tpu.dma_semaphore, #tpu.memory_space<semaphore_mem>>) src(%dma_wait3A_68 : memref<20000x128xf32, #tpu.memory_space<hbm>>) dst(%arg12 : memref<80x128xf32, #tpu.memory_space<vmem>>)
      %add3A_69 = arith.constant 2 : i32
      %add3A_70 = arith.addi %mul3A_45, %add3A_69 : i32
      %mul3A_71 = arith.constant 16 : i32
      %mul3A_72 = arith.muli %arg0, %mul3A_71 : i32
      %add3A_73 = arith.addi %mul3A_72, %arg1 : i32
      %mul3A_74 = arith.constant 10000 : i32
      %mul3A_75 = arith.muli %add3A_73, %mul3A_74 : i32
      %mul3A_76 = arith.constant 80 : i32
      %mul3A_77 = arith.muli %add3A_70, %mul3A_76 : i32
      %add3A_78 = arith.addi %mul3A_75, %mul3A_77 : i32
      "tpu.region"() ({
        %run_scoped3A = tpu.sem_alloc : memref<!tpu.dma_semaphore, #tpu.memory_space<semaphore_mem>>
        %dma_start3A_92 = tpu.memref_slice %arg2[%add3A_78] : memref<320000xi32, #tpu.memory_space<hbm>> -> memref<80xi32, #tpu.memory_space<hbm>>
        %dma_start3A_93 = tpu.memref_slice %arg2[%add3A_78] : memref<320000xi32, #tpu.memory_space<hbm>> -> memref<80xi32, #tpu.memory_space<hbm>>
        tpu.enqueue_dma source(%dma_start3A_93 : memref<80xi32, #tpu.memory_space<hbm>>) target(%arg7 : memref<80xi32, #tpu.memory_space<vmem>>) target_semaphore(%run_scoped3A : memref<!tpu.dma_semaphore, #tpu.memory_space<semaphore_mem>>)
        %dma_wait3A_94 = tpu.memref_slice %arg2[%add3A_78] : memref<320000xi32, #tpu.memory_space<hbm>> -> memref<80xi32, #tpu.memory_space<hbm>>
        %dma_wait3A_95 = tpu.memref_slice %arg2[%add3A_78] : memref<320000xi32, #tpu.memory_space<hbm>> -> memref<80xi32, #tpu.memory_space<hbm>>
        tpu.wait_dma2 semaphore(%run_scoped3A : memref<!tpu.dma_semaphore, #tpu.memory_space<semaphore_mem>>) src(%dma_wait3A_95 : memref<80xi32, #tpu.memory_space<hbm>>) dst(%arg7 : memref<80xi32, #tpu.memory_space<vmem>>)
        tpu.yield
      }) : () -> ()
      %dma_start3A_79 = arith.constant 0 : i32
      %dma_start3A_80 = arith.constant 0 : i32
      %dma_start3A_81 = tpu.memref_slice %arg4[%dma_start3A_79, %dma_start3A_80] : memref<20000x128xf32, #tpu.memory_space<hbm>> -> memref<20000x128xf32, #tpu.memory_space<hbm>>
      tpu.enqueue_indirect_dma source(%dma_start3A_81 : memref<20000x128xf32, #tpu.memory_space<hbm>>) target(%arg11 : memref<80x128xf32, #tpu.memory_space<vmem>>) offsets(%arg7 : memref<80xi32, #tpu.memory_space<vmem>>) semaphore(%arg14 : memref<!tpu.dma_semaphore, #tpu.memory_space<semaphore_mem>>)
      %add3A_82 = arith.constant 2 : i32
      %add3A_83 = arith.addi %mul3A_45, %add3A_82 : i32
      %mul3A_84 = arith.constant 10000 : i32
      %mul3A_85 = arith.muli %arg1, %mul3A_84 : i32
      %mul3A_86 = arith.constant 80 : i32
      %mul3A_87 = arith.muli %add3A_83, %mul3A_86 : i32
      %add3A_88 = arith.addi %mul3A_85, %mul3A_87 : i32
      "tpu.region"() ({
        %run_scoped3A = tpu.sem_alloc : memref<!tpu.dma_semaphore, #tpu.memory_space<semaphore_mem>>
        %dma_start3A_92 = tpu.memref_slice %arg3[%add3A_88] : memref<160000xi32, #tpu.memory_space<hbm>> -> memref<80xi32, #tpu.memory_space<hbm>>
        %dma_start3A_93 = tpu.memref_slice %arg3[%add3A_88] : memref<160000xi32, #tpu.memory_space<hbm>> -> memref<80xi32, #tpu.memory_space<hbm>>
        tpu.enqueue_dma source(%dma_start3A_93 : memref<80xi32, #tpu.memory_space<hbm>>) target(%arg9 : memref<80xi32, #tpu.memory_space<vmem>>) target_semaphore(%run_scoped3A : memref<!tpu.dma_semaphore, #tpu.memory_space<semaphore_mem>>)
        %dma_wait3A_94 = tpu.memref_slice %arg3[%add3A_88] : memref<160000xi32, #tpu.memory_space<hbm>> -> memref<80xi32, #tpu.memory_space<hbm>>
        %dma_wait3A_95 = tpu.memref_slice %arg3[%add3A_88] : memref<160000xi32, #tpu.memory_space<hbm>> -> memref<80xi32, #tpu.memory_space<hbm>>
        tpu.wait_dma2 semaphore(%run_scoped3A : memref<!tpu.dma_semaphore, #tpu.memory_space<semaphore_mem>>) src(%dma_wait3A_95 : memref<80xi32, #tpu.memory_space<hbm>>) dst(%arg9 : memref<80xi32, #tpu.memory_space<vmem>>)
        tpu.yield
      }) : () -> ()
      "tpu.region"() ({
        %run_scoped3A = tpu.sem_alloc : memref<!tpu.dma_semaphore, #tpu.memory_space<semaphore_mem>>
        %dma_start3A_92 = arith.constant 0 : i32
        %dma_start3A_93 = arith.constant 0 : i32
        %dma_start3A_94 = tpu.memref_slice %arg13[%dma_start3A_92, %dma_start3A_93] : memref<10000x128xf32, #tpu.memory_space<vmem_shared>> -> memref<10000x128xf32, #tpu.memory_space<vmem_shared>>
        tpu.enqueue_indirect_dma source(%arg12 : memref<80x128xf32, #tpu.memory_space<vmem>>) target(%dma_start3A_94 : memref<10000x128xf32, #tpu.memory_space<vmem_shared>>) offsets(%arg10 : memref<80xi32, #tpu.memory_space<vmem>>) semaphore(%run_scoped3A : memref<!tpu.dma_semaphore, #tpu.memory_space<semaphore_mem>>) {add = true}
        %dma_wait3A_95 = arith.constant 0 : i32
        %dma_wait3A_96 = arith.constant 0 : i32
        %dma_wait3A_97 = tpu.memref_slice %arg13[%dma_wait3A_95, %dma_wait3A_96] : memref<10000x128xf32, #tpu.memory_space<vmem_shared>> -> memref<10000x128xf32, #tpu.memory_space<vmem_shared>>
        tpu.wait_indirect_dma semaphore(%run_scoped3A : memref<!tpu.dma_semaphore, #tpu.memory_space<semaphore_mem>>) src(%arg12 : memref<80x128xf32, #tpu.memory_space<vmem>>) dst(%dma_wait3A_97 : memref<10000x128xf32, #tpu.memory_space<vmem_shared>>)
        tpu.yield
      }) : () -> ()
      %dma_wait3A_89 = arith.constant 0 : i32
      %dma_wait3A_90 = arith.constant 0 : i32
      %dma_wait3A_91 = tpu.memref_slice %arg4[%dma_wait3A_89, %dma_wait3A_90] : memref<20000x128xf32, #tpu.memory_space<hbm>> -> memref<20000x128xf32, #tpu.memory_space<hbm>>
      tpu.wait_indirect_dma semaphore(%arg14 : memref<!tpu.dma_semaphore, #tpu.memory_space<semaphore_mem>>) src(%dma_wait3A_91 : memref<20000x128xf32, #tpu.memory_space<hbm>>) dst(%arg11 : memref<80x128xf32, #tpu.memory_space<vmem>>)
    }
    %scan3A_29 = arith.constant 62 : i32
    "tpu.region"() ({
      %run_scoped3A = tpu.sem_alloc : memref<!tpu.dma_semaphore, #tpu.memory_space<semaphore_mem>>
      %dma_start3A_43 = arith.constant 0 : i32
      %dma_start3A_44 = arith.constant 0 : i32
      %dma_start3A_45 = tpu.memref_slice %arg13[%dma_start3A_43, %dma_start3A_44] : memref<10000x128xf32, #tpu.memory_space<vmem_shared>> -> memref<10000x128xf32, #tpu.memory_space<vmem_shared>>
      tpu.enqueue_indirect_dma source(%arg11 : memref<80x128xf32, #tpu.memory_space<vmem>>) target(%dma_start3A_45 : memref<10000x128xf32, #tpu.memory_space<vmem_shared>>) offsets(%arg9 : memref<80xi32, #tpu.memory_space<vmem>>) semaphore(%run_scoped3A : memref<!tpu.dma_semaphore, #tpu.memory_space<semaphore_mem>>) {add = true}
      %dma_wait3A_46 = arith.constant 0 : i32
      %dma_wait3A_47 = arith.constant 0 : i32
      %dma_wait3A_48 = tpu.memref_slice %arg13[%dma_wait3A_46, %dma_wait3A_47] : memref<10000x128xf32, #tpu.memory_space<vmem_shared>> -> memref<10000x128xf32, #tpu.memory_space<vmem_shared>>
      tpu.wait_indirect_dma semaphore(%run_scoped3A : memref<!tpu.dma_semaphore, #tpu.memory_space<semaphore_mem>>) src(%arg11 : memref<80x128xf32, #tpu.memory_space<vmem>>) dst(%dma_wait3A_48 : memref<10000x128xf32, #tpu.memory_space<vmem_shared>>)
      tpu.yield
    }) : () -> ()
    %barrier3A_30 = arith.constant 0 : index
    tpu.barrier barrier_id(%barrier3A_30)
    %mul3A_31 = arith.constant 624 : i32
    %mul3A_32 = arith.muli %arg1, %mul3A_31 : i32
    %add3A_33 = arith.constant 0 : i32
    %add3A_34 = arith.addi %add3A_33, %mul3A_32 : i32
    %mul3A_35 = arith.constant 624 : i32
    %mul3A_36 = arith.muli %arg1, %mul3A_35 : i32
    %add3A_37 = arith.addi %mul3A_0, %mul3A_36 : i32
    "tpu.region"() ({
      %run_scoped3A = tpu.sem_alloc : memref<!tpu.dma_semaphore, #tpu.memory_space<semaphore_mem>>
      %dma_start3A_43 = arith.constant 0 : i32
      %dma_start3A_44 = tpu.memref_slice %arg6[%add3A_37, %dma_start3A_43] : memref<20000x128xf32, #tpu.memory_space<hbm>> -> memref<624x128xf32, #tpu.memory_space<hbm>>
      %dma_start3A_45 = arith.constant 0 : i32
      %dma_start3A_46 = tpu.memref_slice %arg13[%add3A_34, %dma_start3A_45] : memref<10000x128xf32, #tpu.memory_space<vmem_shared>> -> memref<624x128xf32, #tpu.memory_space<vmem_shared>>
      tpu.enqueue_dma source(%dma_start3A_46 : memref<624x128xf32, #tpu.memory_space<vmem_shared>>) target(%dma_start3A_44 : memref<624x128xf32, #tpu.memory_space<hbm>>) target_semaphore(%run_scoped3A : memref<!tpu.dma_semaphore, #tpu.memory_space<semaphore_mem>>)
      %dma_wait3A_47 = arith.constant 0 : i32
      %dma_wait3A_48 = tpu.memref_slice %arg6[%add3A_37, %dma_wait3A_47] : memref<20000x128xf32, #tpu.memory_space<hbm>> -> memref<624x128xf32, #tpu.memory_space<hbm>>
      %dma_wait3A_49 = arith.constant 0 : i32
      %dma_wait3A_50 = tpu.memref_slice %arg13[%add3A_34, %dma_wait3A_49] : memref<10000x128xf32, #tpu.memory_space<vmem_shared>> -> memref<624x128xf32, #tpu.memory_space<vmem_shared>>
      tpu.wait_dma2 semaphore(%run_scoped3A : memref<!tpu.dma_semaphore, #tpu.memory_space<semaphore_mem>>) src(%dma_wait3A_50 : memref<624x128xf32, #tpu.memory_space<vmem_shared>>) dst(%dma_wait3A_48 : memref<624x128xf32, #tpu.memory_space<hbm>>)
      tpu.yield
    }) : () -> ()
    %eq3A_38 = arith.constant 15 : i32
    %eq3A_39 = arith.cmpi eq, %arg1, %eq3A_38 : i32
    %convert_element_type3A_40 = arith.extui %eq3A_39 : i1 to i32
    %cond3A_41 = arith.constant 0 : i32
    %cond3A_42 = arith.cmpi ne, %convert_element_type3A_40, %cond3A_41 : i32
    scf.if %cond3A_42 {
      %add3A_43 = arith.constant 9984 : i32
      %add3A_44 = arith.addi %mul3A_0, %add3A_43 : i32
      "tpu.region"() ({
        %run_scoped3A = tpu.sem_alloc : memref<!tpu.dma_semaphore, #tpu.memory_space<semaphore_mem>>
        %dma_start3A_45 = arith.constant 0 : i32
        %dma_start3A_46 = tpu.memref_slice %arg6[%add3A_44, %dma_start3A_45] : memref<20000x128xf32, #tpu.memory_space<hbm>> -> memref<16x128xf32, #tpu.memory_space<hbm>>
        %dma_start3A_47 = arith.constant 9984 : i32
        %dma_start3A_48 = arith.constant 0 : i32
        %dma_start3A_49 = tpu.memref_slice %arg13[%dma_start3A_47, %dma_start3A_48] : memref<10000x128xf32, #tpu.memory_space<vmem_shared>> -> memref<16x128xf32, #tpu.memory_space<vmem_shared>>
        tpu.enqueue_dma source(%dma_start3A_49 : memref<16x128xf32, #tpu.memory_space<vmem_shared>>) target(%dma_start3A_46 : memref<16x128xf32, #tpu.memory_space<hbm>>) target_semaphore(%run_scoped3A : memref<!tpu.dma_semaphore, #tpu.memory_space<semaphore_mem>>)
        %dma_wait3A_50 = arith.constant 0 : i32
        %dma_wait3A_51 = tpu.memref_slice %arg6[%add3A_44, %dma_wait3A_50] : memref<20000x128xf32, #tpu.memory_space<hbm>> -> memref<16x128xf32, #tpu.memory_space<hbm>>
        %dma_wait3A_52 = arith.constant 9984 : i32
        %dma_wait3A_53 = arith.constant 0 : i32
        %dma_wait3A_54 = tpu.memref_slice %arg13[%dma_wait3A_52, %dma_wait3A_53] : memref<10000x128xf32, #tpu.memory_space<vmem_shared>> -> memref<16x128xf32, #tpu.memory_space<vmem_shared>>
        tpu.wait_dma2 semaphore(%run_scoped3A : memref<!tpu.dma_semaphore, #tpu.memory_space<semaphore_mem>>) src(%dma_wait3A_54 : memref<16x128xf32, #tpu.memory_space<vmem_shared>>) dst(%dma_wait3A_51 : memref<16x128xf32, #tpu.memory_space<hbm>>)
        tpu.yield
      }) : () -> ()
    } else {
    }
    return
  }
}

#map = affine_map<(d0, d1) -> (0)>
#map1 = affine_map<(d0, d1) -> (0, 0)>
module attributes {stable_mosaic.version = 14 : i64} {
  func.func @agg_kernel(%arg0: i32, %arg1: i32, %arg2: memref<320000xi32, #tpu.memory_space<hbm>>, %arg3: memref<160000xi32, #tpu.memory_space<hbm>>, %arg4: memref<20000x128xf32, #tpu.memory_space<hbm>>, %arg5: memref<10000x128xf32, #tpu.memory_space<hbm>>, %arg6: memref<20000x128xf32, #tpu.memory_space<hbm>>, %arg7: memref<80xi32, #tpu.memory_space<vmem>>, %arg8: memref<80xi32, #tpu.memory_space<vmem>>, %arg9: memref<80xi32, #tpu.memory_space<vmem>>, %arg10: memref<80xi32, #tpu.memory_space<vmem>>, %arg11: memref<80x128xf32, #tpu.memory_space<vmem>>, %arg12: memref<80x128xf32, #tpu.memory_space<vmem>>, %arg13: memref<10000x128xf32, #tpu.memory_space<vmem_shared>>, %arg14: memref<!tpu.dma_semaphore, #tpu.memory_space<semaphore_mem>>, %arg15: memref<!tpu.dma_semaphore, #tpu.memory_space<semaphore_mem>>) attributes {dimension_semantics = [#tpu.dimension_semantics<core_parallel>, #tpu.dimension_semantics<subcore_parallel>], iteration_bounds = array<i64: 2, 16>, scalar_prefetch = 0 : i64, scratch_operands = 9 : i64, tpu.core_type = #tpu.core_type<sc_vector_subcore>, window_params = [{transform_indices = #map}, {transform_indices = #map}, {transform_indices = #map1}, {transform_indices = #map1}, {transform_indices = #map1}]} {
    %mul3A = arith.constant 10000 : i32
    %mul3A_0 = arith.muli %arg0, %mul3A : i32
    %mul3A_1 = arith.constant 624 : i32
    %mul3A_2 = arith.muli %arg1, %mul3A_1 : i32
    %add3A = arith.constant 0 : i32
    %add3A_3 = arith.addi %add3A, %mul3A_2 : i32
    %mul3A_4 = arith.constant 624 : i32
    %mul3A_5 = arith.muli %arg1, %mul3A_4 : i32
    %add3A_6 = arith.constant 0 : i32
    %add3A_7 = arith.addi %add3A_6, %mul3A_5 : i32
    "tpu.region"() ({
      %run_scoped3A = tpu.sem_alloc : memref<!tpu.dma_semaphore, #tpu.memory_space<semaphore_mem>>
      %dma_start3A_43 = arith.constant 0 : i32
      %dma_start3A_44 = tpu.memref_slice %arg13[%add3A_7, %dma_start3A_43] : memref<10000x128xf32, #tpu.memory_space<vmem_shared>> -> memref<624x128xf32, #tpu.memory_space<vmem_shared>>
      %dma_start3A_45 = arith.constant 0 : i32
      %dma_start3A_46 = tpu.memref_slice %arg5[%add3A_3, %dma_start3A_45] : memref<10000x128xf32, #tpu.memory_space<hbm>> -> memref<624x128xf32, #tpu.memory_space<hbm>>
      tpu.enqueue_dma source(%dma_start3A_46 : memref<624x128xf32, #tpu.memory_space<hbm>>) target(%dma_start3A_44 : memref<624x128xf32, #tpu.memory_space<vmem_shared>>) target_semaphore(%run_scoped3A : memref<!tpu.dma_semaphore, #tpu.memory_space<semaphore_mem>>)
      %dma_wait3A_47 = arith.constant 0 : i32
      %dma_wait3A_48 = tpu.memref_slice %arg13[%add3A_7, %dma_wait3A_47] : memref<10000x128xf32, #tpu.memory_space<vmem_shared>> -> memref<624x128xf32, #tpu.memory_space<vmem_shared>>
      %dma_wait3A_49 = arith.constant 0 : i32
      %dma_wait3A_50 = tpu.memref_slice %arg5[%add3A_3, %dma_wait3A_49] : memref<10000x128xf32, #tpu.memory_space<hbm>> -> memref<624x128xf32, #tpu.memory_space<hbm>>
      tpu.wait_dma2 semaphore(%run_scoped3A : memref<!tpu.dma_semaphore, #tpu.memory_space<semaphore_mem>>) src(%dma_wait3A_50 : memref<624x128xf32, #tpu.memory_space<hbm>>) dst(%dma_wait3A_48 : memref<624x128xf32, #tpu.memory_space<vmem_shared>>)
      tpu.yield
    }) : () -> ()
    %eq3A = arith.constant 15 : i32
    %eq3A_8 = arith.cmpi eq, %arg1, %eq3A : i32
    %convert_element_type3A = arith.extui %eq3A_8 : i1 to i32
    %cond3A = arith.constant 0 : i32
    %cond3A_9 = arith.cmpi ne, %convert_element_type3A, %cond3A : i32
    scf.if %cond3A_9 {
      "tpu.region"() ({
        %run_scoped3A = tpu.sem_alloc : memref<!tpu.dma_semaphore, #tpu.memory_space<semaphore_mem>>
        %dma_start3A_43 = arith.constant 9984 : i32
        %dma_start3A_44 = arith.constant 0 : i32
        %dma_start3A_45 = tpu.memref_slice %arg13[%dma_start3A_43, %dma_start3A_44] : memref<10000x128xf32, #tpu.memory_space<vmem_shared>> -> memref<16x128xf32, #tpu.memory_space<vmem_shared>>
        %dma_start3A_46 = arith.constant 9984 : i32
        %dma_start3A_47 = arith.constant 0 : i32
        %dma_start3A_48 = tpu.memref_slice %arg5[%dma_start3A_46, %dma_start3A_47] : memref<10000x128xf32, #tpu.memory_space<hbm>> -> memref<16x128xf32, #tpu.memory_space<hbm>>
        tpu.enqueue_dma source(%dma_start3A_48 : memref<16x128xf32, #tpu.memory_space<hbm>>) target(%dma_start3A_45 : memref<16x128xf32, #tpu.memory_space<vmem_shared>>) target_semaphore(%run_scoped3A : memref<!tpu.dma_semaphore, #tpu.memory_space<semaphore_mem>>)
        %dma_wait3A_49 = arith.constant 9984 : i32
        %dma_wait3A_50 = arith.constant 0 : i32
        %dma_wait3A_51 = tpu.memref_slice %arg13[%dma_wait3A_49, %dma_wait3A_50] : memref<10000x128xf32, #tpu.memory_space<vmem_shared>> -> memref<16x128xf32, #tpu.memory_space<vmem_shared>>
        %dma_wait3A_52 = arith.constant 9984 : i32
        %dma_wait3A_53 = arith.constant 0 : i32
        %dma_wait3A_54 = tpu.memref_slice %arg5[%dma_wait3A_52, %dma_wait3A_53] : memref<10000x128xf32, #tpu.memory_space<hbm>> -> memref<16x128xf32, #tpu.memory_space<hbm>>
        tpu.wait_dma2 semaphore(%run_scoped3A : memref<!tpu.dma_semaphore, #tpu.memory_space<semaphore_mem>>) src(%dma_wait3A_54 : memref<16x128xf32, #tpu.memory_space<hbm>>) dst(%dma_wait3A_51 : memref<16x128xf32, #tpu.memory_space<vmem_shared>>)
        tpu.yield
      }) : () -> ()
    } else {
    }
    %barrier3A = arith.constant 0 : index
    tpu.barrier barrier_id(%barrier3A)
    %mul3A_10 = arith.constant 16 : i32
    %mul3A_11 = arith.muli %arg0, %mul3A_10 : i32
    %add3A_12 = arith.addi %mul3A_11, %arg1 : i32
    %mul3A_13 = arith.constant 10000 : i32
    %mul3A_14 = arith.muli %add3A_12, %mul3A_13 : i32
    %add3A_15 = arith.constant 0 : i32
    %add3A_16 = arith.addi %mul3A_14, %add3A_15 : i32
    "tpu.region"() ({
      %run_scoped3A = tpu.sem_alloc : memref<!tpu.dma_semaphore, #tpu.memory_space<semaphore_mem>>
      %dma_start3A_43 = tpu.memref_slice %arg2[%add3A_16] : memref<320000xi32, #tpu.memory_space<hbm>> -> memref<80xi32, #tpu.memory_space<hbm>>
      %dma_start3A_44 = tpu.memref_slice %arg2[%add3A_16] : memref<320000xi32, #tpu.memory_space<hbm>> -> memref<80xi32, #tpu.memory_space<hbm>>
      tpu.enqueue_dma source(%dma_start3A_44 : memref<80xi32, #tpu.memory_space<hbm>>) target(%arg7 : memref<80xi32, #tpu.memory_space<vmem>>) target_semaphore(%run_scoped3A : memref<!tpu.dma_semaphore, #tpu.memory_space<semaphore_mem>>)
      %dma_wait3A_45 = tpu.memref_slice %arg2[%add3A_16] : memref<320000xi32, #tpu.memory_space<hbm>> -> memref<80xi32, #tpu.memory_space<hbm>>
      %dma_wait3A_46 = tpu.memref_slice %arg2[%add3A_16] : memref<320000xi32, #tpu.memory_space<hbm>> -> memref<80xi32, #tpu.memory_space<hbm>>
      tpu.wait_dma2 semaphore(%run_scoped3A : memref<!tpu.dma_semaphore, #tpu.memory_space<semaphore_mem>>) src(%dma_wait3A_46 : memref<80xi32, #tpu.memory_space<hbm>>) dst(%arg7 : memref<80xi32, #tpu.memory_space<vmem>>)
      tpu.yield
    }) : () -> ()
    %dma_start3A = arith.constant 0 : i32
    %dma_start3A_17 = arith.constant 0 : i32
    %dma_start3A_18 = tpu.memref_slice %arg4[%dma_start3A, %dma_start3A_17] : memref<20000x128xf32, #tpu.memory_space<hbm>> -> memref<20000x128xf32, #tpu.memory_space<hbm>>
    tpu.enqueue_indirect_dma source(%dma_start3A_18 : memref<20000x128xf32, #tpu.memory_space<hbm>>) target(%arg11 : memref<80x128xf32, #tpu.memory_space<vmem>>) offsets(%arg7 : memref<80xi32, #tpu.memory_space<vmem>>) semaphore(%arg14 : memref<!tpu.dma_semaphore, #tpu.memory_space<semaphore_mem>>)
    %dma_wait3A = arith.constant 0 : i32
    %dma_wait3A_19 = arith.constant 0 : i32
    %dma_wait3A_20 = tpu.memref_slice %arg4[%dma_wait3A, %dma_wait3A_19] : memref<20000x128xf32, #tpu.memory_space<hbm>> -> memref<20000x128xf32, #tpu.memory_space<hbm>>
    tpu.wait_indirect_dma semaphore(%arg14 : memref<!tpu.dma_semaphore, #tpu.memory_space<semaphore_mem>>) src(%dma_wait3A_20 : memref<20000x128xf32, #tpu.memory_space<hbm>>) dst(%arg11 : memref<80x128xf32, #tpu.memory_space<vmem>>)
    %mul3A_21 = arith.constant 10000 : i32
    %mul3A_22 = arith.muli %arg1, %mul3A_21 : i32
    %add3A_23 = arith.constant 0 : i32
    %add3A_24 = arith.addi %mul3A_22, %add3A_23 : i32
    "tpu.region"() ({
      %run_scoped3A = tpu.sem_alloc : memref<!tpu.dma_semaphore, #tpu.memory_space<semaphore_mem>>
      %dma_start3A_43 = tpu.memref_slice %arg3[%add3A_24] : memref<160000xi32, #tpu.memory_space<hbm>> -> memref<80xi32, #tpu.memory_space<hbm>>
      %dma_start3A_44 = tpu.memref_slice %arg3[%add3A_24] : memref<160000xi32, #tpu.memory_space<hbm>> -> memref<80xi32, #tpu.memory_space<hbm>>
      tpu.enqueue_dma source(%dma_start3A_44 : memref<80xi32, #tpu.memory_space<hbm>>) target(%arg9 : memref<80xi32, #tpu.memory_space<vmem>>) target_semaphore(%run_scoped3A : memref<!tpu.dma_semaphore, #tpu.memory_space<semaphore_mem>>)
      %dma_wait3A_45 = tpu.memref_slice %arg3[%add3A_24] : memref<160000xi32, #tpu.memory_space<hbm>> -> memref<80xi32, #tpu.memory_space<hbm>>
      %dma_wait3A_46 = tpu.memref_slice %arg3[%add3A_24] : memref<160000xi32, #tpu.memory_space<hbm>> -> memref<80xi32, #tpu.memory_space<hbm>>
      tpu.wait_dma2 semaphore(%run_scoped3A : memref<!tpu.dma_semaphore, #tpu.memory_space<semaphore_mem>>) src(%dma_wait3A_46 : memref<80xi32, #tpu.memory_space<hbm>>) dst(%arg9 : memref<80xi32, #tpu.memory_space<vmem>>)
      tpu.yield
    }) : () -> ()
    %scan3A = arith.constant 0 : i32
    %scan3A_25 = arith.constant 0 : i32
    %scan3A_26 = arith.constant 62 : i32
    %scan3A_27 = arith.addi %scan3A_25, %scan3A_26 : i32
    %scan3A_28 = arith.constant 1 : i32
    scf.for %scan3A_43 = %scan3A_25 to %scan3A_27 step %scan3A_28  : i32 {
      %mul3A_44 = arith.constant 2 : i32
      %mul3A_45 = arith.muli %mul3A_44, %scan3A_43 : i32
      %add3A_46 = arith.constant 1 : i32
      %add3A_47 = arith.addi %mul3A_45, %add3A_46 : i32
      %mul3A_48 = arith.constant 16 : i32
      %mul3A_49 = arith.muli %arg0, %mul3A_48 : i32
      %add3A_50 = arith.addi %mul3A_49, %arg1 : i32
      %mul3A_51 = arith.constant 10000 : i32
      %mul3A_52 = arith.muli %add3A_50, %mul3A_51 : i32
      %mul3A_53 = arith.constant 80 : i32
      %mul3A_54 = arith.muli %add3A_47, %mul3A_53 : i32
      %add3A_55 = arith.addi %mul3A_52, %mul3A_54 : i32
      "tpu.region"() ({
        %run_scoped3A = tpu.sem_alloc : memref<!tpu.dma_semaphore, #tpu.memory_space<semaphore_mem>>
        %dma_start3A_92 = tpu.memref_slice %arg2[%add3A_55] : memref<320000xi32, #tpu.memory_space<hbm>> -> memref<80xi32, #tpu.memory_space<hbm>>
        %dma_start3A_93 = tpu.memref_slice %arg2[%add3A_55] : memref<320000xi32, #tpu.memory_space<hbm>> -> memref<80xi32, #tpu.memory_space<hbm>>
        tpu.enqueue_dma source(%dma_start3A_93 : memref<80xi32, #tpu.memory_space<hbm>>) target(%arg8 : memref<80xi32, #tpu.memory_space<vmem>>) target_semaphore(%run_scoped3A : memref<!tpu.dma_semaphore, #tpu.memory_space<semaphore_mem>>)
        %dma_wait3A_94 = tpu.memref_slice %arg2[%add3A_55] : memref<320000xi32, #tpu.memory_space<hbm>> -> memref<80xi32, #tpu.memory_space<hbm>>
        %dma_wait3A_95 = tpu.memref_slice %arg2[%add3A_55] : memref<320000xi32, #tpu.memory_space<hbm>> -> memref<80xi32, #tpu.memory_space<hbm>>
        tpu.wait_dma2 semaphore(%run_scoped3A : memref<!tpu.dma_semaphore, #tpu.memory_space<semaphore_mem>>) src(%dma_wait3A_95 : memref<80xi32, #tpu.memory_space<hbm>>) dst(%arg8 : memref<80xi32, #tpu.memory_space<vmem>>)
        tpu.yield
      }) : () -> ()
      %dma_start3A_56 = arith.constant 0 : i32
      %dma_start3A_57 = arith.constant 0 : i32
      %dma_start3A_58 = tpu.memref_slice %arg4[%dma_start3A_56, %dma_start3A_57] : memref<20000x128xf32, #tpu.memory_space<hbm>> -> memref<20000x128xf32, #tpu.memory_space<hbm>>
      tpu.enqueue_indirect_dma source(%dma_start3A_58 : memref<20000x128xf32, #tpu.memory_space<hbm>>) target(%arg12 : memref<80x128xf32, #tpu.memory_space<vmem>>) offsets(%arg8 : memref<80xi32, #tpu.memory_space<vmem>>) semaphore(%arg15 : memref<!tpu.dma_semaphore, #tpu.memory_space<semaphore_mem>>)
      %add3A_59 = arith.constant 1 : i32
      %add3A_60 = arith.addi %mul3A_45, %add3A_59 : i32
      %mul3A_61 = arith.constant 10000 : i32
      %mul3A_62 = arith.muli %arg1, %mul3A_61 : i32
      %mul3A_63 = arith.constant 80 : i32
      %mul3A_64 = arith.muli %add3A_60, %mul3A_63 : i32
      %add3A_65 = arith.addi %mul3A_62, %mul3A_64 : i32
      "tpu.region"() ({
        %run_scoped3A = tpu.sem_alloc : memref<!tpu.dma_semaphore, #tpu.memory_space<semaphore_mem>>
        %dma_start3A_92 = tpu.memref_slice %arg3[%add3A_65] : memref<160000xi32, #tpu.memory_space<hbm>> -> memref<80xi32, #tpu.memory_space<hbm>>
        %dma_start3A_93 = tpu.memref_slice %arg3[%add3A_65] : memref<160000xi32, #tpu.memory_space<hbm>> -> memref<80xi32, #tpu.memory_space<hbm>>
        tpu.enqueue_dma source(%dma_start3A_93 : memref<80xi32, #tpu.memory_space<hbm>>) target(%arg10 : memref<80xi32, #tpu.memory_space<vmem>>) target_semaphore(%run_scoped3A : memref<!tpu.dma_semaphore, #tpu.memory_space<semaphore_mem>>)
        %dma_wait3A_94 = tpu.memref_slice %arg3[%add3A_65] : memref<160000xi32, #tpu.memory_space<hbm>> -> memref<80xi32, #tpu.memory_space<hbm>>
        %dma_wait3A_95 = tpu.memref_slice %arg3[%add3A_65] : memref<160000xi32, #tpu.memory_space<hbm>> -> memref<80xi32, #tpu.memory_space<hbm>>
        tpu.wait_dma2 semaphore(%run_scoped3A : memref<!tpu.dma_semaphore, #tpu.memory_space<semaphore_mem>>) src(%dma_wait3A_95 : memref<80xi32, #tpu.memory_space<hbm>>) dst(%arg10 : memref<80xi32, #tpu.memory_space<vmem>>)
        tpu.yield
      }) : () -> ()
      "tpu.region"() ({
        %run_scoped3A = tpu.sem_alloc : memref<!tpu.dma_semaphore, #tpu.memory_space<semaphore_mem>>
        %dma_start3A_92 = arith.constant 0 : i32
        %dma_start3A_93 = arith.constant 0 : i32
        %dma_start3A_94 = tpu.memref_slice %arg13[%dma_start3A_92, %dma_start3A_93] : memref<10000x128xf32, #tpu.memory_space<vmem_shared>> -> memref<10000x128xf32, #tpu.memory_space<vmem_shared>>
        tpu.enqueue_indirect_dma source(%arg11 : memref<80x128xf32, #tpu.memory_space<vmem>>) target(%dma_start3A_94 : memref<10000x128xf32, #tpu.memory_space<vmem_shared>>) offsets(%arg9 : memref<80xi32, #tpu.memory_space<vmem>>) semaphore(%run_scoped3A : memref<!tpu.dma_semaphore, #tpu.memory_space<semaphore_mem>>) {add = true}
        %dma_wait3A_95 = arith.constant 0 : i32
        %dma_wait3A_96 = arith.constant 0 : i32
        %dma_wait3A_97 = tpu.memref_slice %arg13[%dma_wait3A_95, %dma_wait3A_96] : memref<10000x128xf32, #tpu.memory_space<vmem_shared>> -> memref<10000x128xf32, #tpu.memory_space<vmem_shared>>
        tpu.wait_indirect_dma semaphore(%run_scoped3A : memref<!tpu.dma_semaphore, #tpu.memory_space<semaphore_mem>>) src(%arg11 : memref<80x128xf32, #tpu.memory_space<vmem>>) dst(%dma_wait3A_97 : memref<10000x128xf32, #tpu.memory_space<vmem_shared>>)
        tpu.yield
      }) : () -> ()
      %dma_wait3A_66 = arith.constant 0 : i32
      %dma_wait3A_67 = arith.constant 0 : i32
      %dma_wait3A_68 = tpu.memref_slice %arg4[%dma_wait3A_66, %dma_wait3A_67] : memref<20000x128xf32, #tpu.memory_space<hbm>> -> memref<20000x128xf32, #tpu.memory_space<hbm>>
      tpu.wait_indirect_dma semaphore(%arg15 : memref<!tpu.dma_semaphore, #tpu.memory_space<semaphore_mem>>) src(%dma_wait3A_68 : memref<20000x128xf32, #tpu.memory_space<hbm>>) dst(%arg12 : memref<80x128xf32, #tpu.memory_space<vmem>>)
      %add3A_69 = arith.constant 2 : i32
      %add3A_70 = arith.addi %mul3A_45, %add3A_69 : i32
      %mul3A_71 = arith.constant 16 : i32
      %mul3A_72 = arith.muli %arg0, %mul3A_71 : i32
      %add3A_73 = arith.addi %mul3A_72, %arg1 : i32
      %mul3A_74 = arith.constant 10000 : i32
      %mul3A_75 = arith.muli %add3A_73, %mul3A_74 : i32
      %mul3A_76 = arith.constant 80 : i32
      %mul3A_77 = arith.muli %add3A_70, %mul3A_76 : i32
      %add3A_78 = arith.addi %mul3A_75, %mul3A_77 : i32
      "tpu.region"() ({
        %run_scoped3A = tpu.sem_alloc : memref<!tpu.dma_semaphore, #tpu.memory_space<semaphore_mem>>
        %dma_start3A_92 = tpu.memref_slice %arg2[%add3A_78] : memref<320000xi32, #tpu.memory_space<hbm>> -> memref<80xi32, #tpu.memory_space<hbm>>
        %dma_start3A_93 = tpu.memref_slice %arg2[%add3A_78] : memref<320000xi32, #tpu.memory_space<hbm>> -> memref<80xi32, #tpu.memory_space<hbm>>
        tpu.enqueue_dma source(%dma_start3A_93 : memref<80xi32, #tpu.memory_space<hbm>>) target(%arg7 : memref<80xi32, #tpu.memory_space<vmem>>) target_semaphore(%run_scoped3A : memref<!tpu.dma_semaphore, #tpu.memory_space<semaphore_mem>>)
        %dma_wait3A_94 = tpu.memref_slice %arg2[%add3A_78] : memref<320000xi32, #tpu.memory_space<hbm>> -> memref<80xi32, #tpu.memory_space<hbm>>
        %dma_wait3A_95 = tpu.memref_slice %arg2[%add3A_78] : memref<320000xi32, #tpu.memory_space<hbm>> -> memref<80xi32, #tpu.memory_space<hbm>>
        tpu.wait_dma2 semaphore(%run_scoped3A : memref<!tpu.dma_semaphore, #tpu.memory_space<semaphore_mem>>) src(%dma_wait3A_95 : memref<80xi32, #tpu.memory_space<hbm>>) dst(%arg7 : memref<80xi32, #tpu.memory_space<vmem>>)
        tpu.yield
      }) : () -> ()
      %dma_start3A_79 = arith.constant 0 : i32
      %dma_start3A_80 = arith.constant 0 : i32
      %dma_start3A_81 = tpu.memref_slice %arg4[%dma_start3A_79, %dma_start3A_80] : memref<20000x128xf32, #tpu.memory_space<hbm>> -> memref<20000x128xf32, #tpu.memory_space<hbm>>
      tpu.enqueue_indirect_dma source(%dma_start3A_81 : memref<20000x128xf32, #tpu.memory_space<hbm>>) target(%arg11 : memref<80x128xf32, #tpu.memory_space<vmem>>) offsets(%arg7 : memref<80xi32, #tpu.memory_space<vmem>>) semaphore(%arg14 : memref<!tpu.dma_semaphore, #tpu.memory_space<semaphore_mem>>)
      %add3A_82 = arith.constant 2 : i32
      %add3A_83 = arith.addi %mul3A_45, %add3A_82 : i32
      %mul3A_84 = arith.constant 10000 : i32
      %mul3A_85 = arith.muli %arg1, %mul3A_84 : i32
      %mul3A_86 = arith.constant 80 : i32
      %mul3A_87 = arith.muli %add3A_83, %mul3A_86 : i32
      %add3A_88 = arith.addi %mul3A_85, %mul3A_87 : i32
      "tpu.region"() ({
        %run_scoped3A = tpu.sem_alloc : memref<!tpu.dma_semaphore, #tpu.memory_space<semaphore_mem>>
        %dma_start3A_92 = tpu.memref_slice %arg3[%add3A_88] : memref<160000xi32, #tpu.memory_space<hbm>> -> memref<80xi32, #tpu.memory_space<hbm>>
        %dma_start3A_93 = tpu.memref_slice %arg3[%add3A_88] : memref<160000xi32, #tpu.memory_space<hbm>> -> memref<80xi32, #tpu.memory_space<hbm>>
        tpu.enqueue_dma source(%dma_start3A_93 : memref<80xi32, #tpu.memory_space<hbm>>) target(%arg9 : memref<80xi32, #tpu.memory_space<vmem>>) target_semaphore(%run_scoped3A : memref<!tpu.dma_semaphore, #tpu.memory_space<semaphore_mem>>)
        %dma_wait3A_94 = tpu.memref_slice %arg3[%add3A_88] : memref<160000xi32, #tpu.memory_space<hbm>> -> memref<80xi32, #tpu.memory_space<hbm>>
        %dma_wait3A_95 = tpu.memref_slice %arg3[%add3A_88] : memref<160000xi32, #tpu.memory_space<hbm>> -> memref<80xi32, #tpu.memory_space<hbm>>
        tpu.wait_dma2 semaphore(%run_scoped3A : memref<!tpu.dma_semaphore, #tpu.memory_space<semaphore_mem>>) src(%dma_wait3A_95 : memref<80xi32, #tpu.memory_space<hbm>>) dst(%arg9 : memref<80xi32, #tpu.memory_space<vmem>>)
        tpu.yield
      }) : () -> ()
      "tpu.region"() ({
        %run_scoped3A = tpu.sem_alloc : memref<!tpu.dma_semaphore, #tpu.memory_space<semaphore_mem>>
        %dma_start3A_92 = arith.constant 0 : i32
        %dma_start3A_93 = arith.constant 0 : i32
        %dma_start3A_94 = tpu.memref_slice %arg13[%dma_start3A_92, %dma_start3A_93] : memref<10000x128xf32, #tpu.memory_space<vmem_shared>> -> memref<10000x128xf32, #tpu.memory_space<vmem_shared>>
        tpu.enqueue_indirect_dma source(%arg12 : memref<80x128xf32, #tpu.memory_space<vmem>>) target(%dma_start3A_94 : memref<10000x128xf32, #tpu.memory_space<vmem_shared>>) offsets(%arg10 : memref<80xi32, #tpu.memory_space<vmem>>) semaphore(%run_scoped3A : memref<!tpu.dma_semaphore, #tpu.memory_space<semaphore_mem>>) {add = true}
        %dma_wait3A_95 = arith.constant 0 : i32
        %dma_wait3A_96 = arith.constant 0 : i32
        %dma_wait3A_97 = tpu.memref_slice %arg13[%dma_wait3A_95, %dma_wait3A_96] : memref<10000x128xf32, #tpu.memory_space<vmem_shared>> -> memref<10000x128xf32, #tpu.memory_space<vmem_shared>>
        tpu.wait_indirect_dma semaphore(%run_scoped3A : memref<!tpu.dma_semaphore, #tpu.memory_space<semaphore_mem>>) src(%arg12 : memref<80x128xf32, #tpu.memory_space<vmem>>) dst(%dma_wait3A_97 : memref<10000x128xf32, #tpu.memory_space<vmem_shared>>)
        tpu.yield
      }) : () -> ()
      %dma_wait3A_89 = arith.constant 0 : i32
      %dma_wait3A_90 = arith.constant 0 : i32
      %dma_wait3A_91 = tpu.memref_slice %arg4[%dma_wait3A_89, %dma_wait3A_90] : memref<20000x128xf32, #tpu.memory_space<hbm>> -> memref<20000x128xf32, #tpu.memory_space<hbm>>
      tpu.wait_indirect_dma semaphore(%arg14 : memref<!tpu.dma_semaphore, #tpu.memory_space<semaphore_mem>>) src(%dma_wait3A_91 : memref<20000x128xf32, #tpu.memory_space<hbm>>) dst(%arg11 : memref<80x128xf32, #tpu.memory_space<vmem>>)
    }
    %scan3A_29 = arith.constant 62 : i32
    "tpu.region"() ({
      %run_scoped3A = tpu.sem_alloc : memref<!tpu.dma_semaphore, #tpu.memory_space<semaphore_mem>>
      %dma_start3A_43 = arith.constant 0 : i32
      %dma_start3A_44 = arith.constant 0 : i32
      %dma_start3A_45 = tpu.memref_slice %arg13[%dma_start3A_43, %dma_start3A_44] : memref<10000x128xf32, #tpu.memory_space<vmem_shared>> -> memref<10000x128xf32, #tpu.memory_space<vmem_shared>>
      tpu.enqueue_indirect_dma source(%arg11 : memref<80x128xf32, #tpu.memory_space<vmem>>) target(%dma_start3A_45 : memref<10000x128xf32, #tpu.memory_space<vmem_shared>>) offsets(%arg9 : memref<80xi32, #tpu.memory_space<vmem>>) semaphore(%run_scoped3A : memref<!tpu.dma_semaphore, #tpu.memory_space<semaphore_mem>>) {add = true}
      %dma_wait3A_46 = arith.constant 0 : i32
      %dma_wait3A_47 = arith.constant 0 : i32
      %dma_wait3A_48 = tpu.memref_slice %arg13[%dma_wait3A_46, %dma_wait3A_47] : memref<10000x128xf32, #tpu.memory_space<vmem_shared>> -> memref<10000x128xf32, #tpu.memory_space<vmem_shared>>
      tpu.wait_indirect_dma semaphore(%run_scoped3A : memref<!tpu.dma_semaphore, #tpu.memory_space<semaphore_mem>>) src(%arg11 : memref<80x128xf32, #tpu.memory_space<vmem>>) dst(%dma_wait3A_48 : memref<10000x128xf32, #tpu.memory_space<vmem_shared>>)
      tpu.yield
    }) : () -> ()
    %barrier3A_30 = arith.constant 0 : index
    tpu.barrier barrier_id(%barrier3A_30)
    %mul3A_31 = arith.constant 624 : i32
    %mul3A_32 = arith.muli %arg1, %mul3A_31 : i32
    %add3A_33 = arith.constant 0 : i32
    %add3A_34 = arith.addi %add3A_33, %mul3A_32 : i32
    %mul3A_35 = arith.constant 624 : i32
    %mul3A_36 = arith.muli %arg1, %mul3A_35 : i32
    %add3A_37 = arith.addi %mul3A_0, %mul3A_36 : i32
    "tpu.region"() ({
      %run_scoped3A = tpu.sem_alloc : memref<!tpu.dma_semaphore, #tpu.memory_space<semaphore_mem>>
      %dma_start3A_43 = arith.constant 0 : i32
      %dma_start3A_44 = tpu.memref_slice %arg6[%add3A_37, %dma_start3A_43] : memref<20000x128xf32, #tpu.memory_space<hbm>> -> memref<624x128xf32, #tpu.memory_space<hbm>>
      %dma_start3A_45 = arith.constant 0 : i32
      %dma_start3A_46 = tpu.memref_slice %arg13[%add3A_34, %dma_start3A_45] : memref<10000x128xf32, #tpu.memory_space<vmem_shared>> -> memref<624x128xf32, #tpu.memory_space<vmem_shared>>
      tpu.enqueue_dma source(%dma_start3A_46 : memref<624x128xf32, #tpu.memory_space<vmem_shared>>) target(%dma_start3A_44 : memref<624x128xf32, #tpu.memory_space<hbm>>) target_semaphore(%run_scoped3A : memref<!tpu.dma_semaphore, #tpu.memory_space<semaphore_mem>>)
      %dma_wait3A_47 = arith.constant 0 : i32
      %dma_wait3A_48 = tpu.memref_slice %arg6[%add3A_37, %dma_wait3A_47] : memref<20000x128xf32, #tpu.memory_space<hbm>> -> memref<624x128xf32, #tpu.memory_space<hbm>>
      %dma_wait3A_49 = arith.constant 0 : i32
      %dma_wait3A_50 = tpu.memref_slice %arg13[%add3A_34, %dma_wait3A_49] : memref<10000x128xf32, #tpu.memory_space<vmem_shared>> -> memref<624x128xf32, #tpu.memory_space<vmem_shared>>
      tpu.wait_dma2 semaphore(%run_scoped3A : memref<!tpu.dma_semaphore, #tpu.memory_space<semaphore_mem>>) src(%dma_wait3A_50 : memref<624x128xf32, #tpu.memory_space<vmem_shared>>) dst(%dma_wait3A_48 : memref<624x128xf32, #tpu.memory_space<hbm>>)
      tpu.yield
    }) : () -> ()
    %eq3A_38 = arith.constant 15 : i32
    %eq3A_39 = arith.cmpi eq, %arg1, %eq3A_38 : i32
    %convert_element_type3A_40 = arith.extui %eq3A_39 : i1 to i32
    %cond3A_41 = arith.constant 0 : i32
    %cond3A_42 = arith.cmpi ne, %convert_element_type3A_40, %cond3A_41 : i32
    scf.if %cond3A_42 {
      %add3A_43 = arith.constant 9984 : i32
      %add3A_44 = arith.addi %mul3A_0, %add3A_43 : i32
      "tpu.region"() ({
        %run_scoped3A = tpu.sem_alloc : memref<!tpu.dma_semaphore, #tpu.memory_space<semaphore_mem>>
        %dma_start3A_45 = arith.constant 0 : i32
        %dma_start3A_46 = tpu.memref_slice %arg6[%add3A_44, %dma_start3A_45] : memref<20000x128xf32, #tpu.memory_space<hbm>> -> memref<16x128xf32, #tpu.memory_space<hbm>>
        %dma_start3A_47 = arith.constant 9984 : i32
        %dma_start3A_48 = arith.constant 0 : i32
        %dma_start3A_49 = tpu.memref_slice %arg13[%dma_start3A_47, %dma_start3A_48] : memref<10000x128xf32, #tpu.memory_space<vmem_shared>> -> memref<16x128xf32, #tpu.memory_space<vmem_shared>>
        tpu.enqueue_dma source(%dma_start3A_49 : memref<16x128xf32, #tpu.memory_space<vmem_shared>>) target(%dma_start3A_46 : memref<16x128xf32, #tpu.memory_space<hbm>>) target_semaphore(%run_scoped3A : memref<!tpu.dma_semaphore, #tpu.memory_space<semaphore_mem>>)
        %dma_wait3A_50 = arith.constant 0 : i32
        %dma_wait3A_51 = tpu.memref_slice %arg6[%add3A_44, %dma_wait3A_50] : memref<20000x128xf32, #tpu.memory_space<hbm>> -> memref<16x128xf32, #tpu.memory_space<hbm>>
        %dma_wait3A_52 = arith.constant 9984 : i32
        %dma_wait3A_53 = arith.constant 0 : i32
        %dma_wait3A_54 = tpu.memref_slice %arg13[%dma_wait3A_52, %dma_wait3A_53] : memref<10000x128xf32, #tpu.memory_space<vmem_shared>> -> memref<16x128xf32, #tpu.memory_space<vmem_shared>>
        tpu.wait_dma2 semaphore(%run_scoped3A : memref<!tpu.dma_semaphore, #tpu.memory_space<semaphore_mem>>) src(%dma_wait3A_54 : memref<16x128xf32, #tpu.memory_space<vmem_shared>>) dst(%dma_wait3A_51 : memref<16x128xf32, #tpu.memory_space<hbm>>)
        tpu.yield
      }) : () -> ()
    } else {
    }
    return
  }
}

#map = affine_map<(d0, d1) -> (0, 0)>
#map1 = affine_map<(d0, d1) -> (0)>
module attributes {stable_mosaic.version = 14 : i64} {
  func.func @root_gather(%arg0: i32, %arg1: i32, %arg2: memref<10000x256xf32, #tpu.memory_space<hbm>>, %arg3: memref<1024xi32, #tpu.memory_space<hbm>>, %arg4: memref<1024x256xf32, #tpu.memory_space<hbm>>, %arg5: memref<32xi32, #tpu.memory_space<vmem>>, %arg6: memref<8x256xf32, #tpu.memory_space<vmem>>, %arg7: memref<!tpu.dma_semaphore, #tpu.memory_space<semaphore_mem>>) attributes {dimension_semantics = [#tpu.dimension_semantics<core_parallel>, #tpu.dimension_semantics<subcore_parallel>], iteration_bounds = array<i64: 2, 16>, scalar_prefetch = 0 : i64, scratch_operands = 3 : i64, tpu.core_type = #tpu.core_type<sc_vector_subcore>, window_params = [{transform_indices = #map}, {transform_indices = #map1}, {transform_indices = #map}]} {
    %mul3A = arith.constant 2 : i32
    %mul3A_0 = arith.muli %arg1, %mul3A : i32
    %add3A = arith.addi %mul3A_0, %arg0 : i32
    %mul3A_1 = arith.constant 32 : i32
    %mul3A_2 = arith.muli %add3A, %mul3A_1 : i32
    "tpu.region"() ({
      %run_scoped3A = tpu.sem_alloc : memref<!tpu.dma_semaphore, #tpu.memory_space<semaphore_mem>>
      %dma_start3A = tpu.memref_slice %arg3[%mul3A_2] : memref<1024xi32, #tpu.memory_space<hbm>> -> memref<32xi32, #tpu.memory_space<hbm>>
      %dma_start3A_8 = tpu.memref_slice %arg3[%mul3A_2] : memref<1024xi32, #tpu.memory_space<hbm>> -> memref<32xi32, #tpu.memory_space<hbm>>
      tpu.enqueue_dma source(%dma_start3A_8 : memref<32xi32, #tpu.memory_space<hbm>>) target(%arg5 : memref<32xi32, #tpu.memory_space<vmem>>) target_semaphore(%run_scoped3A : memref<!tpu.dma_semaphore, #tpu.memory_space<semaphore_mem>>)
      %dma_wait3A = tpu.memref_slice %arg3[%mul3A_2] : memref<1024xi32, #tpu.memory_space<hbm>> -> memref<32xi32, #tpu.memory_space<hbm>>
      %dma_wait3A_9 = tpu.memref_slice %arg3[%mul3A_2] : memref<1024xi32, #tpu.memory_space<hbm>> -> memref<32xi32, #tpu.memory_space<hbm>>
      tpu.wait_dma2 semaphore(%run_scoped3A : memref<!tpu.dma_semaphore, #tpu.memory_space<semaphore_mem>>) src(%dma_wait3A_9 : memref<32xi32, #tpu.memory_space<hbm>>) dst(%arg5 : memref<32xi32, #tpu.memory_space<vmem>>)
      tpu.yield
    }) : () -> ()
    %scan3A = arith.constant 0 : i32
    %scan3A_3 = arith.constant 0 : i32
    %scan3A_4 = arith.constant 4 : i32
    %scan3A_5 = arith.addi %scan3A_3, %scan3A_4 : i32
    %scan3A_6 = arith.constant 1 : i32
    scf.for %scan3A_8 = %scan3A_3 to %scan3A_5 step %scan3A_6  : i32 {
      %mul3A_9 = arith.constant 8 : i32
      %mul3A_10 = arith.muli %scan3A_8, %mul3A_9 : i32
      %dma_start3A = tpu.memref_slice %arg5[%mul3A_10] : memref<32xi32, #tpu.memory_space<vmem>> -> memref<8xi32, #tpu.memory_space<vmem>>
      %dma_start3A_11 = arith.constant 0 : i32
      %dma_start3A_12 = arith.constant 0 : i32
      %dma_start3A_13 = tpu.memref_slice %arg2[%dma_start3A_11, %dma_start3A_12] : memref<10000x256xf32, #tpu.memory_space<hbm>> -> memref<10000x256xf32, #tpu.memory_space<hbm>>
      tpu.enqueue_indirect_dma source(%dma_start3A_13 : memref<10000x256xf32, #tpu.memory_space<hbm>>) target(%arg6 : memref<8x256xf32, #tpu.memory_space<vmem>>) offsets(%dma_start3A : memref<8xi32, #tpu.memory_space<vmem>>) semaphore(%arg7 : memref<!tpu.dma_semaphore, #tpu.memory_space<semaphore_mem>>)
      %dma_wait3A = tpu.memref_slice %arg5[%mul3A_10] : memref<32xi32, #tpu.memory_space<vmem>> -> memref<8xi32, #tpu.memory_space<vmem>>
      %dma_wait3A_14 = arith.constant 0 : i32
      %dma_wait3A_15 = arith.constant 0 : i32
      %dma_wait3A_16 = tpu.memref_slice %arg2[%dma_wait3A_14, %dma_wait3A_15] : memref<10000x256xf32, #tpu.memory_space<hbm>> -> memref<10000x256xf32, #tpu.memory_space<hbm>>
      tpu.wait_indirect_dma semaphore(%arg7 : memref<!tpu.dma_semaphore, #tpu.memory_space<semaphore_mem>>) src(%dma_wait3A_16 : memref<10000x256xf32, #tpu.memory_space<hbm>>) dst(%arg6 : memref<8x256xf32, #tpu.memory_space<vmem>>)
      %mul3A_17 = arith.constant 8 : i32
      %mul3A_18 = arith.muli %scan3A_8, %mul3A_17 : i32
      %add3A_19 = arith.addi %mul3A_2, %mul3A_18 : i32
      "tpu.region"() ({
        %run_scoped3A = tpu.sem_alloc : memref<!tpu.dma_semaphore, #tpu.memory_space<semaphore_mem>>
        %dma_start3A_20 = arith.constant 0 : i32
        %dma_start3A_21 = tpu.memref_slice %arg4[%add3A_19, %dma_start3A_20] : memref<1024x256xf32, #tpu.memory_space<hbm>> -> memref<8x256xf32, #tpu.memory_space<hbm>>
        %dma_start3A_22 = arith.constant 0 : i32
        %dma_start3A_23 = tpu.memref_slice %arg4[%add3A_19, %dma_start3A_22] : memref<1024x256xf32, #tpu.memory_space<hbm>> -> memref<8x256xf32, #tpu.memory_space<hbm>>
        tpu.enqueue_dma source(%arg6 : memref<8x256xf32, #tpu.memory_space<vmem>>) target(%dma_start3A_23 : memref<8x256xf32, #tpu.memory_space<hbm>>) target_semaphore(%run_scoped3A : memref<!tpu.dma_semaphore, #tpu.memory_space<semaphore_mem>>)
        %dma_wait3A_24 = arith.constant 0 : i32
        %dma_wait3A_25 = tpu.memref_slice %arg4[%add3A_19, %dma_wait3A_24] : memref<1024x256xf32, #tpu.memory_space<hbm>> -> memref<8x256xf32, #tpu.memory_space<hbm>>
        %dma_wait3A_26 = arith.constant 0 : i32
        %dma_wait3A_27 = tpu.memref_slice %arg4[%add3A_19, %dma_wait3A_26] : memref<1024x256xf32, #tpu.memory_space<hbm>> -> memref<8x256xf32, #tpu.memory_space<hbm>>
        tpu.wait_dma2 semaphore(%run_scoped3A : memref<!tpu.dma_semaphore, #tpu.memory_space<semaphore_mem>>) src(%arg6 : memref<8x256xf32, #tpu.memory_space<vmem>>) dst(%dma_wait3A_27 : memref<8x256xf32, #tpu.memory_space<hbm>>)
        tpu.yield
      }) : () -> ()
    }
    %scan3A_7 = arith.constant 4 : i32
    return
  }
}

module attributes {stable_mosaic.version = 14 : i64} {
  func.func @_matmul_bias_body(%arg0: i32, %arg1: memref<1000x256xf32, #tpu.memory_space<vmem>>, %arg2: memref<256x256xf32, #tpu.memory_space<vmem>>, %arg3: memref<1x256xf32, #tpu.memory_space<vmem>>, %arg4: memref<1000x256xf32, #tpu.memory_space<vmem>>) attributes {dimension_semantics = [#tpu.dimension_semantics<arbitrary>], iteration_bounds = array<i64: 10>, scalar_prefetch = 0 : i64, scratch_operands = 0 : i64, tpu.core_type = #tpu.core_type<tc>, window_params = [{transform_indices = @transform_0, window_bounds = array<i64: 1000, 256>}, {pipeline_mode = #tpu.pipeline_mode<synchronous>, transform_indices = @transform_1, window_bounds = array<i64: 256, 256>}, {pipeline_mode = #tpu.pipeline_mode<synchronous>, transform_indices = @transform_2, window_bounds = array<i64: 1, 256>}, {transform_indices = @transform_3, window_bounds = array<i64: 1000, 256>}]} {
    %get3A = arith.constant 0 : index
    %get3A_0 = arith.constant 0 : index
    %get3A_1 = vector.load %arg1[%get3A, %get3A_0] : memref<1000x256xf32, #tpu.memory_space<vmem>>, vector<1000x256xf32>
    %get3A_2 = arith.constant 0 : index
    %get3A_3 = arith.constant 0 : index
    %get3A_4 = vector.load %arg2[%get3A_2, %get3A_3] : memref<256x256xf32, #tpu.memory_space<vmem>>, vector<256x256xf32>
    %dot_general3A = arith.constant dense<0.000000e+00> : vector<1000x256xf32>
    %dot_general3A_5 = tpu.matmul %get3A_1, %get3A_4, %dot_general3A {dimension_numbers = #tpu.dot_dimension_numbers<[1], [0], [0], [1], [0, 0, 1, 1], [], []>, transpose_lhs_hint = false} : vector<1000x256xf32>, vector<256x256xf32>, vector<1000x256xf32> -> vector<1000x256xf32>
    %get3A_6 = arith.constant 0 : index
    %get3A_7 = arith.constant 0 : index
    %get3A_8 = vector.load %arg3[%get3A_6, %get3A_7] : memref<1x256xf32, #tpu.memory_space<vmem>>, vector<1x256xf32>
    %add3A = vector.broadcast %get3A_8 : vector<1x256xf32> to vector<1000x256xf32>
    %add3A_9 = arith.addf %dot_general3A_5, %add3A : vector<1000x256xf32>
    %swap3A = arith.constant 0 : index
    %swap3A_10 = arith.constant 0 : index
    %swap3A_11 = vector.load %arg4[%swap3A, %swap3A_10] : memref<1000x256xf32, #tpu.memory_space<vmem>>, vector<1000x256xf32>
    tpu.vector_store %arg4[%swap3A, %swap3A_10], %add3A_9 {strides = array<i32>} : memref<1000x256xf32, #tpu.memory_space<vmem>>, vector<1000x256xf32>,
    return
  }
  func.func @transform_0(%arg0: i32) -> (i32, i32) {
    %c0_i32 = arith.constant 0 : i32
    %c0_i32_0 = arith.constant 0 : i32
    return %arg0, %c0_i32 : i32, i32
  }
  func.func @transform_1(%arg0: i32) -> (i32, i32) {
    %c0_i32 = arith.constant 0 : i32
    %c0_i32_0 = arith.constant 0 : i32
    %c0_i32_1 = arith.constant 0 : i32
    return %c0_i32, %c0_i32_0 : i32, i32
  }
  func.func @transform_2(%arg0: i32) -> (i32, i32) {
    %c0_i32 = arith.constant 0 : i32
    %c0_i32_0 = arith.constant 0 : i32
    %c0_i32_1 = arith.constant 0 : i32
    return %c0_i32, %c0_i32_0 : i32, i32
  }
  func.func @transform_3(%arg0: i32) -> (i32, i32) {
    %c0_i32 = arith.constant 0 : i32
    %c0_i32_0 = arith.constant 0 : i32
    return %arg0, %c0_i32 : i32, i32
  }
}

module attributes {stable_mosaic.version = 14 : i64} {
  func.func @_hw_body(%arg0: i32, %arg1: i32, %arg2: memref<1000x256xf32, #tpu.memory_space<vmem>>, %arg3: memref<256x128xf32, #tpu.memory_space<vmem>>, %arg4: memref<1000x1xf32, #tpu.memory_space<vmem>>, %arg5: memref<1x1000x128xf32, #tpu.memory_space<vmem>>) attributes {dimension_semantics = [#tpu.dimension_semantics<arbitrary>, #tpu.dimension_semantics<arbitrary>], iteration_bounds = array<i64: 10, 2>, scalar_prefetch = 0 : i64, scratch_operands = 0 : i64, tpu.core_type = #tpu.core_type<tc>, window_params = [{transform_indices = @transform_0, window_bounds = array<i64: 1000, 256>}, {transform_indices = @transform_1, window_bounds = array<i64: 256, 128>}, {transform_indices = @transform_2, window_bounds = array<i64: 1000, 1>}, {transform_indices = @transform_3, window_bounds = array<i64: 1, 1000, 128>}]} {
    %get3A = arith.constant 0 : index
    %get3A_0 = arith.constant 0 : index
    %get3A_1 = vector.load %arg4[%get3A, %get3A_0] : memref<1000x1xf32, #tpu.memory_space<vmem>>, vector<1000x1xf32>
    %add3A = arith.constant 1.000000e+00 : f32
    %add3A_2 = vector.broadcast %add3A : f32 to vector<1000x1xf32>
    %add3A_3 = arith.addf %get3A_1, %add3A_2 : vector<1000x1xf32>
    %rsqrt3A = math.rsqrt %add3A_3 : vector<1000x1xf32>
    %get3A_4 = arith.constant 0 : index
    %get3A_5 = arith.constant 0 : index
    %get3A_6 = vector.load %arg2[%get3A_4, %get3A_5] : memref<1000x256xf32, #tpu.memory_space<vmem>>, vector<1000x256xf32>
    %get3A_7 = arith.constant 0 : index
    %get3A_8 = arith.constant 0 : index
    %get3A_9 = vector.load %arg3[%get3A_7, %get3A_8] : memref<256x128xf32, #tpu.memory_space<vmem>>, vector<256x128xf32>
    %dot_general3A = arith.constant dense<0.000000e+00> : vector<1000x128xf32>
    %dot_general3A_10 = tpu.matmul %get3A_6, %get3A_9, %dot_general3A {dimension_numbers = #tpu.dot_dimension_numbers<[1], [0], [0], [1], [0, 0, 1, 1], [], []>, transpose_lhs_hint = false} : vector<1000x256xf32>, vector<256x128xf32>, vector<1000x128xf32> -> vector<1000x128xf32>
    %mul3A = vector.broadcast %rsqrt3A : vector<1000x1xf32> to vector<1000x128xf32>
    %mul3A_11 = arith.mulf %dot_general3A_10, %mul3A : vector<1000x128xf32>
    %swap3A = arith.constant 0 : index
    %swap3A_12 = arith.constant 0 : index
    %swap3A_13 = arith.constant 0 : index
    %swap3A_14 = vector.load %arg5[%swap3A, %swap3A_12, %swap3A_13] : memref<1x1000x128xf32, #tpu.memory_space<vmem>>, vector<1x1000x128xf32>
    %swap3A_15 = vector.shape_cast %swap3A_14 : vector<1x1000x128xf32> to vector<1000x128xf32>
    %swap3A_16 = vector.shape_cast %mul3A_11 : vector<1000x128xf32> to vector<1x1000x128xf32>
    tpu.vector_store %arg5[%swap3A, %swap3A_12, %swap3A_13], %swap3A_16 {strides = array<i32>} : memref<1x1000x128xf32, #tpu.memory_space<vmem>>, vector<1x1000x128xf32>,
    return
  }
  func.func @transform_0(%arg0: i32, %arg1: i32) -> (i32, i32) {
    %c0_i32 = arith.constant 0 : i32
    %c0_i32_0 = arith.constant 0 : i32
    return %arg0, %c0_i32 : i32, i32
  }
  func.func @transform_1(%arg0: i32, %arg1: i32) -> (i32, i32) {
    %c0_i32 = arith.constant 0 : i32
    %c0_i32_0 = arith.constant 0 : i32
    return %c0_i32, %arg1 : i32, i32
  }
  func.func @transform_2(%arg0: i32, %arg1: i32) -> (i32, i32) {
    %c0_i32 = arith.constant 0 : i32
    %c0_i32_0 = arith.constant 0 : i32
    return %arg0, %c0_i32 : i32, i32
  }
  func.func @transform_3(%arg0: i32, %arg1: i32) -> (i32, i32, i32) {
    %c0_i32 = arith.constant 0 : i32
    %c0_i32_0 = arith.constant 0 : i32
    return %arg1, %arg0, %c0_i32 : i32, i32, i32
  }
}

module attributes {stable_mosaic.version = 14 : i64} {
  func.func @_matmul_bias_body(%arg0: memref<1024x256xf32, #tpu.memory_space<vmem>>, %arg1: memref<256x128xf32, #tpu.memory_space<vmem>>, %arg2: memref<1x128xf32, #tpu.memory_space<vmem>>, %arg3: memref<1024x128xf32, #tpu.memory_space<vmem>>) attributes {dimension_semantics = [], scalar_prefetch = 0 : i64, scratch_operands = 0 : i64, tpu.core_type = #tpu.core_type<tc>} {
    %get3A = arith.constant 0 : index
    %get3A_0 = arith.constant 0 : index
    %get3A_1 = vector.load %arg0[%get3A, %get3A_0] : memref<1024x256xf32, #tpu.memory_space<vmem>>, vector<1024x256xf32>
    %get3A_2 = arith.constant 0 : index
    %get3A_3 = arith.constant 0 : index
    %get3A_4 = vector.load %arg1[%get3A_2, %get3A_3] : memref<256x128xf32, #tpu.memory_space<vmem>>, vector<256x128xf32>
    %dot_general3A = arith.constant dense<0.000000e+00> : vector<1024x128xf32>
    %dot_general3A_5 = tpu.matmul %get3A_1, %get3A_4, %dot_general3A {dimension_numbers = #tpu.dot_dimension_numbers<[1], [0], [0], [1], [0, 0, 1, 1], [], []>, transpose_lhs_hint = false} : vector<1024x256xf32>, vector<256x128xf32>, vector<1024x128xf32> -> vector<1024x128xf32>
    %get3A_6 = arith.constant 0 : index
    %get3A_7 = arith.constant 0 : index
    %get3A_8 = vector.load %arg2[%get3A_6, %get3A_7] : memref<1x128xf32, #tpu.memory_space<vmem>>, vector<1x128xf32>
    %add3A = vector.broadcast %get3A_8 : vector<1x128xf32> to vector<1024x128xf32>
    %add3A_9 = arith.addf %dot_general3A_5, %add3A : vector<1024x128xf32>
    %swap3A = arith.constant 0 : index
    %swap3A_10 = arith.constant 0 : index
    %swap3A_11 = vector.load %arg3[%swap3A, %swap3A_10] : memref<1024x128xf32, #tpu.memory_space<vmem>>, vector<1024x128xf32>
    tpu.vector_store %arg3[%swap3A, %swap3A_10], %add3A_9 {strides = array<i32>} : memref<1024x128xf32, #tpu.memory_space<vmem>>, vector<1024x128xf32>,
    return
  }
}

module attributes {stable_mosaic.version = 14 : i64} {
  func.func @_ln_body(%arg0: i32, %arg1: memref<1000x256xf32, #tpu.memory_space<vmem>>, %arg2: memref<2x1000x128xf32, #tpu.memory_space<vmem>>, %arg3: memref<2x1000x128xf32, #tpu.memory_space<vmem>>, %arg4: memref<1000x1xf32, #tpu.memory_space<vmem>>, %arg5: memref<1x256xf32, #tpu.memory_space<vmem>>, %arg6: memref<1x256xf32, #tpu.memory_space<vmem>>, %arg7: memref<1x256xf32, #tpu.memory_space<vmem>>, %arg8: memref<1000x256xf32, #tpu.memory_space<vmem>>) attributes {dimension_semantics = [#tpu.dimension_semantics<arbitrary>], iteration_bounds = array<i64: 10>, scalar_prefetch = 0 : i64, scratch_operands = 0 : i64, tpu.core_type = #tpu.core_type<tc>, window_params = [{transform_indices = @transform_0, window_bounds = array<i64: 1000, 256>}, {transform_indices = @transform_1, window_bounds = array<i64: 2, 1000, 128>}, {transform_indices = @transform_2, window_bounds = array<i64: 2, 1000, 128>}, {transform_indices = @transform_3, window_bounds = array<i64: 1000, 1>}, {pipeline_mode = #tpu.pipeline_mode<synchronous>, transform_indices = @transform_4, window_bounds = array<i64: 1, 256>}, {pipeline_mode = #tpu.pipeline_mode<synchronous>, transform_indices = @transform_5, window_bounds = array<i64: 1, 256>}, {pipeline_mode = #tpu.pipeline_mode<synchronous>, transform_indices = @transform_6, window_bounds = array<i64: 1, 256>}, {transform_indices = @transform_7, window_bounds = array<i64: 1000, 256>}]} {
    %get3A = arith.constant 0 : index
    %get3A_0 = arith.constant 0 : index
    %get3A_1 = vector.load %arg4[%get3A, %get3A_0] : memref<1000x1xf32, #tpu.memory_space<vmem>>, vector<1000x1xf32>
    %add3A = arith.constant 1.000000e+00 : f32
    %add3A_2 = vector.broadcast %add3A : f32 to vector<1000x1xf32>
    %add3A_3 = arith.addf %get3A_1, %add3A_2 : vector<1000x1xf32>
    %rsqrt3A = math.rsqrt %add3A_3 : vector<1000x1xf32>
    %get3A_4 = arith.constant 0 : index
    %get3A_5 = arith.constant 0 : index
    %get3A_6 = arith.constant 0 : index
    %get3A_7 = vector.load %arg2[%get3A_4, %get3A_5, %get3A_6] : memref<2x1000x128xf32, #tpu.memory_space<vmem>>, vector<1x1000x128xf32>
    %get3A_8 = vector.shape_cast %get3A_7 : vector<1x1000x128xf32> to vector<1000x128xf32>
    %get3A_9 = arith.constant 1 : index
    %get3A_10 = arith.constant 0 : index
    %get3A_11 = arith.constant 0 : index
    %get3A_12 = vector.load %arg2[%get3A_9, %get3A_10, %get3A_11] : memref<2x1000x128xf32, #tpu.memory_space<vmem>>, vector<1x1000x128xf32>
    %get3A_13 = vector.shape_cast %get3A_12 : vector<1x1000x128xf32> to vector<1000x128xf32>
    %concatenate3A = tpu.concatenate %get3A_8, %get3A_13 in 1 : vector<1000x128xf32>, vector<1000x128xf32> -> vector<1000x256xf32>
    %get3A_14 = arith.constant 0 : index
    %get3A_15 = arith.constant 0 : index
    %get3A_16 = arith.constant 0 : index
    %get3A_17 = vector.load %arg3[%get3A_14, %get3A_15, %get3A_16] : memref<2x1000x128xf32, #tpu.memory_space<vmem>>, vector<1x1000x128xf32>
    %get3A_18 = vector.shape_cast %get3A_17 : vector<1x1000x128xf32> to vector<1000x128xf32>
    %get3A_19 = arith.constant 1 : index
    %get3A_20 = arith.constant 0 : index
    %get3A_21 = arith.constant 0 : index
    %get3A_22 = vector.load %arg3[%get3A_19, %get3A_20, %get3A_21] : memref<2x1000x128xf32, #tpu.memory_space<vmem>>, vector<1x1000x128xf32>
    %get3A_23 = vector.shape_cast %get3A_22 : vector<1x1000x128xf32> to vector<1000x128xf32>
    %concatenate3A_24 = tpu.concatenate %get3A_18, %get3A_23 in 1 : vector<1000x128xf32>, vector<1000x128xf32> -> vector<1000x256xf32>
    %get3A_25 = arith.constant 0 : index
    %get3A_26 = arith.constant 0 : index
    %get3A_27 = vector.load %arg1[%get3A_25, %get3A_26] : memref<1000x256xf32, #tpu.memory_space<vmem>>, vector<1000x256xf32>
    %add3A_28 = arith.addf %concatenate3A, %concatenate3A_24 : vector<1000x256xf32>
    %mul3A = vector.broadcast %rsqrt3A : vector<1000x1xf32> to vector<1000x256xf32>
    %mul3A_29 = arith.mulf %add3A_28, %mul3A : vector<1000x256xf32>
    %add3A_30 = arith.addf %get3A_27, %mul3A_29 : vector<1000x256xf32>
    %get3A_31 = arith.constant 0 : index
    %get3A_32 = arith.constant 0 : index
    %get3A_33 = vector.load %arg5[%get3A_31, %get3A_32] : memref<1x256xf32, #tpu.memory_space<vmem>>, vector<1x256xf32>
    %add3A_34 = vector.broadcast %get3A_33 : vector<1x256xf32> to vector<1000x256xf32>
    %add3A_35 = arith.addf %add3A_30, %add3A_34 : vector<1000x256xf32>
    %reduce_sum3A = arith.constant dense<0.000000e+00> : vector<1000xf32>
    %reduce_sum3A_36 = vector.multi_reduction <add>, %add3A_35, %reduce_sum3A [1] : vector<1000x256xf32> to vector<1000xf32>
    %broadcast_in_dim3A = vector.shape_cast %reduce_sum3A_36 : vector<1000xf32> to vector<1000x1xf32>
    %div3A = arith.constant 2.560000e+02 : f32
    %div3A_37 = vector.broadcast %div3A : f32 to vector<1000x1xf32>
    %div3A_38 = arith.divf %broadcast_in_dim3A, %div3A_37 : vector<1000x1xf32>
    %sub3A = vector.broadcast %div3A_38 : vector<1000x1xf32> to vector<1000x256xf32>
    %sub3A_39 = arith.subf %add3A_35, %sub3A : vector<1000x256xf32>
    %sub3A_40 = vector.broadcast %div3A_38 : vector<1000x1xf32> to vector<1000x256xf32>
    %sub3A_41 = arith.subf %add3A_35, %sub3A_40 : vector<1000x256xf32>
    %mul3A_42 = arith.mulf %sub3A_39, %sub3A_41 : vector<1000x256xf32>
    %reduce_sum3A_43 = arith.constant dense<0.000000e+00> : vector<1000xf32>
    %reduce_sum3A_44 = vector.multi_reduction <add>, %mul3A_42, %reduce_sum3A_43 [1] : vector<1000x256xf32> to vector<1000xf32>
    %broadcast_in_dim3A_45 = vector.shape_cast %reduce_sum3A_44 : vector<1000xf32> to vector<1000x1xf32>
    %div3A_46 = arith.constant 2.560000e+02 : f32
    %div3A_47 = vector.broadcast %div3A_46 : f32 to vector<1000x1xf32>
    %div3A_48 = arith.divf %broadcast_in_dim3A_45, %div3A_47 : vector<1000x1xf32>
    %sub3A_49 = vector.broadcast %div3A_38 : vector<1000x1xf32> to vector<1000x256xf32>
    %sub3A_50 = arith.subf %add3A_35, %sub3A_49 : vector<1000x256xf32>
    %add3A_51 = arith.constant 9.99999974E-6 : f32
    %add3A_52 = vector.broadcast %add3A_51 : f32 to vector<1000x1xf32>
    %add3A_53 = arith.addf %div3A_48, %add3A_52 : vector<1000x1xf32>
    %rsqrt3A_54 = math.rsqrt %add3A_53 : vector<1000x1xf32>
    %mul3A_55 = vector.broadcast %rsqrt3A_54 : vector<1000x1xf32> to vector<1000x256xf32>
    %mul3A_56 = arith.mulf %sub3A_50, %mul3A_55 : vector<1000x256xf32>
    %get3A_57 = arith.constant 0 : index
    %get3A_58 = arith.constant 0 : index
    %get3A_59 = vector.load %arg6[%get3A_57, %get3A_58] : memref<1x256xf32, #tpu.memory_space<vmem>>, vector<1x256xf32>
    %mul3A_60 = vector.broadcast %get3A_59 : vector<1x256xf32> to vector<1000x256xf32>
    %mul3A_61 = arith.mulf %mul3A_56, %mul3A_60 : vector<1000x256xf32>
    %get3A_62 = arith.constant 0 : index
    %get3A_63 = arith.constant 0 : index
    %get3A_64 = vector.load %arg7[%get3A_62, %get3A_63] : memref<1x256xf32, #tpu.memory_space<vmem>>, vector<1x256xf32>
    %add3A_65 = vector.broadcast %get3A_64 : vector<1x256xf32> to vector<1000x256xf32>
    %add3A_66 = arith.addf %mul3A_61, %add3A_65 : vector<1000x256xf32>
    %swap3A = arith.constant 0 : index
    %swap3A_67 = arith.constant 0 : index
    %swap3A_68 = vector.load %arg8[%swap3A, %swap3A_67] : memref<1000x256xf32, #tpu.memory_space<vmem>>, vector<1000x256xf32>
    tpu.vector_store %arg8[%swap3A, %swap3A_67], %add3A_66 {strides = array<i32>} : memref<1000x256xf32, #tpu.memory_space<vmem>>, vector<1000x256xf32>,
    return
  }
  func.func @transform_0(%arg0: i32) -> (i32, i32) {
    %c0_i32 = arith.constant 0 : i32
    %c0_i32_0 = arith.constant 0 : i32
    return %arg0, %c0_i32 : i32, i32
  }
  func.func @transform_1(%arg0: i32) -> (i32, i32, i32) {
    %c0_i32 = arith.constant 0 : i32
    %c0_i32_0 = arith.constant 0 : i32
    %c0_i32_1 = arith.constant 0 : i32
    return %c0_i32, %arg0, %c0_i32_0 : i32, i32, i32
  }
  func.func @transform_2(%arg0: i32) -> (i32, i32, i32) {
    %c0_i32 = arith.constant 0 : i32
    %c0_i32_0 = arith.constant 0 : i32
    %c0_i32_1 = arith.constant 0 : i32
    return %c0_i32, %arg0, %c0_i32_0 : i32, i32, i32
  }
  func.func @transform_3(%arg0: i32) -> (i32, i32) {
    %c0_i32 = arith.constant 0 : i32
    %c0_i32_0 = arith.constant 0 : i32
    return %arg0, %c0_i32 : i32, i32
  }
  func.func @transform_4(%arg0: i32) -> (i32, i32) {
    %c0_i32 = arith.constant 0 : i32
    %c0_i32_0 = arith.constant 0 : i32
    %c0_i32_1 = arith.constant 0 : i32
    return %c0_i32, %c0_i32_0 : i32, i32
  }
  func.func @transform_5(%arg0: i32) -> (i32, i32) {
    %c0_i32 = arith.constant 0 : i32
    %c0_i32_0 = arith.constant 0 : i32
    %c0_i32_1 = arith.constant 0 : i32
    return %c0_i32, %c0_i32_0 : i32, i32
  }
  func.func @transform_6(%arg0: i32) -> (i32, i32) {
    %c0_i32 = arith.constant 0 : i32
    %c0_i32_0 = arith.constant 0 : i32
    %c0_i32_1 = arith.constant 0 : i32
    return %c0_i32, %c0_i32_0 : i32, i32
  }
  func.func @transform_7(%arg0: i32) -> (i32, i32) {
    %c0_i32 = arith.constant 0 : i32
    %c0_i32_0 = arith.constant 0 : i32
    return %arg0, %c0_i32 : i32, i32
  }
}

</mosaic_0001>

<sc_bundles>
// kernel: kernel.15.cloned.1.call-start
scs
__scs_entry_jumppad:
0x0: {  	(pc) =	sbr.rel $0x88, $3  }
0x1: {  	(tag) =	ssettag $0x0;
	lr =	simm.s32 $0x1  }
0x2: {  	[smem:$0x3F96] =	sst lr;
	_ =	strace $0xD0000000  }
0x3: {  	_ = 	snop  }
0x4: {  	_ = 	snop  }
0x5: {  	_ = 	snop  }
0x6: {  	_ = 	snop  }
0x7: {  	_ = 	snop  }
__scs_overlays_trampoline_lowered:
0x8: {  	[smem:$0x3FA5] =	sst s0  }
0x9: {  	[smem:$0x3FA6] =	sst s1  }
0xa: {  	[smem:$0x3FA7] =	sst s2  }
0xb: {  	[smem:$0x3FA8] =	sst s3  }
0xc: {  	[smem:$0x3FA9] =	sst s4  }
0xd: {  	[smem:$0x3FAA] =	sst s5  }
0xe: {  	[smem:$0x3FAB] =	sst s6  }
0xf: {  	[smem:$0x3FAC] =	sst s7  }
0x10: {  	[smem:$0x3FAD] =	sst s8  }
0x11: {  	[smem:$0x3FAE] =	sst s9;
	s0 =	simm.s32 @!p0 $0x0  }
0x12: {  	s1 =	sld [smem:$0x3F94];
	s0 =	simm.s32 @p0 $0x1  }
0x13: {  	[smem:$0x3FAF] =	sst s0;
	s0 =	simm.s32 @!p1 $0x0  }
0x14: {  	s2 =	sld [smem:$0x3F93];
	s0 =	simm.s32 @p1 $0x1  }
0x15: {  	[smem:$0x3FB0] =	sst s0;
	s0 =	simm.s32 @!p2 $0x0  }
0x16: {  	s3 =	sld [smem:$0x3FDB];
	s0 =	simm.s32 @p2 $0x1  }
0x17: {  	s4 =	simm.s32 $0x1BF5;
	[smem:$0x3FB2] =	sst s0  }
0x18: {  	s0 =	sld [smem:$0x3F95];
	_ =	swait.ge [sflag:s4], $0x0  }
0x19: {  	s7 =	sld [smem:$0x3F96]  }
0x1a: {  	s8 =	sadd.s32 $0xFFFFE003, lr  }
0x1b: {  	s9 =	sadd.s32 $0xFFFFFEF7, lr;
	s5 =	simm.s32 $0xFFFFFFFF;
	p2 =	slt.u32 s8, $0xFFFFF086  }
0x1c: {  	p1 =	slt.u32 s9, $0xF7A;
	s5 =	simm.s32 @!p2 $0x0  }
0x1d: {  	s5 =	simm.s32 @p1 $0x1;
	p0 =	seq.s32 s7, s2  }
0x1e: {  	s7 =	smul.u32 @!p0 $0xF7A, s2;
	p2 =	seq.s32 @!p0 s5, $0x0  }
0x1f: {  	s9 =	smul.u32 $0xF7A, s1;
	s8 =	simm.s32 @!p0 $0x1BF5;
	p2 =	por !p2, p0  }
0x20: {  	[sflag:s8] =	ssyncset.s32 @!p0 $0xFFFFF086;
	s6 =	sadd.s32 @!p0 s3, s7;
	s7 =	simm.s32 @!p0 $0x108  }
0x21: {  	s3 =	sadd.s32 s3, s9;
	s6 =	sadd.s32 @!p0 $0x88, s6;
	s7 =	simm.s32 @p2 $0x1082  }
0x22: {  	[simem:s7], [sflag:s8] =	dma.local @!p0 [hbm:s6], $0xF7A  }
0x23: {  	s9 =	sor.u32 $0xD0000000, s2;
	s6 =	simm.s32 $0x108;
	_ =	swait.ge @!p0 [sflag:s8], $0x0  }
0x24: {  	s3 =	sadd.s32 $0x88, s3;
	s6 =	simm.s32 @!p1 $0x1082;
	[sflag:s4] =	ssyncset.s32 $0xFFFFF086  }
0x25: {  	[simem:s6], [sflag:s4] =	dma.local [hbm:s3], $0xF7A  }
0x26: {  	[smem:$0x3F96] =	sst s1;
	(tag) =	ssettag s2;
	_ =	strace s9  }
0x27: {  	s1 =	sld [smem:$0x3FA6]  }
0x28: {  	s2 =	sld [smem:$0x3FA7]  }
0x29: {  	s4 =	sld [smem:$0x3FA9]  }
0x2a: {  	p0 =	seq.s32 s5, $0x0;
	s5 =	sld [smem:$0x3FAA]  }
0x2b: {  	s6 =	sld [smem:$0x3FAB]  }
0x2c: {  	s7 =	sld [smem:$0x3FAC]  }
0x2d: {  	s3 =	simm.s32 $0x108;
	s8 =	sld [smem:$0x3FAD]  }
0x2e: {  	s3 =	simm.s32 @!p0 $0x1082;
	s9 =	sld [smem:$0x3FAE]  }
0x2f: {  	lr =	sadd.s32 s0, s3;
	s0 =	sld [smem:$0x3FA5]  }
0x30: {  	s3 =	sld [smem:$0x3FA8]  }
0x31: {  	[smem:$0x3FB1] =	sst s10  }
0x32: {  	s10 =	sld [smem:$0x3FAF];
	_ =	sdelay $0x3  }
0x33: {  	p0 =	seq.s32 s10, $0x1;
	s10 =	sld [smem:$0x3FB1];
	_ =	sdelay $0x3  }
0x34: {  	[smem:$0x3FB1] =	sst s10  }
0x35: {  	s10 =	sld [smem:$0x3FB0];
	_ =	sdelay $0x3  }
0x36: {  	p1 =	seq.s32 s10, $0x1;
	s10 =	sld [smem:$0x3FB1];
	_ =	sdelay $0x3  }
0x37: {  	[smem:$0x3FB1] =	sst s10  }
0x38: {  	s10 =	sld [smem:$0x3FB2]  }
0x39: {  	_ = 	snop;
	(pc) =	sbr.ind lr, $3  }
0x3a: {  	_ = 	snop  }
0x3b: {  	_ = 	snop  }
0x3c: {  	p2 =	seq.s32 s10, $0x1;
	s10 =	sld [smem:$0x3FB1]  }
0x3d: {  	_ =	shalt  }
0x3e: {  	_ =	shalt  }
0x3f: {  	_ =	shalt  }
0x40: {  	_ =	shalt  }
0x41: {  	_ =	shalt  }
0x42: {  	_ =	shalt  }
0x43: {  	_ =	shalt  }
0x44: {  	_ =	shalt  }
0x45: {  	_ =	shalt  }
0x46: {  	_ =	shalt  }
0x47: {  	_ =	shalt  }
0x48: {  	_ =	shalt  }
0x49: {  	_ =	shalt  }
0x4a: {  	_ =	shalt  }
0x4b: {  	_ =	shalt  }
0x4c: {  	_ =	shalt  }
0x4d: {  	_ =	shalt  }
0x4e: {  	_ =	shalt  }
0x4f: {  	_ =	shalt  }
0x50: {  	_ =	shalt  }
0x51: {  	_ =	shalt  }
0x52: {  	_ =	shalt  }
0x53: {  	_ =	shalt  }
0x54: {  	_ =	shalt  }
0x55: {  	_ =	shalt  }
0x56: {  	_ =	shalt  }
0x57: {  	_ =	shalt  }
0x58: {  	_ =	shalt  }
0x59: {  	_ =	shalt  }
0x5a: {  	_ =	shalt  }
0x5b: {  	_ =	shalt  }
0x5c: {  	_ =	shalt  }
0x5d: {  	_ =	shalt  }
0x5e: {  	_ =	shalt  }
0x5f: {  	_ =	shalt  }
0x60: {  	_ =	shalt  }
0x61: {  	_ =	shalt  }
0x62: {  	_ =	shalt  }
0x63: {  	_ =	shalt  }
0x64: {  	_ =	shalt  }
0x65: {  	_ =	shalt  }
0x66: {  	_ =	shalt  }
0x67: {  	_ =	shalt  }
0x68: {  	_ =	shalt  }
0x69: {  	_ =	shalt  }
0x6a: {  	_ =	shalt  }
0x6b: {  	_ =	shalt  }
0x6c: {  	_ =	shalt  }
0x6d: {  	_ =	shalt  }
0x6e: {  	_ =	shalt  }
0x6f: {  	_ =	shalt  }
0x70: {  	_ =	shalt  }
0x71: {  	_ =	shalt  }
0x72: {  	_ =	shalt  }
0x73: {  	_ =	shalt  }
0x74: {  	_ =	shalt  }
0x75: {  	_ =	shalt  }
0x76: {  	_ =	shalt  }
0x77: {  	_ =	shalt  }
0x78: {  	_ =	shalt  }
0x79: {  	_ =	shalt  }
0x7a: {  	_ =	shalt  }
0x7b: {  	_ =	shalt  }
0x7c: {  	_ =	shalt  }
0x7d: {  	_ =	shalt  }
0x7e: {  	_ =	shalt  }
0x7f: {  	_ =	shalt  }
0x80: {  	_ =	shalt  }
0x81: {  	_ =	shalt  }
0x82: {  	_ =	shalt  }
0x83: {  	_ =	shalt  }
0x84: {  	_ =	shalt  }
0x85: {  	_ =	shalt  }
0x86: {  	_ =	shalt  }
0x87: {  	_ =	shalt  }
.Lfunc_end0:
.L_simem_size_0:
called_computation_lowered:
.L_overlay_start_0:
0x88: {  	s2 =	sld [smem:$0x3FD9]  }
0x89: {  	s3 =	sld [smem:$0x3FFE];
	_ =	sdelay $0x1  }
0x8a: {  	s1 =	srdreg.scid  }
0x8b: {  	s0 =	sand.u32 $0x1, s1  }
0x8c: {  	s16 =	sshll.u32 s0, $0xA;
	s2 =	sadd.s32 s3, s2  }
0x8d: {  	s2 =	sadd.s32 s2, s16  }
0x8e: {  	[smem:$0x3FBD] =	sst s2  }
0x8f: {  	_ = 	snop  }
0x90: {  	(tm) =	ssettm $0x1  }
0x91: {  	s17 =	sld [smem:$0x3FFB];
	_ =	sdelay $0x3  }
0x92: {  	_ =	strace s17  }
0x93: {  	s2 =	sld [smem:$0x3FFC];
	_ =	sdelay $0x3  }
0x94: {  	_ =	strace s2  }
0x95: {  	s2 =	sld [smem:$0x3FFD];
	_ =	sdelay $0x3  }
0x96: {  	_ =	strace s2  }
0x97: {  	_ =	strace $0x8FFFFFFF  }
0x98: {  	s18 =	sld [smem:$0x3FDB];
	_ =	sdelay $0x1  }
0x99: {  	s19 =	simm.s32 $_scs_section_size  }
0x9a: {  	s4 =	simm.s32 $_size__tile_overlayer_lowered;
	s5 =	simm.s32 $_tile_overlayer_lowered  }
0x9b: {  	s22 =	simm.s32 $0x1BFF;
	s21 =	sshll.u32 s5, $0x1;
	s2 =	sadd.s32 s19, s18  }
0x9c: {  	s6 =	simm.s32 $0x0;
	s20 =	sshll.u32 s4, $0x1;
	s4 =	sadd.s32 s21, s2  }
0x9d: {  	[timem:s6], [sflag:s22] =	dma.local [hbm:s4], s20  }
0x9e: {  	_ =	swait.ge [sflag:s22], s20  }
0x9f: {  	s3 =	ssub.s32 $0x0, s20;
	[sflag:s22] =	ssyncset.done $0x0  }
0xa0: {  	[sflag:s22] =	ssyncadd.s32 s3;
	_ =	sdelay $0x1  }
0xa1: {  	s23 =	simm.s32 $0x1B8B  }
0xa2: {  	_ =	swait.ge [sflag:s23], $0x1  }
0xa3: {  	[sflag:s23] =	ssyncset.done $0x0  }
0xa4: {  	s25 =	simm.s32 $0x1B8E;
	s24 =	sld [smem:$0x3FFE];
	[sflag:s23] =	ssyncadd.s32 $0xFFFFFFFF  }
0xa5: {  	s26 =	simm.s32 $execute0_lowered;
	[smem:$0x3FD2] =	sst s25  }
0xa6: {  	s4 =	sshll.u32 s26, $0x1;
	_ =	strace $0x80000046;
	[dreg:$0x1] =	wrdreg $0xFFFFFFFF  }
0xa7: {  	s28 =	simm.s32 $_size_execute0_lowered;
	s2 =	sadd.s32 s2, s4;
	[dreg:$0x0] =	wrdreg $0x0  }
0xa8: {  	s4 =	sshll.u32 s28, $0x1;
	[dreg:$0x2] =	wrdreg s2  }
0xa9: {  	[dreg:$0x3] =	wrdreg s4  }
0xaa: {  	[dreg:$0x4] =	wrdreg $0xC0  }
0xab: {  	_ =	task [dreg:s6], $0x5FFFF  }
0xac: {  	[dreg:$0x1] =	wrdreg $0xFFFFFFFF  }
0xad: {  	[dreg:$0x0] =	wrdreg $0x60  }
0xae: {  	[dreg:$0x2] =	wrdreg s24  }
0xaf: {  	[dreg:$0x3] =	wrdreg $0x28800  }
0xb0: {  	[dreg:$0x4] =	wrdreg $0x9  }
0xb1: {  	_ =	task.clear_ibuf [dreg:s6], $0x5FFFF;
	_ =	strace $0x90000046  }
0xb2: {  	s29 =	simm.s32 $0x9;
	_ =	strace $0x80000048  }
0xb3: {  	_ =	swait.ge [sflag:s29], $0x1  }
0xb4: {  	[sflag:s29] =	ssyncadd.s32 $0xFFFFFFFF  }
0xb5: {  	_ =	strace $0x90000048  }
0xb6: {  	_ =	sfence  }
0xb7: {  	s30 =	sld [smem:$0x0];
	_ =	sdelay $0x2  }
0xb8: {  	s31 =	sshll.u32 s1, $0xD;
	s1 =	sshrl.u32 s1, $0x2  }
0xb9: {  	s3 =	sand.u32 $0x4000, s31;
	s1 =	sadd.s32 s1, s30  }
0xba: {  	s0 =	sor.u32 s3, s0;
	s1 =	sshll.u32 s1, $0x11  }
0xbb: {  	s0 =	sor.u32 s1, s0  }
0xbc: {  	s0 =	sadd.s32 $0x8F2B, s0  }
0xbd: {  	[sflag:s0] =	ssyncadd.remote.s32 $0x1  }
0xbe: {  	_ =	sfence.sel $0xFFFF  }
0xbf: {  	[dreg:$0x0] =	wrdreg $0xFFFFFFFF;
	(pc) =	sbr.abs _section_cstart, $3  }
0xc0: {  	[dreg:$0x1] =	wrdreg $0xFFFFFFFF  }
0xc1: {  	_ =	task.clear_ibuf [dreg:s6], $0x2FFFF;
	_ =	strace $0x9FFFFFFF  }
0xc2: {  	(tm) =	ssettm $0x7FFFFFFF  }
0xc3: {  	_ =	shalt  }
tec
execute0_lowered:
.L_overlay_start_1:
0x0: {  	(tag) =	ssettag $0x1  }
0x1: {  	s1 =	srdreg.scid  }
0x2: {  	s1 =	sand.u32 $0x1, s1  }
0x3: {  	p0 =	seq.s32 s1, $0x1  }
.Ltmp0:
0x4: {  	_ = 	snop;
	(pc) =	sbr.rel @p0 .LBB2_6-.Ltmp0, $4  }
0x5: {  	s6 =	rddreg [dreg:$0x0]  }
0x6: {  	s2 =	rddreg [dreg:$0x1];
	s3 =	simm.s32 $0x0  }
0x7: {  	[smem:$0x7FF] =	sst s3  }
0x8: {  	s0 =	rddreg [dreg:$0x2];
	_ =	strace $0x80000047;
	s1 =	stileid.u32  }
0x9: {  	s3 =	smul.u32 $0x4E000, s1;
	_ =	sdelay $0x1  }
0xa: {  	s7 =	smul.u32 $0x2700, s1;
	s4 =	sadd.s32 $0x9000, s6;
	s3 =	sshrl.u32 s3, $0x2  }
0xb: {  	s30 =	sshll.u32 s1, $0x6;
	s31 =	simm.s32 $0x1;
	s5 =	sadd.s32 s3, s2  }
0xc: {  	s8 =	sadd.s32 s4, s7;
	s3 =	sor.u32 $0x1C01, s30;
	s4 =	sshrl.u32 s5, $0x3  }
0xd: {  	[spmem:s4], [sflag:s3] =	dma.local [hbm:s8], $0x2700  }
0xe: {  	_ =	swait.ge [sflag:s31], $0x2700  }
0xf: {  	p0 =	sne.s32 s1, $0xF;
	s8 =	sadd.s32 $0x138000, s2;
	[sflag:s31] =	ssyncset.done $0x0  }
0x10: {  	s9 =	sadd.s32 $0x30000, s6;
	s5 =	sshrl.u32 @!p0 s8, $0x3;
	[sflag:s31] =	ssyncadd.s32 $0xFFFFD900  }
0x11: {  	[spmem:s5], [sflag:s3] =	dma.local @!p0 [hbm:s9], $0x100  }
0x12: {  	s9 =	simm.s32 @!p0 $0x1  }
0x13: {  	s10 =	simm.s32 $0x0;
	s7 =	sadd.s32 s7, s6;
	_ =	swait.ge @!p0 [sflag:s9], $0x100  }
0x14: {  	s7 =	sadd.s32 $0x30200, s7;
	s8 =	sadd.s32 $0x4000, s6;
	[sflag:s9] =	ssyncset.done @!p0 $0x0  }
0x15: {  	v0 =	vimm.f32 $1.000000000e+00;
	s6 =	sadd.s32 $0x57200, s6;
	[sflag:s9] =	ssyncadd.s32 @!p0 $0xFFFFFF00;
	s9 =	simm.s32 $0x200  }
.LBB2_2:
0x16: {  	p1 =	sne.s32 s9, $0x9E00;
	[tilespmem:s10+$0x80] =	vst v0;
	s10 =	smov.u32 s9;
	s9 =	sadd.s32 $0x200, s9  }
.Ltmp1:
0x17: {  	(pc) =	sbr.rel @p1 .LBB2_2-.Ltmp1, $2  }
0x18: {  	_ =	sdelay $0x2  }
0x19: {  	s10 =	sshra.s32 s10, $0x2  }
0x1a: {  	s9 =	smul.u32 $0x4E2, s1  }
0x1b: {  	[tilespmem:s10+$0x80] =	vst v0  }
0x1c: {  	[bflag:$0x0] =	sbarrier.arrive $0xFFFF;
	s10 =	sadd.s32 s9, s8  }
0x1d: {  	s9 =	simm.s32 $0x0;
	s8 =	simm.s32 $0x1;
	s11 =	sadd.s32 $0x0, s10  }
0x1e: {  	[tilespmem:s9], [sflag:$0x1] =	stream.linear.gather [hbm4b:s11+s9], $0x50, $0x38;
	[tilespmem:$0x4F90] =	vst v63  }
0x1f: {  	_ =	swait.ge [sflag:s8], $0x50  }
0x20: {  	[sflag:s8] =	ssyncset.done $0x0  }
0x21: {  	s12 =	simm.s32 $0x80;
	s11 =	simm.s32 $0x50;
	[sflag:s8] =	ssyncadd.s32 $0xFFFFFFB0  }
0x22: {  	[spmem:s2] =	stream.indirect.scatter.add.f32 [tilespmem:s12], [sflag:$0x1], $0x10, s9, s11, $0xb8;
	[tilespmem:$0x4F90] =	vst v63  }
0x23: {  	_ =	swait.ge [sflag:s8], $0x500  }
0x24: {  	s13 =	simm.s32 $0xA;
	s14 =	simm.s32 $0x14;
	[sflag:s8] =	ssyncset.done $0x0  }
.LBB2_4:
0x25: {  	s15 =	sadd.s32 s13, s10  }
0x26: {  	[sflag:s8] =	ssyncadd.s32 $0xFFFFFB00;
	s13 =	smov.u32 s14;
	s16 =	sadd.s32 $0xA, s14  }
0x27: {  	[tilespmem:s9], [sflag:$0x1] =	stream.linear.gather [hbm4b:s15+s9], $0x50, $0x38;
	[tilespmem:$0x4F90] =	vst v63  }
0x28: {  	p1 =	sne.s32 s14, $0x4D8;
	_ =	swait.ge [sflag:s8], $0x50  }
.Ltmp2:
0x29: {  	[sflag:s8] =	ssyncset.done $0x0;
	(pc) =	sbr.rel @p1 .LBB2_4-.Ltmp2, $4  }
0x2a: {  	[sflag:s8] =	ssyncadd.s32 $0xFFFFFFB0  }
0x2b: {  	[spmem:s2] =	stream.indirect.scatter.add.f32 [tilespmem:s12], [sflag:$0x1], $0x10, s9, s11, $0xb8;
	[tilespmem:$0x4F90] =	vst v63  }
0x2c: {  	_ =	swait.ge [sflag:s8], $0x500  }
0x2d: {  	s14 =	smov.u32 s16;
	[sflag:s8] =	ssyncset.done $0x0  }
0x2e: {  	s10 =	sadd.s32 s13, s10;
	[sflag:s8] =	ssyncadd.s32 $0xFFFFFB00  }
0x2f: {  	[tilespmem:s9], [sflag:$0x1] =	stream.linear.gather [hbm4b:s10+s9], $0x50, $0x38;
	[tilespmem:$0x4F90] =	vst v63  }
0x30: {  	_ =	swait.ge [sflag:s8], $0x50  }
0x31: {  	[sflag:s8] =	ssyncset.done $0x0  }
0x32: {  	[sflag:s8] =	ssyncadd.s32 $0xFFFFFFB0  }
0x33: {  	[spmem:s2] =	stream.indirect.scatter.add.f32 [tilespmem:s12], [sflag:$0x1], $0x10, s9, s11, $0xb8;
	[tilespmem:$0x4F90] =	vst v63  }
0x34: {  	_ =	swait.ge [sflag:s8], $0x500  }
0x35: {  	[sflag:s8] =	ssyncset.done $0x0  }
0x36: {  	[sflag:s8] =	ssyncadd.s32 $0xFFFFFB00  }
0x37: {  	s31 =	simm.s32 $0x1;
	[bflag:$0x0] =	sbarrier.arrive $0xFFFF  }
0x38: {  	[hbm:s7], [sflag:s3] =	dma.local [spmem:s4], $0x2700  }
0x39: {  	_ =	swait.ge [sflag:s31], $0x2700  }
0x3a: {  	[sflag:s31] =	ssyncset.done $0x0  }
0x3b: {  	s2 =	simm.s32 @!p0 $0x1;
	[sflag:s31] =	ssyncadd.s32 $0xFFFFD900  }
0x3c: {  	[hbm:s6], [sflag:s3] =	dma.local @!p0 [spmem:s5], $0x100  }
0x3d: {  	_ =	swait.ge @!p0 [sflag:s2], $0x100  }
0x3e: {  	[sflag:s2] =	ssyncset.done @!p0 $0x0  }
0x3f: {  	[sflag:s2] =	ssyncadd.s32 @!p0 $0xFFFFFF00  }
.LBB2_6:
0x40: {  	_ =	sfence.sel $0x180000  }
0x41: {  	[bflag:$0x0] =	sbarrier.arrive $0xFFFF  }
0x42: {  	p0 =	sne.s32 s1, $0x0;
	_ =	strace $0x90000047  }
0x43: {  	s0 =	sadd.s32 @!p0 $0x100000, s0;
	[bflag:$0x2] =	sbarrier.arrive $0xFFFF  }
0x44: {  	[sflag:s0] =	ssyncadd.tile.s32 @!p0 $0x1;
	_ =	shalt  }
.Lfunc_end2:
_tile_overlayer_lowered:
.L_overlay_start_2:
0x45: {  	(tag) =	ssettag $0x2  }
0x46: {  	s0 =	rddreg [dreg:$0x0];
	s2 =	stileid.u32  }
0x47: {  	s1 =	rddreg [dreg:$0x1];
	p0 =	sne.s32 s2, $0x0  }
0x48: {  	s3 =	rddreg [dreg:$0x2];
	[bflag:$0x3] =	sbarrier.arrive $0xFFFF;
	s2 =	simm.s32 @!p0 $0x1C01  }
0x49: {  	[timem:s3], [sflag:s2] =	dma.local @!p0 [hbm:s0], s1  }
0x4a: {  	s0 =	simm.s32 @!p0 $0x1  }
0x4b: {  	_ =	swait.ge @!p0 [sflag:s0], s1  }
0x4c: {  	s1 =	ssub.s32 @!p0 $0x0, s1;
	[sflag:s0] =	ssyncset.done @!p0 $0x0  }
0x4d: {  	[sflag:s0] =	ssyncadd.s32 @!p0 s1  }
0x4e: {  	[bflag:$0x3] =	sbarrier.arrive $0xFFFF  }
0x4f: {  	_ =	shalt  }

// kernel: kernel.18.cloned.1.call-start
scs
__scs_entry_jumppad:
0x0: {  	(pc) =	sbr.rel $0x88, $3  }
0x1: {  	(tag) =	ssettag $0x0;
	lr =	simm.s32 $0x1  }
0x2: {  	[smem:$0x3F96] =	sst lr;
	_ =	strace $0xD0000000  }
0x3: {  	_ = 	snop  }
0x4: {  	_ = 	snop  }
0x5: {  	_ = 	snop  }
0x6: {  	_ = 	snop  }
0x7: {  	_ = 	snop  }
__scs_overlays_trampoline_lowered:
0x8: {  	[smem:$0x3FA5] =	sst s0  }
0x9: {  	[smem:$0x3FA6] =	sst s1  }
0xa: {  	[smem:$0x3FA7] =	sst s2  }
0xb: {  	[smem:$0x3FA8] =	sst s3  }
0xc: {  	[smem:$0x3FA9] =	sst s4  }
0xd: {  	[smem:$0x3FAA] =	sst s5  }
0xe: {  	[smem:$0x3FAB] =	sst s6  }
0xf: {  	[smem:$0x3FAC] =	sst s7  }
0x10: {  	[smem:$0x3FAD] =	sst s8  }
0x11: {  	[smem:$0x3FAE] =	sst s9;
	s0 =	simm.s32 @!p0 $0x0  }
0x12: {  	s1 =	sld [smem:$0x3F94];
	s0 =	simm.s32 @p0 $0x1  }
0x13: {  	[smem:$0x3FAF] =	sst s0;
	s0 =	simm.s32 @!p1 $0x0  }
0x14: {  	s2 =	sld [smem:$0x3F93];
	s0 =	simm.s32 @p1 $0x1  }
0x15: {  	[smem:$0x3FB0] =	sst s0;
	s0 =	simm.s32 @!p2 $0x0  }
0x16: {  	s3 =	sld [smem:$0x3FDB];
	s0 =	simm.s32 @p2 $0x1  }
0x17: {  	s4 =	simm.s32 $0x1BF5;
	[smem:$0x3FB2] =	sst s0  }
0x18: {  	s0 =	sld [smem:$0x3F95];
	_ =	swait.ge [sflag:s4], $0x0  }
0x19: {  	s7 =	sld [smem:$0x3F96]  }
0x1a: {  	s8 =	sadd.s32 $0xFFFFE003, lr  }
0x1b: {  	s9 =	sadd.s32 $0xFFFFFEF7, lr;
	s5 =	simm.s32 $0xFFFFFFFF;
	p2 =	slt.u32 s8, $0xFFFFF086  }
0x1c: {  	p1 =	slt.u32 s9, $0xF7A;
	s5 =	simm.s32 @!p2 $0x0  }
0x1d: {  	s5 =	simm.s32 @p1 $0x1;
	p0 =	seq.s32 s7, s2  }
0x1e: {  	s7 =	smul.u32 @!p0 $0xF7A, s2;
	p2 =	seq.s32 @!p0 s5, $0x0  }
0x1f: {  	s9 =	smul.u32 $0xF7A, s1;
	s8 =	simm.s32 @!p0 $0x1BF5;
	p2 =	por !p2, p0  }
0x20: {  	[sflag:s8] =	ssyncset.s32 @!p0 $0xFFFFF086;
	s6 =	sadd.s32 @!p0 s3, s7;
	s7 =	simm.s32 @!p0 $0x108  }
0x21: {  	s3 =	sadd.s32 s3, s9;
	s6 =	sadd.s32 @!p0 $0x88, s6;
	s7 =	simm.s32 @p2 $0x1082  }
0x22: {  	[simem:s7], [sflag:s8] =	dma.local @!p0 [hbm:s6], $0xF7A  }
0x23: {  	s9 =	sor.u32 $0xD0000000, s2;
	s6 =	simm.s32 $0x108;
	_ =	swait.ge @!p0 [sflag:s8], $0x0  }
0x24: {  	s3 =	sadd.s32 $0x88, s3;
	s6 =	simm.s32 @!p1 $0x1082;
	[sflag:s4] =	ssyncset.s32 $0xFFFFF086  }
0x25: {  	[simem:s6], [sflag:s4] =	dma.local [hbm:s3], $0xF7A  }
0x26: {  	[smem:$0x3F96] =	sst s1;
	(tag) =	ssettag s2;
	_ =	strace s9  }
0x27: {  	s1 =	sld [smem:$0x3FA6]  }
0x28: {  	s2 =	sld [smem:$0x3FA7]  }
0x29: {  	s4 =	sld [smem:$0x3FA9]  }
0x2a: {  	p0 =	seq.s32 s5, $0x0;
	s5 =	sld [smem:$0x3FAA]  }
0x2b: {  	s6 =	sld [smem:$0x3FAB]  }
0x2c: {  	s7 =	sld [smem:$0x3FAC]  }
0x2d: {  	s3 =	simm.s32 $0x108;
	s8 =	sld [smem:$0x3FAD]  }
0x2e: {  	s3 =	simm.s32 @!p0 $0x1082;
	s9 =	sld [smem:$0x3FAE]  }
0x2f: {  	lr =	sadd.s32 s0, s3;
	s0 =	sld [smem:$0x3FA5]  }
0x30: {  	s3 =	sld [smem:$0x3FA8]  }
0x31: {  	[smem:$0x3FB1] =	sst s10  }
0x32: {  	s10 =	sld [smem:$0x3FAF];
	_ =	sdelay $0x3  }
0x33: {  	p0 =	seq.s32 s10, $0x1;
	s10 =	sld [smem:$0x3FB1];
	_ =	sdelay $0x3  }
0x34: {  	[smem:$0x3FB1] =	sst s10  }
0x35: {  	s10 =	sld [smem:$0x3FB0];
	_ =	sdelay $0x3  }
0x36: {  	p1 =	seq.s32 s10, $0x1;
	s10 =	sld [smem:$0x3FB1];
	_ =	sdelay $0x3  }
0x37: {  	[smem:$0x3FB1] =	sst s10  }
0x38: {  	s10 =	sld [smem:$0x3FB2]  }
0x39: {  	_ = 	snop;
	(pc) =	sbr.ind lr, $3  }
0x3a: {  	_ = 	snop  }
0x3b: {  	_ = 	snop  }
0x3c: {  	p2 =	seq.s32 s10, $0x1;
	s10 =	sld [smem:$0x3FB1]  }
0x3d: {  	_ =	shalt  }
0x3e: {  	_ =	shalt  }
0x3f: {  	_ =	shalt  }
0x40: {  	_ =	shalt  }
0x41: {  	_ =	shalt  }
0x42: {  	_ =	shalt  }
0x43: {  	_ =	shalt  }
0x44: {  	_ =	shalt  }
0x45: {  	_ =	shalt  }
0x46: {  	_ =	shalt  }
0x47: {  	_ =	shalt  }
0x48: {  	_ =	shalt  }
0x49: {  	_ =	shalt  }
0x4a: {  	_ =	shalt  }
0x4b: {  	_ =	shalt  }
0x4c: {  	_ =	shalt  }
0x4d: {  	_ =	shalt  }
0x4e: {  	_ =	shalt  }
0x4f: {  	_ =	shalt  }
0x50: {  	_ =	shalt  }
0x51: {  	_ =	shalt  }
0x52: {  	_ =	shalt  }
0x53: {  	_ =	shalt  }
0x54: {  	_ =	shalt  }
0x55: {  	_ =	shalt  }
0x56: {  	_ =	shalt  }
0x57: {  	_ =	shalt  }
0x58: {  	_ =	shalt  }
0x59: {  	_ =	shalt  }
0x5a: {  	_ =	shalt  }
0x5b: {  	_ =	shalt  }
0x5c: {  	_ =	shalt  }
0x5d: {  	_ =	shalt  }
0x5e: {  	_ =	shalt  }
0x5f: {  	_ =	shalt  }
0x60: {  	_ =	shalt  }
0x61: {  	_ =	shalt  }
0x62: {  	_ =	shalt  }
0x63: {  	_ =	shalt  }
0x64: {  	_ =	shalt  }
0x65: {  	_ =	shalt  }
0x66: {  	_ =	shalt  }
0x67: {  	_ =	shalt  }
0x68: {  	_ =	shalt  }
0x69: {  	_ =	shalt  }
0x6a: {  	_ =	shalt  }
0x6b: {  	_ =	shalt  }
0x6c: {  	_ =	shalt  }
0x6d: {  	_ =	shalt  }
0x6e: {  	_ =	shalt  }
0x6f: {  	_ =	shalt  }
0x70: {  	_ =	shalt  }
0x71: {  	_ =	shalt  }
0x72: {  	_ =	shalt  }
0x73: {  	_ =	shalt  }
0x74: {  	_ =	shalt  }
0x75: {  	_ =	shalt  }
0x76: {  	_ =	shalt  }
0x77: {  	_ =	shalt  }
0x78: {  	_ =	shalt  }
0x79: {  	_ =	shalt  }
0x7a: {  	_ =	shalt  }
0x7b: {  	_ =	shalt  }
0x7c: {  	_ =	shalt  }
0x7d: {  	_ =	shalt  }
0x7e: {  	_ =	shalt  }
0x7f: {  	_ =	shalt  }
0x80: {  	_ =	shalt  }
0x81: {  	_ =	shalt  }
0x82: {  	_ =	shalt  }
0x83: {  	_ =	shalt  }
0x84: {  	_ =	shalt  }
0x85: {  	_ =	shalt  }
0x86: {  	_ =	shalt  }
0x87: {  	_ =	shalt  }
.Lfunc_end0:
.L_simem_size_0:
called_computation.1_lowered:
.L_overlay_start_0:
0x88: {  	s2 =	sld [smem:$0x3FD9]  }
0x89: {  	s3 =	sld [smem:$0x3FFE];
	_ =	sdelay $0x1  }
0x8a: {  	s1 =	srdreg.scid  }
0x8b: {  	s0 =	sand.u32 $0x1, s1  }
0x8c: {  	s16 =	sshll.u32 s0, $0xA;
	s2 =	sadd.s32 s3, s2  }
0x8d: {  	s2 =	sadd.s32 s2, s16  }
0x8e: {  	[smem:$0x3FBD] =	sst s2  }
0x8f: {  	_ = 	snop  }
0x90: {  	(tm) =	ssettm $0x1  }
0x91: {  	s17 =	sld [smem:$0x3FFB];
	_ =	sdelay $0x3  }
0x92: {  	_ =	strace s17  }
0x93: {  	s2 =	sld [smem:$0x3FFC];
	_ =	sdelay $0x3  }
0x94: {  	_ =	strace s2  }
0x95: {  	s2 =	sld [smem:$0x3FFD];
	_ =	sdelay $0x3  }
0x96: {  	_ =	strace s2  }
0x97: {  	_ =	strace $0x8FFFFFFF  }
0x98: {  	s18 =	sld [smem:$0x3FDB];
	_ =	sdelay $0x1  }
0x99: {  	s19 =	simm.s32 $_scs_section_size  }
0x9a: {  	s4 =	simm.s32 $_size__tile_overlayer_lowered;
	s5 =	simm.s32 $_tile_overlayer_lowered  }
0x9b: {  	s22 =	simm.s32 $0x1BFF;
	s21 =	sshll.u32 s5, $0x1;
	s2 =	sadd.s32 s19, s18  }
0x9c: {  	s6 =	simm.s32 $0x0;
	s20 =	sshll.u32 s4, $0x1;
	s4 =	sadd.s32 s21, s2  }
0x9d: {  	[timem:s6], [sflag:s22] =	dma.local [hbm:s4], s20  }
0x9e: {  	_ =	swait.ge [sflag:s22], s20  }
0x9f: {  	s3 =	ssub.s32 $0x0, s20;
	[sflag:s22] =	ssyncset.done $0x0  }
0xa0: {  	[sflag:s22] =	ssyncadd.s32 s3;
	_ =	sdelay $0x1  }
0xa1: {  	s23 =	simm.s32 $0x1B8B  }
0xa2: {  	_ =	swait.ge [sflag:s23], $0x1  }
0xa3: {  	[sflag:s23] =	ssyncset.done $0x0  }
0xa4: {  	s25 =	simm.s32 $0x1B8E;
	s24 =	sld [smem:$0x3FFE];
	[sflag:s23] =	ssyncadd.s32 $0xFFFFFFFF  }
0xa5: {  	s26 =	simm.s32 $execute0_lowered;
	[smem:$0x3FD2] =	sst s25  }
0xa6: {  	s4 =	sshll.u32 s26, $0x1;
	_ =	strace $0x80000049;
	[dreg:$0x1] =	wrdreg $0xFFFFFFFF  }
0xa7: {  	s28 =	simm.s32 $_size_execute0_lowered;
	s2 =	sadd.s32 s2, s4;
	[dreg:$0x0] =	wrdreg $0x0  }
0xa8: {  	s4 =	sshll.u32 s28, $0x1;
	[dreg:$0x2] =	wrdreg s2  }
0xa9: {  	[dreg:$0x3] =	wrdreg s4  }
0xaa: {  	[dreg:$0x4] =	wrdreg $0xC0  }
0xab: {  	_ =	task [dreg:s6], $0x5FFFF  }
0xac: {  	[dreg:$0x1] =	wrdreg $0xFFFFFFFF  }
0xad: {  	[dreg:$0x0] =	wrdreg $0x60  }
0xae: {  	[dreg:$0x2] =	wrdreg s24  }
0xaf: {  	[dreg:$0x3] =	wrdreg $0x52000  }
0xb0: {  	[dreg:$0x4] =	wrdreg $0x9  }
0xb1: {  	_ =	task.clear_ibuf [dreg:s6], $0x5FFFF;
	_ =	strace $0x90000049  }
0xb2: {  	s29 =	simm.s32 $0x9;
	_ =	strace $0x8000004B  }
0xb3: {  	_ =	swait.ge [sflag:s29], $0x1  }
0xb4: {  	[sflag:s29] =	ssyncadd.s32 $0xFFFFFFFF  }
0xb5: {  	_ =	strace $0x9000004B  }
0xb6: {  	_ =	sfence  }
0xb7: {  	s30 =	sld [smem:$0x0];
	_ =	sdelay $0x2  }
0xb8: {  	s31 =	sshll.u32 s1, $0xD;
	s1 =	sshrl.u32 s1, $0x2  }
0xb9: {  	s3 =	sand.u32 $0x4000, s31;
	s1 =	sadd.s32 s1, s30  }
0xba: {  	s0 =	sor.u32 s3, s0;
	s1 =	sshll.u32 s1, $0x11  }
0xbb: {  	s0 =	sor.u32 s1, s0  }
0xbc: {  	s0 =	sadd.s32 $0x8F2B, s0  }
0xbd: {  	[sflag:s0] =	ssyncadd.remote.s32 $0x1  }
0xbe: {  	_ =	sfence.sel $0xFFFF  }
0xbf: {  	[dreg:$0x0] =	wrdreg $0xFFFFFFFF;
	(pc) =	sbr.abs _section_cstart, $3  }
0xc0: {  	[dreg:$0x1] =	wrdreg $0xFFFFFFFF  }
0xc1: {  	_ =	task.clear_ibuf [dreg:s6], $0x2FFFF;
	_ =	strace $0x9FFFFFFF  }
0xc2: {  	(tm) =	ssettm $0x7FFFFFFF  }
0xc3: {  	_ =	shalt  }
tec
execute0_lowered:
.L_overlay_start_1:
0x0: {  	(tag) =	ssettag $0x1  }
0x1: {  	s0 =	rddreg [dreg:$0x0]  }
0x2: {  	s1 =	rddreg [dreg:$0x1];
	s3 =	simm.s32 $0x0  }
0x3: {  	s18 =	stileid.u32;
	s2 =	srdreg.scid;
	s28 =	simm.s32 $0x2  }
0x4: {  	s29 =	simm.s32 $0x0;
	[smem:$0x7FF] =	sst s3;
	s11 =	smul.u32 $0x2700, s18  }
0x5: {  	s4 =	sadd.s32 $0xA5600, s0;
	s2 =	sand.u32 $0x1, s2;
	s9 =	smul.u32 $0x4E000, s18  }
0x6: {  	s15 =	sadd.s32 $0x4000, s0;
	s5 =	sadd.s32 $0x9000, s0;
	s16 =	smul.u32 $0x2710, s18  }
0x7: {  	s12 =	sadd.s32 $0xD6600, s0;
	s20 =	sshll.u32 s18, $0x6;
	s30 =	smul.u32 $0x4E2, s18  }
0x8: {  	p0 =	sne.s32 s18, $0xF;
	_ =	strace $0x8000004A;
	s14 =	smul.u32 $0x27100, s2  }
0x9: {  	s6 =	ssub.s32 $0x2, s2;
	s17 =	sshll.u32 s2, $0x4;
	s2 =	smul.u32 $0x138800, s2  }
0xa: {  	s7 =	sadd.s32 s11, s0;
	s8 =	sshrl.u32 s6, $0x1;
	s19 =	sshrl.u32 s9, $0x2  }
0xb: {  	s0 =	sadd.s32 $0xD6400, s0;
	s23 =	sshrl.u32 s16, $0x3;
	s13 =	ssub.s32 s6, s8  }
0xc: {  	s6 =	sor.u32 s18, s17;
	s17 =	sadd.s32 s19, s1;
	s22 =	sadd.s32 $0xAF400, s7  }
0xd: {  	s7 =	sor.u32 $0x1C03, s20;
	s19 =	sadd.s32 $0x138000, s1;
	[dreg:$0x4] =	wrdreg s0  }
0xe: {  	s10 =	sadd.s32 s15, s23;
	s24 =	sadd.s32 s11, s14;
	s2 =	sshrl.u32 s2, $0x3  }
0xf: {  	s26 =	sadd.s32 s16, s14;
	s15 =	sadd.s32 s30, s15;
	s18 =	simm.s32 $0x3  }
0x10: {  	s20 =	simm.s32 $0x50;
	s23 =	simm.s32 $0x100;
	s21 =	smul.u32 $0x2710, s6  }
0x11: {  	[dreg:$0x3] =	wrdreg s22;
	s11 =	sadd.s32 s12, s24;
	s25 =	sadd.s32 s12, s2  }
0x12: {  	s16 =	sadd.s32 $0x50, s26;
	s13 =	smax.u32 s13, $0x1;
	s14 =	sadd.s32 $0xA0, s26  }
0x13: {  	s17 =	sshrl.u32 s17, $0x3;
	s19 =	sshrl.u32 @!p0 s19, $0x3;
	s22 =	simm.s32 $0x1  }
0x14: {  	s24 =	simm.s32 $0x80;
	s26 =	simm.s32 $0x180;
	s12 =	sadd.s32 $0x27000, s25  }
0x15: {  	s31 =	sshrl.u32 s16, $0x3;
	s25 =	simm.s32 $0x2A00;
	s9 =	sshrl.u32 s21, $0x3  }
0x16: {  	s16 =	sadd.s32 s31, s4;
	s21 =	simm.s32 $0x200;
	s9 =	sadd.s32 s4, s9  }
.LBB2_1:
0x17: {  	s0 =	rddreg [dreg:$0x3]  }
0x18: {  	[spmem:s17], [sflag:s7] =	dma.local [hbm:s0], $0x2700  }
0x19: {  	_ =	swait.ge [sflag:s18], $0x2700  }
0x1a: {  	[sflag:s18] =	ssyncset.done $0x0  }
0x1b: {  	s0 =	rddreg [dreg:$0x4];
	[sflag:s18] =	ssyncadd.s32 $0xFFFFD900  }
0x1c: {  	[spmem:s19], [sflag:s7] =	dma.local @!p0 [hbm:s0], $0x100  }
0x1d: {  	s0 =	simm.s32 @!p0 $0x3  }
0x1e: {  	_ =	swait.ge @!p0 [sflag:s0], $0x100  }
0x1f: {  	[sflag:s0] =	ssyncset.done @!p0 $0x0  }
0x20: {  	[sflag:s0] =	ssyncadd.s32 @!p0 $0xFFFFFF00  }
0x21: {  	[bflag:$0x0] =	sbarrier.arrive $0xFFFF  }
0x22: {  	[tilespmem:s3], [sflag:$0x3] =	stream.linear.gather [hbm4b:s9+s3], $0x50, $0x38;
	[tilespmem:$0x18A80] =	vst v63  }
0x23: {  	_ =	swait.ge [sflag:s18], $0x50  }
0x24: {  	[sflag:s18] =	ssyncset.done $0x0  }
0x25: {  	[sflag:s18] =	ssyncadd.s32 $0xFFFFFFB0  }
0x26: {  	[tilespmem:s21], [sflag:$0x1] =	stream.indirect.gather [hbm4b:s5+s20], $0x80, s3, s20, $0xb8;
	[tilespmem:$0x18A80] =	vst v63  }
0x27: {  	_ =	swait.ge [sflag:s22], $0x2800  }
0x28: {  	[sflag:s22] =	ssyncset.done $0x0  }
0x29: {  	[sflag:s22] =	ssyncadd.s32 $0xFFFFD800  }
0x2a: {  	[tilespmem:s23], [sflag:$0x3] =	stream.linear.gather [hbm4b:s10+s3], $0x50, $0x38;
	[tilespmem:$0x18A80] =	vst v63  }
0x2b: {  	_ =	swait.ge [sflag:s18], $0x50  }
0x2c: {  	[sflag:s18] =	ssyncset.done $0x0  }
0x2d: {  	s2 =	sadd.s32 $0x0, s16;
	[sflag:s18] =	ssyncadd.s32 $0xFFFFFFB0  }
0x2e: {  	[tilespmem:s24], [sflag:$0x3] =	stream.linear.gather [hbm4b:s2+s3], $0x50, $0x38;
	[tilespmem:$0x18A80] =	vst v63  }
0x2f: {  	_ =	swait.ge [sflag:s18], $0x50  }
0x30: {  	[sflag:s18] =	ssyncset.done $0x0  }
0x31: {  	s6 =	sadd.s32 $0x0, s15;
	[sflag:s18] =	ssyncadd.s32 $0xFFFFFFB0  }
0x32: {  	[tilespmem:s25], [sflag:$0x2] =	stream.indirect.gather [hbm4b:s5+s20], $0x80, s24, s20, $0xb8;
	[tilespmem:$0x18A80] =	vst v63  }
0x33: {  	s2 =	sadd.s32 $0xA, s6  }
0x34: {  	[tilespmem:s26], [sflag:$0x3] =	stream.linear.gather [hbm4b:s2+s3], $0x50, $0x38;
	[tilespmem:$0x18A80] =	vst v63  }
0x35: {  	_ =	swait.ge [sflag:s18], $0x50  }
0x36: {  	[sflag:s18] =	ssyncset.done $0x0  }
0x37: {  	[sflag:s18] =	ssyncadd.s32 $0xFFFFFFB0  }
0x38: {  	[spmem:s1] =	stream.indirect.scatter.add.f32 [tilespmem:s21], [sflag:$0x3], $0x80, s23, s20, $0xb8;
	[tilespmem:$0x18A80] =	vst v63  }
0x39: {  	_ =	swait.ge [sflag:s18], $0x2800  }
0x3a: {  	[sflag:s18] =	ssyncset.done $0x0  }
0x3b: {  	[sflag:s18] =	ssyncadd.s32 $0xFFFFD800  }
0x3c: {  	_ =	swait.ge [sflag:s28], $0x2800  }
0x3d: {  	s8 =	sshrl.u32 s14, $0x3;
	[sflag:s28] =	ssyncset.done $0x0  }
0x3e: {  	s2 =	sadd.s32 s4, s8;
	[sflag:s28] =	ssyncadd.s32 $0xFFFFD800  }
0x3f: {  	[tilespmem:s3], [sflag:$0x3] =	stream.linear.gather [hbm4b:s2+s3], $0x50, $0x38;
	[tilespmem:$0x18A80] =	vst v63  }
0x40: {  	_ =	swait.ge [sflag:s18], $0x50  }
0x41: {  	[sflag:s18] =	ssyncset.done $0x0  }
0x42: {  	[sflag:s18] =	ssyncadd.s32 $0xFFFFFFB0  }
0x43: {  	[tilespmem:s21], [sflag:$0x1] =	stream.indirect.gather [hbm4b:s5+s20], $0x80, s3, s20, $0xb8;
	[tilespmem:$0x18A80] =	vst v63  }
0x44: {  	s0 =	sadd.s32 $0x14, s6  }
0x45: {  	[tilespmem:s23], [sflag:$0x3] =	stream.linear.gather [hbm4b:s0+s3], $0x50, $0x38;
	[tilespmem:$0x18A80] =	vst v63  }
0x46: {  	_ =	swait.ge [sflag:s18], $0x50  }
0x47: {  	[sflag:s18] =	ssyncset.done $0x0  }
0x48: {  	[sflag:s18] =	ssyncadd.s32 $0xFFFFFFB0  }
0x49: {  	[spmem:s1] =	stream.indirect.scatter.add.f32 [tilespmem:s25], [sflag:$0x3], $0x80, s26, s20, $0xb8;
	[tilespmem:$0x18A80] =	vst v63  }
0x4a: {  	_ =	swait.ge [sflag:s18], $0x2800  }
0x4b: {  	[sflag:s18] =	ssyncset.done $0x0  }
0x4c: {  	[sflag:s18] =	ssyncadd.s32 $0xFFFFD800  }
0x4d: {  	s31 =	simm.s32 $0x14;
	_ =	swait.ge [sflag:s22], $0x2800  }
0x4e: {  	s30 =	sadd.s32 $0xA0, s14;
	s0 =	simm.s32 $0x28;
	[sflag:s22] =	ssyncset.done $0x0  }
.LBB2_2:
0x4f: {  	s6 =	sadd.s32 s31, s16  }
0x50: {  	[sflag:s22] =	ssyncadd.s32 $0xFFFFD800;
	s8 =	smov.u32 s0;
	s2 =	sadd.s32 $0x14, s0  }
0x51: {  	[tilespmem:s24], [sflag:$0x3] =	stream.linear.gather [hbm4b:s6+s3], $0x50, $0x38;
	[tilespmem:$0x18A80] =	vst v63  }
0x52: {  	p1 =	sne.s32 s0, $0x4C4;
	_ =	swait.ge [sflag:s18], $0x50  }
0x53: {  	[sflag:s18] =	ssyncset.done $0x0  }
0x54: {  	s0 =	sadd.s32 s31, s15;
	s31 =	smov.u32 s8;
	[sflag:s18] =	ssyncadd.s32 $0xFFFFFFB0  }
0x55: {  	[tilespmem:s25], [sflag:$0x2] =	stream.indirect.gather [hbm4b:s5+s20], $0x80, s24, s20, $0xb8;
	[tilespmem:$0x18A80] =	vst v63  }
0x56: {  	s6 =	sadd.s32 $0xA, s0  }
0x57: {  	[tilespmem:s26], [sflag:$0x3] =	stream.linear.gather [hbm4b:s6+s3], $0x50, $0x38;
	[tilespmem:$0x18A80] =	vst v63  }
0x58: {  	_ =	swait.ge [sflag:s18], $0x50  }
0x59: {  	[sflag:s18] =	ssyncset.done $0x0  }
0x5a: {  	[sflag:s18] =	ssyncadd.s32 $0xFFFFFFB0  }
0x5b: {  	[spmem:s1] =	stream.indirect.scatter.add.f32 [tilespmem:s21], [sflag:$0x3], $0x80, s23, s20, $0xb8;
	[tilespmem:$0x18A80] =	vst v63  }
0x5c: {  	_ =	swait.ge [sflag:s18], $0x2800  }
0x5d: {  	[sflag:s18] =	ssyncset.done $0x0  }
0x5e: {  	[sflag:s18] =	ssyncadd.s32 $0xFFFFD800  }
0x5f: {  	_ =	swait.ge [sflag:s28], $0x2800  }
0x60: {  	s6 =	sshrl.u32 s30, $0x3;
	[sflag:s28] =	ssyncset.done $0x0  }
0x61: {  	s6 =	sadd.s32 s4, s6;
	[sflag:s28] =	ssyncadd.s32 $0xFFFFD800  }
0x62: {  	[tilespmem:s3], [sflag:$0x3] =	stream.linear.gather [hbm4b:s6+s3], $0x50, $0x38;
	[tilespmem:$0x18A80] =	vst v63  }
0x63: {  	_ =	swait.ge [sflag:s18], $0x50  }
0x64: {  	[sflag:s18] =	ssyncset.done $0x0  }
0x65: {  	[sflag:s18] =	ssyncadd.s32 $0xFFFFFFB0  }
0x66: {  	[tilespmem:s21], [sflag:$0x1] =	stream.indirect.gather [hbm4b:s5+s20], $0x80, s3, s20, $0xb8;
	[tilespmem:$0x18A80] =	vst v63  }
0x67: {  	s0 =	sadd.s32 $0x14, s0  }
0x68: {  	[tilespmem:s23], [sflag:$0x3] =	stream.linear.gather [hbm4b:s0+s3], $0x50, $0x38;
	[tilespmem:$0x18A80] =	vst v63  }
0x69: {  	_ =	swait.ge [sflag:s18], $0x50  }
0x6a: {  	[sflag:s18] =	ssyncset.done $0x0  }
0x6b: {  	[sflag:s18] =	ssyncadd.s32 $0xFFFFFFB0  }
0x6c: {  	[spmem:s1] =	stream.indirect.scatter.add.f32 [tilespmem:s25], [sflag:$0x3], $0x80, s26, s20, $0xb8;
	[tilespmem:$0x18A80] =	vst v63  }
.Ltmp0:
0x6d: {  	_ =	swait.ge [sflag:s18], $0x2800;
	(pc) =	sbr.rel @p1 .LBB2_2-.Ltmp0, $4  }
0x6e: {  	[sflag:s18] =	ssyncset.done $0x0  }
0x6f: {  	[sflag:s18] =	ssyncadd.s32 $0xFFFFD800  }
0x70: {  	_ =	swait.ge [sflag:s22], $0x2800  }
0x71: {  	s30 =	sadd.s32 $0xA0, s30;
	s0 =	smov.u32 s2;
	[sflag:s22] =	ssyncset.done $0x0  }
0x72: {  	s0 =	sadd.s32 s31, s16;
	[sflag:s22] =	ssyncadd.s32 $0xFFFFD800  }
0x73: {  	[tilespmem:s24], [sflag:$0x3] =	stream.linear.gather [hbm4b:s0+s3], $0x50, $0x38;
	[tilespmem:$0x18A80] =	vst v63  }
0x74: {  	_ =	swait.ge [sflag:s18], $0x50  }
0x75: {  	[sflag:s18] =	ssyncset.done $0x0  }
0x76: {  	s8 =	sadd.s32 s31, s15;
	[sflag:s18] =	ssyncadd.s32 $0xFFFFFFB0  }
0x77: {  	[tilespmem:s25], [sflag:$0x2] =	stream.indirect.gather [hbm4b:s5+s20], $0x80, s24, s20, $0xb8;
	[tilespmem:$0x18A80] =	vst v63  }
0x78: {  	s2 =	sadd.s32 $0xA, s8  }
0x79: {  	[tilespmem:s26], [sflag:$0x3] =	stream.linear.gather [hbm4b:s2+s3], $0x50, $0x38;
	[tilespmem:$0x18A80] =	vst v63  }
0x7a: {  	_ =	swait.ge [sflag:s18], $0x50  }
0x7b: {  	[sflag:s18] =	ssyncset.done $0x0  }
0x7c: {  	[sflag:s18] =	ssyncadd.s32 $0xFFFFFFB0  }
0x7d: {  	[spmem:s1] =	stream.indirect.scatter.add.f32 [tilespmem:s21], [sflag:$0x3], $0x80, s23, s20, $0xb8;
	[tilespmem:$0x18A80] =	vst v63  }
0x7e: {  	_ =	swait.ge [sflag:s18], $0x2800  }
0x7f: {  	[sflag:s18] =	ssyncset.done $0x0  }
0x80: {  	[sflag:s18] =	ssyncadd.s32 $0xFFFFD800  }
0x81: {  	_ =	swait.ge [sflag:s28], $0x2800  }
0x82: {  	s31 =	sshrl.u32 s30, $0x3;
	[sflag:s28] =	ssyncset.done $0x0  }
0x83: {  	s2 =	sadd.s32 s4, s31;
	[sflag:s28] =	ssyncadd.s32 $0xFFFFD800  }
0x84: {  	[tilespmem:s3], [sflag:$0x3] =	stream.linear.gather [hbm4b:s2+s3], $0x50, $0x38;
	[tilespmem:$0x18A80] =	vst v63  }
0x85: {  	_ =	swait.ge [sflag:s18], $0x50  }
0x86: {  	[sflag:s18] =	ssyncset.done $0x0  }
0x87: {  	[sflag:s18] =	ssyncadd.s32 $0xFFFFFFB0  }
0x88: {  	[tilespmem:s21], [sflag:$0x1] =	stream.indirect.gather [hbm4b:s5+s20], $0x80, s3, s20, $0xb8;
	[tilespmem:$0x18A80] =	vst v63  }
0x89: {  	s0 =	sadd.s32 $0x14, s8  }
0x8a: {  	[tilespmem:s23], [sflag:$0x3] =	stream.linear.gather [hbm4b:s0+s3], $0x50, $0x38;
	[tilespmem:$0x18A80] =	vst v63  }
0x8b: {  	_ =	swait.ge [sflag:s18], $0x50  }
0x8c: {  	[sflag:s18] =	ssyncset.done $0x0  }
0x8d: {  	[sflag:s18] =	ssyncadd.s32 $0xFFFFFFB0  }
0x8e: {  	[spmem:s1] =	stream.indirect.scatter.add.f32 [tilespmem:s25], [sflag:$0x3], $0x80, s26, s20, $0xb8;
	[tilespmem:$0x18A80] =	vst v63  }
0x8f: {  	_ =	swait.ge [sflag:s18], $0x2800  }
0x90: {  	[sflag:s18] =	ssyncset.done $0x0  }
0x91: {  	[sflag:s18] =	ssyncadd.s32 $0xFFFFD800  }
0x92: {  	_ =	swait.ge [sflag:s22], $0x2800  }
0x93: {  	[sflag:s22] =	ssyncset.done $0x0  }
0x94: {  	[sflag:s22] =	ssyncadd.s32 $0xFFFFD800  }
0x95: {  	[spmem:s1] =	stream.indirect.scatter.add.f32 [tilespmem:s21], [sflag:$0x3], $0x80, s23, s20, $0xb8;
	[tilespmem:$0x18A80] =	vst v63  }
0x96: {  	_ =	swait.ge [sflag:s18], $0x2800  }
0x97: {  	[sflag:s18] =	ssyncset.done $0x0  }
0x98: {  	[sflag:s18] =	ssyncadd.s32 $0xFFFFD800  }
0x99: {  	[bflag:$0x0] =	sbarrier.arrive $0xFFFF  }
0x9a: {  	[hbm:s11], [sflag:s7] =	dma.local [spmem:s17], $0x2700  }
0x9b: {  	s29 =	sadd.s32 $0x1, s29;
	_ =	swait.ge [sflag:s18], $0x2700  }
0x9c: {  	p1 =	sne.s32 s29, s13;
	[sflag:s18] =	ssyncset.done $0x0  }
.Ltmp1:
0x9d: {  	s0 =	simm.s32 @!p0 $0x3;
	[sflag:s18] =	ssyncadd.s32 $0xFFFFD900;
	(pc) =	sbr.rel @p1 .LBB2_1-.Ltmp1, $4  }
0x9e: {  	[hbm:s12], [sflag:s7] =	dma.local @!p0 [spmem:s19], $0x100  }
0x9f: {  	_ =	swait.ge @!p0 [sflag:s0], $0x100  }
0xa0: {  	[sflag:s0] =	ssyncset.done @!p0 $0x0  }
0xa1: {  	[sflag:s0] =	ssyncadd.s32 @!p0 $0xFFFFFF00  }
0xa2: {  	_ =	sfence.sel $0x180000  }
0xa3: {  	[bflag:$0x0] =	sbarrier.arrive $0xFFFF  }
0xa4: {  	_ =	strace $0x9000004A  }
0xa5: {  	s0 =	stileid.u32;
	[bflag:$0x2] =	sbarrier.arrive $0xFFFF  }
0xa6: {  	p0 =	sne.s32 s0, $0x0;
	s0 =	rddreg [dreg:$0x2]  }
0xa7: {  	s0 =	sadd.s32 @!p0 $0x100000, s0  }
0xa8: {  	[sflag:s0] =	ssyncadd.tile.s32 @!p0 $0x1;
	_ =	shalt  }
.Lfunc_end2:
_tile_overlayer_lowered:
.L_overlay_start_2:
0xa9: {  	(tag) =	ssettag $0x2  }
0xaa: {  	s0 =	rddreg [dreg:$0x0];
	s2 =	stileid.u32  }
0xab: {  	s1 =	rddreg [dreg:$0x1];
	p0 =	sne.s32 s2, $0x0  }
0xac: {  	s3 =	rddreg [dreg:$0x2];
	[bflag:$0x3] =	sbarrier.arrive $0xFFFF;
	s2 =	simm.s32 @!p0 $0x1C03  }
0xad: {  	[timem:s3], [sflag:s2] =	dma.local @!p0 [hbm:s0], s1  }
0xae: {  	s0 =	simm.s32 @!p0 $0x3  }
0xaf: {  	_ =	swait.ge @!p0 [sflag:s0], s1  }
0xb0: {  	s1 =	ssub.s32 @!p0 $0x0, s1;
	[sflag:s0] =	ssyncset.done @!p0 $0x0  }
0xb1: {  	[sflag:s0] =	ssyncadd.s32 @!p0 s1  }
0xb2: {  	[bflag:$0x3] =	sbarrier.arrive $0xFFFF  }
0xb3: {  	_ =	shalt  }

// kernel: kernel.21.cloned.1.call-start
scs
__scs_entry_jumppad:
0x0: {  	(pc) =	sbr.rel $0x88, $3  }
0x1: {  	(tag) =	ssettag $0x0;
	lr =	simm.s32 $0x1  }
0x2: {  	[smem:$0x3F96] =	sst lr;
	_ =	strace $0xD0000000  }
0x3: {  	_ = 	snop  }
0x4: {  	_ = 	snop  }
0x5: {  	_ = 	snop  }
0x6: {  	_ = 	snop  }
0x7: {  	_ = 	snop  }
__scs_overlays_trampoline_lowered:
0x8: {  	[smem:$0x3FA5] =	sst s0  }
0x9: {  	[smem:$0x3FA6] =	sst s1  }
0xa: {  	[smem:$0x3FA7] =	sst s2  }
0xb: {  	[smem:$0x3FA8] =	sst s3  }
0xc: {  	[smem:$0x3FA9] =	sst s4  }
0xd: {  	[smem:$0x3FAA] =	sst s5  }
0xe: {  	[smem:$0x3FAB] =	sst s6  }
0xf: {  	[smem:$0x3FAC] =	sst s7  }
0x10: {  	[smem:$0x3FAD] =	sst s8  }
0x11: {  	[smem:$0x3FAE] =	sst s9;
	s0 =	simm.s32 @!p0 $0x0  }
0x12: {  	s1 =	sld [smem:$0x3F94];
	s0 =	simm.s32 @p0 $0x1  }
0x13: {  	[smem:$0x3FAF] =	sst s0;
	s0 =	simm.s32 @!p1 $0x0  }
0x14: {  	s2 =	sld [smem:$0x3F93];
	s0 =	simm.s32 @p1 $0x1  }
0x15: {  	[smem:$0x3FB0] =	sst s0;
	s0 =	simm.s32 @!p2 $0x0  }
0x16: {  	s3 =	sld [smem:$0x3FDB];
	s0 =	simm.s32 @p2 $0x1  }
0x17: {  	s4 =	simm.s32 $0x1BF5;
	[smem:$0x3FB2] =	sst s0  }
0x18: {  	s0 =	sld [smem:$0x3F95];
	_ =	swait.ge [sflag:s4], $0x0  }
0x19: {  	s7 =	sld [smem:$0x3F96]  }
0x1a: {  	s8 =	sadd.s32 $0xFFFFE003, lr  }
0x1b: {  	s9 =	sadd.s32 $0xFFFFFEF7, lr;
	s5 =	simm.s32 $0xFFFFFFFF;
	p2 =	slt.u32 s8, $0xFFFFF086  }
0x1c: {  	p1 =	slt.u32 s9, $0xF7A;
	s5 =	simm.s32 @!p2 $0x0  }
0x1d: {  	s5 =	simm.s32 @p1 $0x1;
	p0 =	seq.s32 s7, s2  }
0x1e: {  	s7 =	smul.u32 @!p0 $0xF7A, s2;
	p2 =	seq.s32 @!p0 s5, $0x0  }
0x1f: {  	s9 =	smul.u32 $0xF7A, s1;
	s8 =	simm.s32 @!p0 $0x1BF5;
	p2 =	por !p2, p0  }
0x20: {  	[sflag:s8] =	ssyncset.s32 @!p0 $0xFFFFF086;
	s6 =	sadd.s32 @!p0 s3, s7;
	s7 =	simm.s32 @!p0 $0x108  }
0x21: {  	s3 =	sadd.s32 s3, s9;
	s6 =	sadd.s32 @!p0 $0x88, s6;
	s7 =	simm.s32 @p2 $0x1082  }
0x22: {  	[simem:s7], [sflag:s8] =	dma.local @!p0 [hbm:s6], $0xF7A  }
0x23: {  	s9 =	sor.u32 $0xD0000000, s2;
	s6 =	simm.s32 $0x108;
	_ =	swait.ge @!p0 [sflag:s8], $0x0  }
0x24: {  	s3 =	sadd.s32 $0x88, s3;
	s6 =	simm.s32 @!p1 $0x1082;
	[sflag:s4] =	ssyncset.s32 $0xFFFFF086  }
0x25: {  	[simem:s6], [sflag:s4] =	dma.local [hbm:s3], $0xF7A  }
0x26: {  	[smem:$0x3F96] =	sst s1;
	(tag) =	ssettag s2;
	_ =	strace s9  }
0x27: {  	s1 =	sld [smem:$0x3FA6]  }
0x28: {  	s2 =	sld [smem:$0x3FA7]  }
0x29: {  	s4 =	sld [smem:$0x3FA9]  }
0x2a: {  	p0 =	seq.s32 s5, $0x0;
	s5 =	sld [smem:$0x3FAA]  }
0x2b: {  	s6 =	sld [smem:$0x3FAB]  }
0x2c: {  	s7 =	sld [smem:$0x3FAC]  }
0x2d: {  	s3 =	simm.s32 $0x108;
	s8 =	sld [smem:$0x3FAD]  }
0x2e: {  	s3 =	simm.s32 @!p0 $0x1082;
	s9 =	sld [smem:$0x3FAE]  }
0x2f: {  	lr =	sadd.s32 s0, s3;
	s0 =	sld [smem:$0x3FA5]  }
0x30: {  	s3 =	sld [smem:$0x3FA8]  }
0x31: {  	[smem:$0x3FB1] =	sst s10  }
0x32: {  	s10 =	sld [smem:$0x3FAF];
	_ =	sdelay $0x3  }
0x33: {  	p0 =	seq.s32 s10, $0x1;
	s10 =	sld [smem:$0x3FB1];
	_ =	sdelay $0x3  }
0x34: {  	[smem:$0x3FB1] =	sst s10  }
0x35: {  	s10 =	sld [smem:$0x3FB0];
	_ =	sdelay $0x3  }
0x36: {  	p1 =	seq.s32 s10, $0x1;
	s10 =	sld [smem:$0x3FB1];
	_ =	sdelay $0x3  }
0x37: {  	[smem:$0x3FB1] =	sst s10  }
0x38: {  	s10 =	sld [smem:$0x3FB2]  }
0x39: {  	_ = 	snop;
	(pc) =	sbr.ind lr, $3  }
0x3a: {  	_ = 	snop  }
0x3b: {  	_ = 	snop  }
0x3c: {  	p2 =	seq.s32 s10, $0x1;
	s10 =	sld [smem:$0x3FB1]  }
0x3d: {  	_ =	shalt  }
0x3e: {  	_ =	shalt  }
0x3f: {  	_ =	shalt  }
0x40: {  	_ =	shalt  }
0x41: {  	_ =	shalt  }
0x42: {  	_ =	shalt  }
0x43: {  	_ =	shalt  }
0x44: {  	_ =	shalt  }
0x45: {  	_ =	shalt  }
0x46: {  	_ =	shalt  }
0x47: {  	_ =	shalt  }
0x48: {  	_ =	shalt  }
0x49: {  	_ =	shalt  }
0x4a: {  	_ =	shalt  }
0x4b: {  	_ =	shalt  }
0x4c: {  	_ =	shalt  }
0x4d: {  	_ =	shalt  }
0x4e: {  	_ =	shalt  }
0x4f: {  	_ =	shalt  }
0x50: {  	_ =	shalt  }
0x51: {  	_ =	shalt  }
0x52: {  	_ =	shalt  }
0x53: {  	_ =	shalt  }
0x54: {  	_ =	shalt  }
0x55: {  	_ =	shalt  }
0x56: {  	_ =	shalt  }
0x57: {  	_ =	shalt  }
0x58: {  	_ =	shalt  }
0x59: {  	_ =	shalt  }
0x5a: {  	_ =	shalt  }
0x5b: {  	_ =	shalt  }
0x5c: {  	_ =	shalt  }
0x5d: {  	_ =	shalt  }
0x5e: {  	_ =	shalt  }
0x5f: {  	_ =	shalt  }
0x60: {  	_ =	shalt  }
0x61: {  	_ =	shalt  }
0x62: {  	_ =	shalt  }
0x63: {  	_ =	shalt  }
0x64: {  	_ =	shalt  }
0x65: {  	_ =	shalt  }
0x66: {  	_ =	shalt  }
0x67: {  	_ =	shalt  }
0x68: {  	_ =	shalt  }
0x69: {  	_ =	shalt  }
0x6a: {  	_ =	shalt  }
0x6b: {  	_ =	shalt  }
0x6c: {  	_ =	shalt  }
0x6d: {  	_ =	shalt  }
0x6e: {  	_ =	shalt  }
0x6f: {  	_ =	shalt  }
0x70: {  	_ =	shalt  }
0x71: {  	_ =	shalt  }
0x72: {  	_ =	shalt  }
0x73: {  	_ =	shalt  }
0x74: {  	_ =	shalt  }
0x75: {  	_ =	shalt  }
0x76: {  	_ =	shalt  }
0x77: {  	_ =	shalt  }
0x78: {  	_ =	shalt  }
0x79: {  	_ =	shalt  }
0x7a: {  	_ =	shalt  }
0x7b: {  	_ =	shalt  }
0x7c: {  	_ =	shalt  }
0x7d: {  	_ =	shalt  }
0x7e: {  	_ =	shalt  }
0x7f: {  	_ =	shalt  }
0x80: {  	_ =	shalt  }
0x81: {  	_ =	shalt  }
0x82: {  	_ =	shalt  }
0x83: {  	_ =	shalt  }
0x84: {  	_ =	shalt  }
0x85: {  	_ =	shalt  }
0x86: {  	_ =	shalt  }
0x87: {  	_ =	shalt  }
.Lfunc_end0:
.L_simem_size_0:
called_computation.2_lowered:
.L_overlay_start_0:
0x88: {  	s2 =	sld [smem:$0x3FD9]  }
0x89: {  	s3 =	sld [smem:$0x3FFE];
	_ =	sdelay $0x1  }
0x8a: {  	s1 =	srdreg.scid  }
0x8b: {  	s0 =	sand.u32 $0x1, s1  }
0x8c: {  	s16 =	sshll.u32 s0, $0xA;
	s2 =	sadd.s32 s3, s2  }
0x8d: {  	s2 =	sadd.s32 s2, s16  }
0x8e: {  	[smem:$0x3FBD] =	sst s2  }
0x8f: {  	_ = 	snop  }
0x90: {  	(tm) =	ssettm $0x1  }
0x91: {  	s17 =	sld [smem:$0x3FFB];
	_ =	sdelay $0x3  }
0x92: {  	_ =	strace s17  }
0x93: {  	s2 =	sld [smem:$0x3FFC];
	_ =	sdelay $0x3  }
0x94: {  	_ =	strace s2  }
0x95: {  	s2 =	sld [smem:$0x3FFD];
	_ =	sdelay $0x3  }
0x96: {  	_ =	strace s2  }
0x97: {  	_ =	strace $0x8FFFFFFF  }
0x98: {  	s18 =	sld [smem:$0x3FDB];
	_ =	sdelay $0x1  }
0x99: {  	s19 =	simm.s32 $_scs_section_size  }
0x9a: {  	s4 =	simm.s32 $_size__tile_overlayer_lowered;
	s5 =	simm.s32 $_tile_overlayer_lowered  }
0x9b: {  	s22 =	simm.s32 $0x1BFF;
	s21 =	sshll.u32 s5, $0x1;
	s2 =	sadd.s32 s19, s18  }
0x9c: {  	s6 =	simm.s32 $0x0;
	s20 =	sshll.u32 s4, $0x1;
	s4 =	sadd.s32 s21, s2  }
0x9d: {  	[timem:s6], [sflag:s22] =	dma.local [hbm:s4], s20  }
0x9e: {  	_ =	swait.ge [sflag:s22], s20  }
0x9f: {  	s3 =	ssub.s32 $0x0, s20;
	[sflag:s22] =	ssyncset.done $0x0  }
0xa0: {  	[sflag:s22] =	ssyncadd.s32 s3;
	_ =	sdelay $0x1  }
0xa1: {  	s23 =	simm.s32 $0x1B8B  }
0xa2: {  	_ =	swait.ge [sflag:s23], $0x1  }
0xa3: {  	[sflag:s23] =	ssyncset.done $0x0  }
0xa4: {  	s25 =	simm.s32 $0x1B8E;
	s24 =	sld [smem:$0x3FFE];
	[sflag:s23] =	ssyncadd.s32 $0xFFFFFFFF  }
0xa5: {  	s26 =	simm.s32 $execute0_lowered;
	[smem:$0x3FD2] =	sst s25  }
0xa6: {  	s4 =	sshll.u32 s26, $0x1;
	_ =	strace $0x8000004C;
	[dreg:$0x1] =	wrdreg $0xFFFFFFFF  }
0xa7: {  	s28 =	simm.s32 $_size_execute0_lowered;
	s2 =	sadd.s32 s2, s4;
	[dreg:$0x0] =	wrdreg $0x0  }
0xa8: {  	s4 =	sshll.u32 s28, $0x1;
	[dreg:$0x2] =	wrdreg s2  }
0xa9: {  	[dreg:$0x3] =	wrdreg s4  }
0xaa: {  	[dreg:$0x4] =	wrdreg $0xC0  }
0xab: {  	_ =	task [dreg:s6], $0x5FFFF  }
0xac: {  	[dreg:$0x1] =	wrdreg $0xFFFFFFFF  }
0xad: {  	[dreg:$0x0] =	wrdreg $0x60  }
0xae: {  	[dreg:$0x2] =	wrdreg s24  }
0xaf: {  	[dreg:$0x3] =	wrdreg $0x52000  }
0xb0: {  	[dreg:$0x4] =	wrdreg $0x9  }
0xb1: {  	_ =	task.clear_ibuf [dreg:s6], $0x5FFFF;
	_ =	strace $0x9000004C  }
0xb2: {  	s29 =	simm.s32 $0x9;
	_ =	strace $0x8000004E  }
0xb3: {  	_ =	swait.ge [sflag:s29], $0x1  }
0xb4: {  	[sflag:s29] =	ssyncadd.s32 $0xFFFFFFFF  }
0xb5: {  	_ =	strace $0x9000004E  }
0xb6: {  	_ =	sfence  }
0xb7: {  	s30 =	sld [smem:$0x0];
	_ =	sdelay $0x2  }
0xb8: {  	s31 =	sshll.u32 s1, $0xD;
	s1 =	sshrl.u32 s1, $0x2  }
0xb9: {  	s3 =	sand.u32 $0x4000, s31;
	s1 =	sadd.s32 s1, s30  }
0xba: {  	s0 =	sor.u32 s3, s0;
	s1 =	sshll.u32 s1, $0x11  }
0xbb: {  	s0 =	sor.u32 s1, s0  }
0xbc: {  	s0 =	sadd.s32 $0x8F2B, s0  }
0xbd: {  	[sflag:s0] =	ssyncadd.remote.s32 $0x1  }
0xbe: {  	_ =	sfence.sel $0xFFFF  }
0xbf: {  	[dreg:$0x0] =	wrdreg $0xFFFFFFFF;
	(pc) =	sbr.abs _section_cstart, $3  }
0xc0: {  	[dreg:$0x1] =	wrdreg $0xFFFFFFFF  }
0xc1: {  	_ =	task.clear_ibuf [dreg:s6], $0x2FFFF;
	_ =	strace $0x9FFFFFFF  }
0xc2: {  	(tm) =	ssettm $0x7FFFFFFF  }
0xc3: {  	_ =	shalt  }
tec
execute0_lowered:
.L_overlay_start_1:
0x0: {  	(tag) =	ssettag $0x1  }
0x1: {  	s0 =	rddreg [dreg:$0x0]  }
0x2: {  	s1 =	rddreg [dreg:$0x1];
	s3 =	simm.s32 $0x0  }
0x3: {  	s18 =	stileid.u32;
	s2 =	srdreg.scid;
	s28 =	simm.s32 $0x2  }
0x4: {  	s29 =	simm.s32 $0x0;
	[smem:$0x7FF] =	sst s3;
	s11 =	smul.u32 $0x2700, s18  }
0x5: {  	s4 =	sadd.s32 $0xA5600, s0;
	s2 =	sand.u32 $0x1, s2;
	s9 =	smul.u32 $0x4E000, s18  }
0x6: {  	s15 =	sadd.s32 $0x4000, s0;
	s5 =	sadd.s32 $0x57200, s0;
	s16 =	smul.u32 $0x2710, s18  }
0x7: {  	s12 =	sadd.s32 $0xD6600, s0;
	s20 =	sshll.u32 s18, $0x6;
	s30 =	smul.u32 $0x4E2, s18  }
0x8: {  	p0 =	sne.s32 s18, $0xF;
	_ =	strace $0x8000004D;
	s14 =	smul.u32 $0x27100, s2  }
0x9: {  	s6 =	ssub.s32 $0x2, s2;
	s17 =	sshll.u32 s2, $0x4;
	s2 =	smul.u32 $0x138800, s2  }
0xa: {  	s7 =	sadd.s32 s11, s0;
	s8 =	sshrl.u32 s6, $0x1;
	s19 =	sshrl.u32 s9, $0x2  }
0xb: {  	s0 =	sadd.s32 $0xD6400, s0;
	s23 =	sshrl.u32 s16, $0x3;
	s13 =	ssub.s32 s6, s8  }
0xc: {  	s6 =	sor.u32 s18, s17;
	s17 =	sadd.s32 s19, s1;
	s22 =	sadd.s32 $0xAF400, s7  }
0xd: {  	s7 =	sor.u32 $0x1C03, s20;
	s19 =	sadd.s32 $0x138000, s1;
	[dreg:$0x4] =	wrdreg s0  }
0xe: {  	s10 =	sadd.s32 s15, s23;
	s24 =	sadd.s32 s11, s14;
	s2 =	sshrl.u32 s2, $0x3  }
0xf: {  	s26 =	sadd.s32 s16, s14;
	s15 =	sadd.s32 s30, s15;
	s18 =	simm.s32 $0x3  }
0x10: {  	s20 =	simm.s32 $0x50;
	s23 =	simm.s32 $0x100;
	s21 =	smul.u32 $0x2710, s6  }
0x11: {  	[dreg:$0x3] =	wrdreg s22;
	s11 =	sadd.s32 s12, s24;
	s25 =	sadd.s32 s12, s2  }
0x12: {  	s16 =	sadd.s32 $0x50, s26;
	s13 =	smax.u32 s13, $0x1;
	s14 =	sadd.s32 $0xA0, s26  }
0x13: {  	s17 =	sshrl.u32 s17, $0x3;
	s19 =	sshrl.u32 @!p0 s19, $0x3;
	s22 =	simm.s32 $0x1  }
0x14: {  	s24 =	simm.s32 $0x80;
	s26 =	simm.s32 $0x180;
	s12 =	sadd.s32 $0x27000, s25  }
0x15: {  	s31 =	sshrl.u32 s16, $0x3;
	s25 =	simm.s32 $0x2A00;
	s9 =	sshrl.u32 s21, $0x3  }
0x16: {  	s16 =	sadd.s32 s31, s4;
	s21 =	simm.s32 $0x200;
	s9 =	sadd.s32 s4, s9  }
.LBB2_1:
0x17: {  	s0 =	rddreg [dreg:$0x3]  }
0x18: {  	[spmem:s17], [sflag:s7] =	dma.local [hbm:s0], $0x2700  }
0x19: {  	_ =	swait.ge [sflag:s18], $0x2700  }
0x1a: {  	[sflag:s18] =	ssyncset.done $0x0  }
0x1b: {  	s0 =	rddreg [dreg:$0x4];
	[sflag:s18] =	ssyncadd.s32 $0xFFFFD900  }
0x1c: {  	[spmem:s19], [sflag:s7] =	dma.local @!p0 [hbm:s0], $0x100  }
0x1d: {  	s0 =	simm.s32 @!p0 $0x3  }
0x1e: {  	_ =	swait.ge @!p0 [sflag:s0], $0x100  }
0x1f: {  	[sflag:s0] =	ssyncset.done @!p0 $0x0  }
0x20: {  	[sflag:s0] =	ssyncadd.s32 @!p0 $0xFFFFFF00  }
0x21: {  	[bflag:$0x0] =	sbarrier.arrive $0xFFFF  }
0x22: {  	[tilespmem:s3], [sflag:$0x3] =	stream.linear.gather [hbm4b:s9+s3], $0x50, $0x38;
	[tilespmem:$0x18A80] =	vst v63  }
0x23: {  	_ =	swait.ge [sflag:s18], $0x50  }
0x24: {  	[sflag:s18] =	ssyncset.done $0x0  }
0x25: {  	[sflag:s18] =	ssyncadd.s32 $0xFFFFFFB0  }
0x26: {  	[tilespmem:s21], [sflag:$0x1] =	stream.indirect.gather [hbm4b:s5+s20], $0x80, s3, s20, $0xb8;
	[tilespmem:$0x18A80] =	vst v63  }
0x27: {  	_ =	swait.ge [sflag:s22], $0x2800  }
0x28: {  	[sflag:s22] =	ssyncset.done $0x0  }
0x29: {  	[sflag:s22] =	ssyncadd.s32 $0xFFFFD800  }
0x2a: {  	[tilespmem:s23], [sflag:$0x3] =	stream.linear.gather [hbm4b:s10+s3], $0x50, $0x38;
	[tilespmem:$0x18A80] =	vst v63  }
0x2b: {  	_ =	swait.ge [sflag:s18], $0x50  }
0x2c: {  	[sflag:s18] =	ssyncset.done $0x0  }
0x2d: {  	s2 =	sadd.s32 $0x0, s16;
	[sflag:s18] =	ssyncadd.s32 $0xFFFFFFB0  }
0x2e: {  	[tilespmem:s24], [sflag:$0x3] =	stream.linear.gather [hbm4b:s2+s3], $0x50, $0x38;
	[tilespmem:$0x18A80] =	vst v63  }
0x2f: {  	_ =	swait.ge [sflag:s18], $0x50  }
0x30: {  	[sflag:s18] =	ssyncset.done $0x0  }
0x31: {  	s6 =	sadd.s32 $0x0, s15;
	[sflag:s18] =	ssyncadd.s32 $0xFFFFFFB0  }
0x32: {  	[tilespmem:s25], [sflag:$0x2] =	stream.indirect.gather [hbm4b:s5+s20], $0x80, s24, s20, $0xb8;
	[tilespmem:$0x18A80] =	vst v63  }
0x33: {  	s2 =	sadd.s32 $0xA, s6  }
0x34: {  	[tilespmem:s26], [sflag:$0x3] =	stream.linear.gather [hbm4b:s2+s3], $0x50, $0x38;
	[tilespmem:$0x18A80] =	vst v63  }
0x35: {  	_ =	swait.ge [sflag:s18], $0x50  }
0x36: {  	[sflag:s18] =	ssyncset.done $0x0  }
0x37: {  	[sflag:s18] =	ssyncadd.s32 $0xFFFFFFB0  }
0x38: {  	[spmem:s1] =	stream.indirect.scatter.add.f32 [tilespmem:s21], [sflag:$0x3], $0x80, s23, s20, $0xb8;
	[tilespmem:$0x18A80] =	vst v63  }
0x39: {  	_ =	swait.ge [sflag:s18], $0x2800  }
0x3a: {  	[sflag:s18] =	ssyncset.done $0x0  }
0x3b: {  	[sflag:s18] =	ssyncadd.s32 $0xFFFFD800  }
0x3c: {  	_ =	swait.ge [sflag:s28], $0x2800  }
0x3d: {  	s8 =	sshrl.u32 s14, $0x3;
	[sflag:s28] =	ssyncset.done $0x0  }
0x3e: {  	s2 =	sadd.s32 s4, s8;
	[sflag:s28] =	ssyncadd.s32 $0xFFFFD800  }
0x3f: {  	[tilespmem:s3], [sflag:$0x3] =	stream.linear.gather [hbm4b:s2+s3], $0x50, $0x38;
	[tilespmem:$0x18A80] =	vst v63  }
0x40: {  	_ =	swait.ge [sflag:s18], $0x50  }
0x41: {  	[sflag:s18] =	ssyncset.done $0x0  }
0x42: {  	[sflag:s18] =	ssyncadd.s32 $0xFFFFFFB0  }
0x43: {  	[tilespmem:s21], [sflag:$0x1] =	stream.indirect.gather [hbm4b:s5+s20], $0x80, s3, s20, $0xb8;
	[tilespmem:$0x18A80] =	vst v63  }
0x44: {  	s0 =	sadd.s32 $0x14, s6  }
0x45: {  	[tilespmem:s23], [sflag:$0x3] =	stream.linear.gather [hbm4b:s0+s3], $0x50, $0x38;
	[tilespmem:$0x18A80] =	vst v63  }
0x46: {  	_ =	swait.ge [sflag:s18], $0x50  }
0x47: {  	[sflag:s18] =	ssyncset.done $0x0  }
0x48: {  	[sflag:s18] =	ssyncadd.s32 $0xFFFFFFB0  }
0x49: {  	[spmem:s1] =	stream.indirect.scatter.add.f32 [tilespmem:s25], [sflag:$0x3], $0x80, s26, s20, $0xb8;
	[tilespmem:$0x18A80] =	vst v63  }
0x4a: {  	_ =	swait.ge [sflag:s18], $0x2800  }
0x4b: {  	[sflag:s18] =	ssyncset.done $0x0  }
0x4c: {  	[sflag:s18] =	ssyncadd.s32 $0xFFFFD800  }
0x4d: {  	s31 =	simm.s32 $0x14;
	_ =	swait.ge [sflag:s22], $0x2800  }
0x4e: {  	s30 =	sadd.s32 $0xA0, s14;
	s0 =	simm.s32 $0x28;
	[sflag:s22] =	ssyncset.done $0x0  }
.LBB2_2:
0x4f: {  	s6 =	sadd.s32 s31, s16  }
0x50: {  	[sflag:s22] =	ssyncadd.s32 $0xFFFFD800;
	s8 =	smov.u32 s0;
	s2 =	sadd.s32 $0x14, s0  }
0x51: {  	[tilespmem:s24], [sflag:$0x3] =	stream.linear.gather [hbm4b:s6+s3], $0x50, $0x38;
	[tilespmem:$0x18A80] =	vst v63  }
0x52: {  	p1 =	sne.s32 s0, $0x4C4;
	_ =	swait.ge [sflag:s18], $0x50  }
0x53: {  	[sflag:s18] =	ssyncset.done $0x0  }
0x54: {  	s0 =	sadd.s32 s31, s15;
	s31 =	smov.u32 s8;
	[sflag:s18] =	ssyncadd.s32 $0xFFFFFFB0  }
0x55: {  	[tilespmem:s25], [sflag:$0x2] =	stream.indirect.gather [hbm4b:s5+s20], $0x80, s24, s20, $0xb8;
	[tilespmem:$0x18A80] =	vst v63  }
0x56: {  	s6 =	sadd.s32 $0xA, s0  }
0x57: {  	[tilespmem:s26], [sflag:$0x3] =	stream.linear.gather [hbm4b:s6+s3], $0x50, $0x38;
	[tilespmem:$0x18A80] =	vst v63  }
0x58: {  	_ =	swait.ge [sflag:s18], $0x50  }
0x59: {  	[sflag:s18] =	ssyncset.done $0x0  }
0x5a: {  	[sflag:s18] =	ssyncadd.s32 $0xFFFFFFB0  }
0x5b: {  	[spmem:s1] =	stream.indirect.scatter.add.f32 [tilespmem:s21], [sflag:$0x3], $0x80, s23, s20, $0xb8;
	[tilespmem:$0x18A80] =	vst v63  }
0x5c: {  	_ =	swait.ge [sflag:s18], $0x2800  }
0x5d: {  	[sflag:s18] =	ssyncset.done $0x0  }
0x5e: {  	[sflag:s18] =	ssyncadd.s32 $0xFFFFD800  }
0x5f: {  	_ =	swait.ge [sflag:s28], $0x2800  }
0x60: {  	s6 =	sshrl.u32 s30, $0x3;
	[sflag:s28] =	ssyncset.done $0x0  }
0x61: {  	s6 =	sadd.s32 s4, s6;
	[sflag:s28] =	ssyncadd.s32 $0xFFFFD800  }
0x62: {  	[tilespmem:s3], [sflag:$0x3] =	stream.linear.gather [hbm4b:s6+s3], $0x50, $0x38;
	[tilespmem:$0x18A80] =	vst v63  }
0x63: {  	_ =	swait.ge [sflag:s18], $0x50  }
0x64: {  	[sflag:s18] =	ssyncset.done $0x0  }
0x65: {  	[sflag:s18] =	ssyncadd.s32 $0xFFFFFFB0  }
0x66: {  	[tilespmem:s21], [sflag:$0x1] =	stream.indirect.gather [hbm4b:s5+s20], $0x80, s3, s20, $0xb8;
	[tilespmem:$0x18A80] =	vst v63  }
0x67: {  	s0 =	sadd.s32 $0x14, s0  }
0x68: {  	[tilespmem:s23], [sflag:$0x3] =	stream.linear.gather [hbm4b:s0+s3], $0x50, $0x38;
	[tilespmem:$0x18A80] =	vst v63  }
0x69: {  	_ =	swait.ge [sflag:s18], $0x50  }
0x6a: {  	[sflag:s18] =	ssyncset.done $0x0  }
0x6b: {  	[sflag:s18] =	ssyncadd.s32 $0xFFFFFFB0  }
0x6c: {  	[spmem:s1] =	stream.indirect.scatter.add.f32 [tilespmem:s25], [sflag:$0x3], $0x80, s26, s20, $0xb8;
	[tilespmem:$0x18A80] =	vst v63  }
.Ltmp0:
0x6d: {  	_ =	swait.ge [sflag:s18], $0x2800;
	(pc) =	sbr.rel @p1 .LBB2_2-.Ltmp0, $4  }
0x6e: {  	[sflag:s18] =	ssyncset.done $0x0  }
0x6f: {  	[sflag:s18] =	ssyncadd.s32 $0xFFFFD800  }
0x70: {  	_ =	swait.ge [sflag:s22], $0x2800  }
0x71: {  	s30 =	sadd.s32 $0xA0, s30;
	s0 =	smov.u32 s2;
	[sflag:s22] =	ssyncset.done $0x0  }
0x72: {  	s0 =	sadd.s32 s31, s16;
	[sflag:s22] =	ssyncadd.s32 $0xFFFFD800  }
0x73: {  	[tilespmem:s24], [sflag:$0x3] =	stream.linear.gather [hbm4b:s0+s3], $0x50, $0x38;
	[tilespmem:$0x18A80] =	vst v63  }
0x74: {  	_ =	swait.ge [sflag:s18], $0x50  }
0x75: {  	[sflag:s18] =	ssyncset.done $0x0  }
0x76: {  	s8 =	sadd.s32 s31, s15;
	[sflag:s18] =	ssyncadd.s32 $0xFFFFFFB0  }
0x77: {  	[tilespmem:s25], [sflag:$0x2] =	stream.indirect.gather [hbm4b:s5+s20], $0x80, s24, s20, $0xb8;
	[tilespmem:$0x18A80] =	vst v63  }
0x78: {  	s2 =	sadd.s32 $0xA, s8  }
0x79: {  	[tilespmem:s26], [sflag:$0x3] =	stream.linear.gather [hbm4b:s2+s3], $0x50, $0x38;
	[tilespmem:$0x18A80] =	vst v63  }
0x7a: {  	_ =	swait.ge [sflag:s18], $0x50  }
0x7b: {  	[sflag:s18] =	ssyncset.done $0x0  }
0x7c: {  	[sflag:s18] =	ssyncadd.s32 $0xFFFFFFB0  }
0x7d: {  	[spmem:s1] =	stream.indirect.scatter.add.f32 [tilespmem:s21], [sflag:$0x3], $0x80, s23, s20, $0xb8;
	[tilespmem:$0x18A80] =	vst v63  }
0x7e: {  	_ =	swait.ge [sflag:s18], $0x2800  }
0x7f: {  	[sflag:s18] =	ssyncset.done $0x0  }
0x80: {  	[sflag:s18] =	ssyncadd.s32 $0xFFFFD800  }
0x81: {  	_ =	swait.ge [sflag:s28], $0x2800  }
0x82: {  	s31 =	sshrl.u32 s30, $0x3;
	[sflag:s28] =	ssyncset.done $0x0  }
0x83: {  	s2 =	sadd.s32 s4, s31;
	[sflag:s28] =	ssyncadd.s32 $0xFFFFD800  }
0x84: {  	[tilespmem:s3], [sflag:$0x3] =	stream.linear.gather [hbm4b:s2+s3], $0x50, $0x38;
	[tilespmem:$0x18A80] =	vst v63  }
0x85: {  	_ =	swait.ge [sflag:s18], $0x50  }
0x86: {  	[sflag:s18] =	ssyncset.done $0x0  }
0x87: {  	[sflag:s18] =	ssyncadd.s32 $0xFFFFFFB0  }
0x88: {  	[tilespmem:s21], [sflag:$0x1] =	stream.indirect.gather [hbm4b:s5+s20], $0x80, s3, s20, $0xb8;
	[tilespmem:$0x18A80] =	vst v63  }
0x89: {  	s0 =	sadd.s32 $0x14, s8  }
0x8a: {  	[tilespmem:s23], [sflag:$0x3] =	stream.linear.gather [hbm4b:s0+s3], $0x50, $0x38;
	[tilespmem:$0x18A80] =	vst v63  }
0x8b: {  	_ =	swait.ge [sflag:s18], $0x50  }
0x8c: {  	[sflag:s18] =	ssyncset.done $0x0  }
0x8d: {  	[sflag:s18] =	ssyncadd.s32 $0xFFFFFFB0  }
0x8e: {  	[spmem:s1] =	stream.indirect.scatter.add.f32 [tilespmem:s25], [sflag:$0x3], $0x80, s26, s20, $0xb8;
	[tilespmem:$0x18A80] =	vst v63  }
0x8f: {  	_ =	swait.ge [sflag:s18], $0x2800  }
0x90: {  	[sflag:s18] =	ssyncset.done $0x0  }
0x91: {  	[sflag:s18] =	ssyncadd.s32 $0xFFFFD800  }
0x92: {  	_ =	swait.ge [sflag:s22], $0x2800  }
0x93: {  	[sflag:s22] =	ssyncset.done $0x0  }
0x94: {  	[sflag:s22] =	ssyncadd.s32 $0xFFFFD800  }
0x95: {  	[spmem:s1] =	stream.indirect.scatter.add.f32 [tilespmem:s21], [sflag:$0x3], $0x80, s23, s20, $0xb8;
	[tilespmem:$0x18A80] =	vst v63  }
0x96: {  	_ =	swait.ge [sflag:s18], $0x2800  }
0x97: {  	[sflag:s18] =	ssyncset.done $0x0  }
0x98: {  	[sflag:s18] =	ssyncadd.s32 $0xFFFFD800  }
0x99: {  	[bflag:$0x0] =	sbarrier.arrive $0xFFFF  }
0x9a: {  	[hbm:s11], [sflag:s7] =	dma.local [spmem:s17], $0x2700  }
0x9b: {  	s29 =	sadd.s32 $0x1, s29;
	_ =	swait.ge [sflag:s18], $0x2700  }
0x9c: {  	p1 =	sne.s32 s29, s13;
	[sflag:s18] =	ssyncset.done $0x0  }
.Ltmp1:
0x9d: {  	s0 =	simm.s32 @!p0 $0x3;
	[sflag:s18] =	ssyncadd.s32 $0xFFFFD900;
	(pc) =	sbr.rel @p1 .LBB2_1-.Ltmp1, $4  }
0x9e: {  	[hbm:s12], [sflag:s7] =	dma.local @!p0 [spmem:s19], $0x100  }
0x9f: {  	_ =	swait.ge @!p0 [sflag:s0], $0x100  }
0xa0: {  	[sflag:s0] =	ssyncset.done @!p0 $0x0  }
0xa1: {  	[sflag:s0] =	ssyncadd.s32 @!p0 $0xFFFFFF00  }
0xa2: {  	_ =	sfence.sel $0x180000  }
0xa3: {  	[bflag:$0x0] =	sbarrier.arrive $0xFFFF  }
0xa4: {  	_ =	strace $0x9000004D  }
0xa5: {  	s0 =	stileid.u32;
	[bflag:$0x2] =	sbarrier.arrive $0xFFFF  }
0xa6: {  	p0 =	sne.s32 s0, $0x0;
	s0 =	rddreg [dreg:$0x2]  }
0xa7: {  	s0 =	sadd.s32 @!p0 $0x100000, s0  }
0xa8: {  	[sflag:s0] =	ssyncadd.tile.s32 @!p0 $0x1;
	_ =	shalt  }
.Lfunc_end2:
_tile_overlayer_lowered:
.L_overlay_start_2:
0xa9: {  	(tag) =	ssettag $0x2  }
0xaa: {  	s0 =	rddreg [dreg:$0x0];
	s2 =	stileid.u32  }
0xab: {  	s1 =	rddreg [dreg:$0x1];
	p0 =	sne.s32 s2, $0x0  }
0xac: {  	s3 =	rddreg [dreg:$0x2];
	[bflag:$0x3] =	sbarrier.arrive $0xFFFF;
	s2 =	simm.s32 @!p0 $0x1C03  }
0xad: {  	[timem:s3], [sflag:s2] =	dma.local @!p0 [hbm:s0], s1  }
0xae: {  	s0 =	simm.s32 @!p0 $0x3  }
0xaf: {  	_ =	swait.ge @!p0 [sflag:s0], s1  }
0xb0: {  	s1 =	ssub.s32 @!p0 $0x0, s1;
	[sflag:s0] =	ssyncset.done @!p0 $0x0  }
0xb1: {  	[sflag:s0] =	ssyncadd.s32 @!p0 s1  }
0xb2: {  	[bflag:$0x3] =	sbarrier.arrive $0xFFFF  }
0xb3: {  	_ =	shalt  }

// kernel: kernel.24.cloned.1.call-start
scs
__scs_entry_jumppad:
0x0: {  	(pc) =	sbr.rel $0x88, $3  }
0x1: {  	(tag) =	ssettag $0x0;
	lr =	simm.s32 $0x1  }
0x2: {  	[smem:$0x3F96] =	sst lr;
	_ =	strace $0xD0000000  }
0x3: {  	_ = 	snop  }
0x4: {  	_ = 	snop  }
0x5: {  	_ = 	snop  }
0x6: {  	_ = 	snop  }
0x7: {  	_ = 	snop  }
__scs_overlays_trampoline_lowered:
0x8: {  	[smem:$0x3FA5] =	sst s0  }
0x9: {  	[smem:$0x3FA6] =	sst s1  }
0xa: {  	[smem:$0x3FA7] =	sst s2  }
0xb: {  	[smem:$0x3FA8] =	sst s3  }
0xc: {  	[smem:$0x3FA9] =	sst s4  }
0xd: {  	[smem:$0x3FAA] =	sst s5  }
0xe: {  	[smem:$0x3FAB] =	sst s6  }
0xf: {  	[smem:$0x3FAC] =	sst s7  }
0x10: {  	[smem:$0x3FAD] =	sst s8  }
0x11: {  	[smem:$0x3FAE] =	sst s9;
	s0 =	simm.s32 @!p0 $0x0  }
0x12: {  	s1 =	sld [smem:$0x3F94];
	s0 =	simm.s32 @p0 $0x1  }
0x13: {  	[smem:$0x3FAF] =	sst s0;
	s0 =	simm.s32 @!p1 $0x0  }
0x14: {  	s2 =	sld [smem:$0x3F93];
	s0 =	simm.s32 @p1 $0x1  }
0x15: {  	[smem:$0x3FB0] =	sst s0;
	s0 =	simm.s32 @!p2 $0x0  }
0x16: {  	s3 =	sld [smem:$0x3FDB];
	s0 =	simm.s32 @p2 $0x1  }
0x17: {  	s4 =	simm.s32 $0x1BF5;
	[smem:$0x3FB2] =	sst s0  }
0x18: {  	s0 =	sld [smem:$0x3F95];
	_ =	swait.ge [sflag:s4], $0x0  }
0x19: {  	s7 =	sld [smem:$0x3F96]  }
0x1a: {  	s8 =	sadd.s32 $0xFFFFE003, lr  }
0x1b: {  	s9 =	sadd.s32 $0xFFFFFEF7, lr;
	s5 =	simm.s32 $0xFFFFFFFF;
	p2 =	slt.u32 s8, $0xFFFFF086  }
0x1c: {  	p1 =	slt.u32 s9, $0xF7A;
	s5 =	simm.s32 @!p2 $0x0  }
0x1d: {  	s5 =	simm.s32 @p1 $0x1;
	p0 =	seq.s32 s7, s2  }
0x1e: {  	s7 =	smul.u32 @!p0 $0xF7A, s2;
	p2 =	seq.s32 @!p0 s5, $0x0  }
0x1f: {  	s9 =	smul.u32 $0xF7A, s1;
	s8 =	simm.s32 @!p0 $0x1BF5;
	p2 =	por !p2, p0  }
0x20: {  	[sflag:s8] =	ssyncset.s32 @!p0 $0xFFFFF086;
	s6 =	sadd.s32 @!p0 s3, s7;
	s7 =	simm.s32 @!p0 $0x108  }
0x21: {  	s3 =	sadd.s32 s3, s9;
	s6 =	sadd.s32 @!p0 $0x88, s6;
	s7 =	simm.s32 @p2 $0x1082  }
0x22: {  	[simem:s7], [sflag:s8] =	dma.local @!p0 [hbm:s6], $0xF7A  }
0x23: {  	s9 =	sor.u32 $0xD0000000, s2;
	s6 =	simm.s32 $0x108;
	_ =	swait.ge @!p0 [sflag:s8], $0x0  }
0x24: {  	s3 =	sadd.s32 $0x88, s3;
	s6 =	simm.s32 @!p1 $0x1082;
	[sflag:s4] =	ssyncset.s32 $0xFFFFF086  }
0x25: {  	[simem:s6], [sflag:s4] =	dma.local [hbm:s3], $0xF7A  }
0x26: {  	[smem:$0x3F96] =	sst s1;
	(tag) =	ssettag s2;
	_ =	strace s9  }
0x27: {  	s1 =	sld [smem:$0x3FA6]  }
0x28: {  	s2 =	sld [smem:$0x3FA7]  }
0x29: {  	s4 =	sld [smem:$0x3FA9]  }
0x2a: {  	p0 =	seq.s32 s5, $0x0;
	s5 =	sld [smem:$0x3FAA]  }
0x2b: {  	s6 =	sld [smem:$0x3FAB]  }
0x2c: {  	s7 =	sld [smem:$0x3FAC]  }
0x2d: {  	s3 =	simm.s32 $0x108;
	s8 =	sld [smem:$0x3FAD]  }
0x2e: {  	s3 =	simm.s32 @!p0 $0x1082;
	s9 =	sld [smem:$0x3FAE]  }
0x2f: {  	lr =	sadd.s32 s0, s3;
	s0 =	sld [smem:$0x3FA5]  }
0x30: {  	s3 =	sld [smem:$0x3FA8]  }
0x31: {  	[smem:$0x3FB1] =	sst s10  }
0x32: {  	s10 =	sld [smem:$0x3FAF];
	_ =	sdelay $0x3  }
0x33: {  	p0 =	seq.s32 s10, $0x1;
	s10 =	sld [smem:$0x3FB1];
	_ =	sdelay $0x3  }
0x34: {  	[smem:$0x3FB1] =	sst s10  }
0x35: {  	s10 =	sld [smem:$0x3FB0];
	_ =	sdelay $0x3  }
0x36: {  	p1 =	seq.s32 s10, $0x1;
	s10 =	sld [smem:$0x3FB1];
	_ =	sdelay $0x3  }
0x37: {  	[smem:$0x3FB1] =	sst s10  }
0x38: {  	s10 =	sld [smem:$0x3FB2]  }
0x39: {  	_ = 	snop;
	(pc) =	sbr.ind lr, $3  }
0x3a: {  	_ = 	snop  }
0x3b: {  	_ = 	snop  }
0x3c: {  	p2 =	seq.s32 s10, $0x1;
	s10 =	sld [smem:$0x3FB1]  }
0x3d: {  	_ =	shalt  }
0x3e: {  	_ =	shalt  }
0x3f: {  	_ =	shalt  }
0x40: {  	_ =	shalt  }
0x41: {  	_ =	shalt  }
0x42: {  	_ =	shalt  }
0x43: {  	_ =	shalt  }
0x44: {  	_ =	shalt  }
0x45: {  	_ =	shalt  }
0x46: {  	_ =	shalt  }
0x47: {  	_ =	shalt  }
0x48: {  	_ =	shalt  }
0x49: {  	_ =	shalt  }
0x4a: {  	_ =	shalt  }
0x4b: {  	_ =	shalt  }
0x4c: {  	_ =	shalt  }
0x4d: {  	_ =	shalt  }
0x4e: {  	_ =	shalt  }
0x4f: {  	_ =	shalt  }
0x50: {  	_ =	shalt  }
0x51: {  	_ =	shalt  }
0x52: {  	_ =	shalt  }
0x53: {  	_ =	shalt  }
0x54: {  	_ =	shalt  }
0x55: {  	_ =	shalt  }
0x56: {  	_ =	shalt  }
0x57: {  	_ =	shalt  }
0x58: {  	_ =	shalt  }
0x59: {  	_ =	shalt  }
0x5a: {  	_ =	shalt  }
0x5b: {  	_ =	shalt  }
0x5c: {  	_ =	shalt  }
0x5d: {  	_ =	shalt  }
0x5e: {  	_ =	shalt  }
0x5f: {  	_ =	shalt  }
0x60: {  	_ =	shalt  }
0x61: {  	_ =	shalt  }
0x62: {  	_ =	shalt  }
0x63: {  	_ =	shalt  }
0x64: {  	_ =	shalt  }
0x65: {  	_ =	shalt  }
0x66: {  	_ =	shalt  }
0x67: {  	_ =	shalt  }
0x68: {  	_ =	shalt  }
0x69: {  	_ =	shalt  }
0x6a: {  	_ =	shalt  }
0x6b: {  	_ =	shalt  }
0x6c: {  	_ =	shalt  }
0x6d: {  	_ =	shalt  }
0x6e: {  	_ =	shalt  }
0x6f: {  	_ =	shalt  }
0x70: {  	_ =	shalt  }
0x71: {  	_ =	shalt  }
0x72: {  	_ =	shalt  }
0x73: {  	_ =	shalt  }
0x74: {  	_ =	shalt  }
0x75: {  	_ =	shalt  }
0x76: {  	_ =	shalt  }
0x77: {  	_ =	shalt  }
0x78: {  	_ =	shalt  }
0x79: {  	_ =	shalt  }
0x7a: {  	_ =	shalt  }
0x7b: {  	_ =	shalt  }
0x7c: {  	_ =	shalt  }
0x7d: {  	_ =	shalt  }
0x7e: {  	_ =	shalt  }
0x7f: {  	_ =	shalt  }
0x80: {  	_ =	shalt  }
0x81: {  	_ =	shalt  }
0x82: {  	_ =	shalt  }
0x83: {  	_ =	shalt  }
0x84: {  	_ =	shalt  }
0x85: {  	_ =	shalt  }
0x86: {  	_ =	shalt  }
0x87: {  	_ =	shalt  }
.Lfunc_end0:
.L_simem_size_0:
called_computation.3_lowered:
.L_overlay_start_0:
0x88: {  	s2 =	sld [smem:$0x3FD9]  }
0x89: {  	s3 =	sld [smem:$0x3FFE];
	_ =	sdelay $0x1  }
0x8a: {  	s1 =	srdreg.scid  }
0x8b: {  	s0 =	sand.u32 $0x1, s1  }
0x8c: {  	s16 =	sshll.u32 s0, $0xA;
	s2 =	sadd.s32 s3, s2  }
0x8d: {  	s2 =	sadd.s32 s2, s16  }
0x8e: {  	[smem:$0x3FBD] =	sst s2  }
0x8f: {  	_ = 	snop  }
0x90: {  	(tm) =	ssettm $0x1  }
0x91: {  	s17 =	sld [smem:$0x3FFB];
	_ =	sdelay $0x3  }
0x92: {  	_ =	strace s17  }
0x93: {  	s2 =	sld [smem:$0x3FFC];
	_ =	sdelay $0x3  }
0x94: {  	_ =	strace s2  }
0x95: {  	s2 =	sld [smem:$0x3FFD];
	_ =	sdelay $0x3  }
0x96: {  	_ =	strace s2  }
0x97: {  	_ =	strace $0x8FFFFFFF  }
0x98: {  	s18 =	sld [smem:$0x3FDB];
	_ =	sdelay $0x1  }
0x99: {  	s19 =	simm.s32 $_scs_section_size  }
0x9a: {  	s4 =	simm.s32 $_size__tile_overlayer_lowered;
	s5 =	simm.s32 $_tile_overlayer_lowered  }
0x9b: {  	s22 =	simm.s32 $0x1BFF;
	s21 =	sshll.u32 s5, $0x1;
	s2 =	sadd.s32 s19, s18  }
0x9c: {  	s6 =	simm.s32 $0x0;
	s20 =	sshll.u32 s4, $0x1;
	s4 =	sadd.s32 s21, s2  }
0x9d: {  	[timem:s6], [sflag:s22] =	dma.local [hbm:s4], s20  }
0x9e: {  	_ =	swait.ge [sflag:s22], s20  }
0x9f: {  	s3 =	ssub.s32 $0x0, s20;
	[sflag:s22] =	ssyncset.done $0x0  }
0xa0: {  	[sflag:s22] =	ssyncadd.s32 s3;
	_ =	sdelay $0x1  }
0xa1: {  	s23 =	simm.s32 $0x1B8B  }
0xa2: {  	_ =	swait.ge [sflag:s23], $0x1  }
0xa3: {  	[sflag:s23] =	ssyncset.done $0x0  }
0xa4: {  	s25 =	simm.s32 $0x1B8E;
	s24 =	sld [smem:$0x3FFE];
	[sflag:s23] =	ssyncadd.s32 $0xFFFFFFFF  }
0xa5: {  	s26 =	simm.s32 $execute0_lowered;
	[smem:$0x3FD2] =	sst s25  }
0xa6: {  	s4 =	sshll.u32 s26, $0x1;
	_ =	strace $0x8000004F;
	[dreg:$0x1] =	wrdreg $0xFFFFFFFF  }
0xa7: {  	s28 =	simm.s32 $_size_execute0_lowered;
	s2 =	sadd.s32 s2, s4;
	[dreg:$0x0] =	wrdreg $0x0  }
0xa8: {  	s4 =	sshll.u32 s28, $0x1;
	[dreg:$0x2] =	wrdreg s2  }
0xa9: {  	[dreg:$0x3] =	wrdreg s4  }
0xaa: {  	[dreg:$0x4] =	wrdreg $0xC0  }
0xab: {  	_ =	task [dreg:s6], $0x5FFFF  }
0xac: {  	[dreg:$0x1] =	wrdreg $0xFFFFFFFF  }
0xad: {  	[dreg:$0x0] =	wrdreg $0x60  }
0xae: {  	[dreg:$0x2] =	wrdreg s24  }
0xaf: {  	[dreg:$0x3] =	wrdreg $0x52000  }
0xb0: {  	[dreg:$0x4] =	wrdreg $0x9  }
0xb1: {  	_ =	task.clear_ibuf [dreg:s6], $0x5FFFF;
	_ =	strace $0x9000004F  }
0xb2: {  	s29 =	simm.s32 $0x9;
	_ =	strace $0x80000051  }
0xb3: {  	_ =	swait.ge [sflag:s29], $0x1  }
0xb4: {  	[sflag:s29] =	ssyncadd.s32 $0xFFFFFFFF  }
0xb5: {  	_ =	strace $0x90000051  }
0xb6: {  	_ =	sfence  }
0xb7: {  	s30 =	sld [smem:$0x0];
	_ =	sdelay $0x2  }
0xb8: {  	s31 =	sshll.u32 s1, $0xD;
	s1 =	sshrl.u32 s1, $0x2  }
0xb9: {  	s3 =	sand.u32 $0x4000, s31;
	s1 =	sadd.s32 s1, s30  }
0xba: {  	s0 =	sor.u32 s3, s0;
	s1 =	sshll.u32 s1, $0x11  }
0xbb: {  	s0 =	sor.u32 s1, s0  }
0xbc: {  	s0 =	sadd.s32 $0x8F2B, s0  }
0xbd: {  	[sflag:s0] =	ssyncadd.remote.s32 $0x1  }
0xbe: {  	_ =	sfence.sel $0xFFFF  }
0xbf: {  	[dreg:$0x0] =	wrdreg $0xFFFFFFFF;
	(pc) =	sbr.abs _section_cstart, $3  }
0xc0: {  	[dreg:$0x1] =	wrdreg $0xFFFFFFFF  }
0xc1: {  	_ =	task.clear_ibuf [dreg:s6], $0x2FFFF;
	_ =	strace $0x9FFFFFFF  }
0xc2: {  	(tm) =	ssettm $0x7FFFFFFF  }
0xc3: {  	_ =	shalt  }
tec
execute0_lowered:
.L_overlay_start_1:
0x0: {  	(tag) =	ssettag $0x1  }
0x1: {  	s0 =	rddreg [dreg:$0x0]  }
0x2: {  	s1 =	rddreg [dreg:$0x1];
	s3 =	simm.s32 $0x0  }
0x3: {  	s18 =	stileid.u32;
	s2 =	srdreg.scid;
	s28 =	simm.s32 $0x2  }
0x4: {  	s29 =	simm.s32 $0x0;
	[smem:$0x7FF] =	sst s3;
	s11 =	smul.u32 $0x2700, s18  }
0x5: {  	s4 =	sadd.s32 $0xA5600, s0;
	s2 =	sand.u32 $0x1, s2;
	s9 =	smul.u32 $0x4E000, s18  }
0x6: {  	s15 =	sadd.s32 $0x4000, s0;
	s5 =	sadd.s32 $0x57200, s0;
	s16 =	smul.u32 $0x2710, s18  }
0x7: {  	s12 =	sadd.s32 $0xD6600, s0;
	s20 =	sshll.u32 s18, $0x6;
	s30 =	smul.u32 $0x4E2, s18  }
0x8: {  	p0 =	sne.s32 s18, $0xF;
	_ =	strace $0x80000050;
	s14 =	smul.u32 $0x27100, s2  }
0x9: {  	s6 =	ssub.s32 $0x2, s2;
	s17 =	sshll.u32 s2, $0x4;
	s2 =	smul.u32 $0x138800, s2  }
0xa: {  	s7 =	sadd.s32 s11, s0;
	s8 =	sshrl.u32 s6, $0x1;
	s19 =	sshrl.u32 s9, $0x2  }
0xb: {  	s0 =	sadd.s32 $0xD6400, s0;
	s23 =	sshrl.u32 s16, $0x3;
	s13 =	ssub.s32 s6, s8  }
0xc: {  	s6 =	sor.u32 s18, s17;
	s17 =	sadd.s32 s19, s1;
	s22 =	sadd.s32 $0xAF400, s7  }
0xd: {  	s7 =	sor.u32 $0x1C03, s20;
	s19 =	sadd.s32 $0x138000, s1;
	[dreg:$0x4] =	wrdreg s0  }
0xe: {  	s10 =	sadd.s32 s15, s23;
	s24 =	sadd.s32 s11, s14;
	s2 =	sshrl.u32 s2, $0x3  }
0xf: {  	s26 =	sadd.s32 s16, s14;
	s15 =	sadd.s32 s30, s15;
	s18 =	simm.s32 $0x3  }
0x10: {  	s20 =	simm.s32 $0x50;
	s23 =	simm.s32 $0x100;
	s21 =	smul.u32 $0x2710, s6  }
0x11: {  	[dreg:$0x3] =	wrdreg s22;
	s11 =	sadd.s32 s12, s24;
	s25 =	sadd.s32 s12, s2  }
0x12: {  	s16 =	sadd.s32 $0x50, s26;
	s13 =	smax.u32 s13, $0x1;
	s14 =	sadd.s32 $0xA0, s26  }
0x13: {  	s17 =	sshrl.u32 s17, $0x3;
	s19 =	sshrl.u32 @!p0 s19, $0x3;
	s22 =	simm.s32 $0x1  }
0x14: {  	s24 =	simm.s32 $0x80;
	s26 =	simm.s32 $0x180;
	s12 =	sadd.s32 $0x27000, s25  }
0x15: {  	s31 =	sshrl.u32 s16, $0x3;
	s25 =	simm.s32 $0x2A00;
	s9 =	sshrl.u32 s21, $0x3  }
0x16: {  	s16 =	sadd.s32 s31, s4;
	s21 =	simm.s32 $0x200;
	s9 =	sadd.s32 s4, s9  }
.LBB2_1:
0x17: {  	s0 =	rddreg [dreg:$0x3]  }
0x18: {  	[spmem:s17], [sflag:s7] =	dma.local [hbm:s0], $0x2700  }
0x19: {  	_ =	swait.ge [sflag:s18], $0x2700  }
0x1a: {  	[sflag:s18] =	ssyncset.done $0x0  }
0x1b: {  	s0 =	rddreg [dreg:$0x4];
	[sflag:s18] =	ssyncadd.s32 $0xFFFFD900  }
0x1c: {  	[spmem:s19], [sflag:s7] =	dma.local @!p0 [hbm:s0], $0x100  }
0x1d: {  	s0 =	simm.s32 @!p0 $0x3  }
0x1e: {  	_ =	swait.ge @!p0 [sflag:s0], $0x100  }
0x1f: {  	[sflag:s0] =	ssyncset.done @!p0 $0x0  }
0x20: {  	[sflag:s0] =	ssyncadd.s32 @!p0 $0xFFFFFF00  }
0x21: {  	[bflag:$0x0] =	sbarrier.arrive $0xFFFF  }
0x22: {  	[tilespmem:s3], [sflag:$0x3] =	stream.linear.gather [hbm4b:s9+s3], $0x50, $0x38;
	[tilespmem:$0x18A80] =	vst v63  }
0x23: {  	_ =	swait.ge [sflag:s18], $0x50  }
0x24: {  	[sflag:s18] =	ssyncset.done $0x0  }
0x25: {  	[sflag:s18] =	ssyncadd.s32 $0xFFFFFFB0  }
0x26: {  	[tilespmem:s21], [sflag:$0x1] =	stream.indirect.gather [hbm4b:s5+s20], $0x80, s3, s20, $0xb8;
	[tilespmem:$0x18A80] =	vst v63  }
0x27: {  	_ =	swait.ge [sflag:s22], $0x2800  }
0x28: {  	[sflag:s22] =	ssyncset.done $0x0  }
0x29: {  	[sflag:s22] =	ssyncadd.s32 $0xFFFFD800  }
0x2a: {  	[tilespmem:s23], [sflag:$0x3] =	stream.linear.gather [hbm4b:s10+s3], $0x50, $0x38;
	[tilespmem:$0x18A80] =	vst v63  }
0x2b: {  	_ =	swait.ge [sflag:s18], $0x50  }
0x2c: {  	[sflag:s18] =	ssyncset.done $0x0  }
0x2d: {  	s2 =	sadd.s32 $0x0, s16;
	[sflag:s18] =	ssyncadd.s32 $0xFFFFFFB0  }
0x2e: {  	[tilespmem:s24], [sflag:$0x3] =	stream.linear.gather [hbm4b:s2+s3], $0x50, $0x38;
	[tilespmem:$0x18A80] =	vst v63  }
0x2f: {  	_ =	swait.ge [sflag:s18], $0x50  }
0x30: {  	[sflag:s18] =	ssyncset.done $0x0  }
0x31: {  	s6 =	sadd.s32 $0x0, s15;
	[sflag:s18] =	ssyncadd.s32 $0xFFFFFFB0  }
0x32: {  	[tilespmem:s25], [sflag:$0x2] =	stream.indirect.gather [hbm4b:s5+s20], $0x80, s24, s20, $0xb8;
	[tilespmem:$0x18A80] =	vst v63  }
0x33: {  	s2 =	sadd.s32 $0xA, s6  }
0x34: {  	[tilespmem:s26], [sflag:$0x3] =	stream.linear.gather [hbm4b:s2+s3], $0x50, $0x38;
	[tilespmem:$0x18A80] =	vst v63  }
0x35: {  	_ =	swait.ge [sflag:s18], $0x50  }
0x36: {  	[sflag:s18] =	ssyncset.done $0x0  }
0x37: {  	[sflag:s18] =	ssyncadd.s32 $0xFFFFFFB0  }
0x38: {  	[spmem:s1] =	stream.indirect.scatter.add.f32 [tilespmem:s21], [sflag:$0x3], $0x80, s23, s20, $0xb8;
	[tilespmem:$0x18A80] =	vst v63  }
0x39: {  	_ =	swait.ge [sflag:s18], $0x2800  }
0x3a: {  	[sflag:s18] =	ssyncset.done $0x0  }
0x3b: {  	[sflag:s18] =	ssyncadd.s32 $0xFFFFD800  }
0x3c: {  	_ =	swait.ge [sflag:s28], $0x2800  }
0x3d: {  	s8 =	sshrl.u32 s14, $0x3;
	[sflag:s28] =	ssyncset.done $0x0  }
0x3e: {  	s2 =	sadd.s32 s4, s8;
	[sflag:s28] =	ssyncadd.s32 $0xFFFFD800  }
0x3f: {  	[tilespmem:s3], [sflag:$0x3] =	stream.linear.gather [hbm4b:s2+s3], $0x50, $0x38;
	[tilespmem:$0x18A80] =	vst v63  }
0x40: {  	_ =	swait.ge [sflag:s18], $0x50  }
0x41: {  	[sflag:s18] =	ssyncset.done $0x0  }
0x42: {  	[sflag:s18] =	ssyncadd.s32 $0xFFFFFFB0  }
0x43: {  	[tilespmem:s21], [sflag:$0x1] =	stream.indirect.gather [hbm4b:s5+s20], $0x80, s3, s20, $0xb8;
	[tilespmem:$0x18A80] =	vst v63  }
0x44: {  	s0 =	sadd.s32 $0x14, s6  }
0x45: {  	[tilespmem:s23], [sflag:$0x3] =	stream.linear.gather [hbm4b:s0+s3], $0x50, $0x38;
	[tilespmem:$0x18A80] =	vst v63  }
0x46: {  	_ =	swait.ge [sflag:s18], $0x50  }
0x47: {  	[sflag:s18] =	ssyncset.done $0x0  }
0x48: {  	[sflag:s18] =	ssyncadd.s32 $0xFFFFFFB0  }
0x49: {  	[spmem:s1] =	stream.indirect.scatter.add.f32 [tilespmem:s25], [sflag:$0x3], $0x80, s26, s20, $0xb8;
	[tilespmem:$0x18A80] =	vst v63  }
0x4a: {  	_ =	swait.ge [sflag:s18], $0x2800  }
0x4b: {  	[sflag:s18] =	ssyncset.done $0x0  }
0x4c: {  	[sflag:s18] =	ssyncadd.s32 $0xFFFFD800  }
0x4d: {  	s31 =	simm.s32 $0x14;
	_ =	swait.ge [sflag:s22], $0x2800  }
0x4e: {  	s30 =	sadd.s32 $0xA0, s14;
	s0 =	simm.s32 $0x28;
	[sflag:s22] =	ssyncset.done $0x0  }
.LBB2_2:
0x4f: {  	s6 =	sadd.s32 s31, s16  }
0x50: {  	[sflag:s22] =	ssyncadd.s32 $0xFFFFD800;
	s8 =	smov.u32 s0;
	s2 =	sadd.s32 $0x14, s0  }
0x51: {  	[tilespmem:s24], [sflag:$0x3] =	stream.linear.gather [hbm4b:s6+s3], $0x50, $0x38;
	[tilespmem:$0x18A80] =	vst v63  }
0x52: {  	p1 =	sne.s32 s0, $0x4C4;
	_ =	swait.ge [sflag:s18], $0x50  }
0x53: {  	[sflag:s18] =	ssyncset.done $0x0  }
0x54: {  	s0 =	sadd.s32 s31, s15;
	s31 =	smov.u32 s8;
	[sflag:s18] =	ssyncadd.s32 $0xFFFFFFB0  }
0x55: {  	[tilespmem:s25], [sflag:$0x2] =	stream.indirect.gather [hbm4b:s5+s20], $0x80, s24, s20, $0xb8;
	[tilespmem:$0x18A80] =	vst v63  }
0x56: {  	s6 =	sadd.s32 $0xA, s0  }
0x57: {  	[tilespmem:s26], [sflag:$0x3] =	stream.linear.gather [hbm4b:s6+s3], $0x50, $0x38;
	[tilespmem:$0x18A80] =	vst v63  }
0x58: {  	_ =	swait.ge [sflag:s18], $0x50  }
0x59: {  	[sflag:s18] =	ssyncset.done $0x0  }
0x5a: {  	[sflag:s18] =	ssyncadd.s32 $0xFFFFFFB0  }
0x5b: {  	[spmem:s1] =	stream.indirect.scatter.add.f32 [tilespmem:s21], [sflag:$0x3], $0x80, s23, s20, $0xb8;
	[tilespmem:$0x18A80] =	vst v63  }
0x5c: {  	_ =	swait.ge [sflag:s18], $0x2800  }
0x5d: {  	[sflag:s18] =	ssyncset.done $0x0  }
0x5e: {  	[sflag:s18] =	ssyncadd.s32 $0xFFFFD800  }
0x5f: {  	_ =	swait.ge [sflag:s28], $0x2800  }
0x60: {  	s6 =	sshrl.u32 s30, $0x3;
	[sflag:s28] =	ssyncset.done $0x0  }
0x61: {  	s6 =	sadd.s32 s4, s6;
	[sflag:s28] =	ssyncadd.s32 $0xFFFFD800  }
0x62: {  	[tilespmem:s3], [sflag:$0x3] =	stream.linear.gather [hbm4b:s6+s3], $0x50, $0x38;
	[tilespmem:$0x18A80] =	vst v63  }
0x63: {  	_ =	swait.ge [sflag:s18], $0x50  }
0x64: {  	[sflag:s18] =	ssyncset.done $0x0  }
0x65: {  	[sflag:s18] =	ssyncadd.s32 $0xFFFFFFB0  }
0x66: {  	[tilespmem:s21], [sflag:$0x1] =	stream.indirect.gather [hbm4b:s5+s20], $0x80, s3, s20, $0xb8;
	[tilespmem:$0x18A80] =	vst v63  }
0x67: {  	s0 =	sadd.s32 $0x14, s0  }
0x68: {  	[tilespmem:s23], [sflag:$0x3] =	stream.linear.gather [hbm4b:s0+s3], $0x50, $0x38;
	[tilespmem:$0x18A80] =	vst v63  }
0x69: {  	_ =	swait.ge [sflag:s18], $0x50  }
0x6a: {  	[sflag:s18] =	ssyncset.done $0x0  }
0x6b: {  	[sflag:s18] =	ssyncadd.s32 $0xFFFFFFB0  }
0x6c: {  	[spmem:s1] =	stream.indirect.scatter.add.f32 [tilespmem:s25], [sflag:$0x3], $0x80, s26, s20, $0xb8;
	[tilespmem:$0x18A80] =	vst v63  }
.Ltmp0:
0x6d: {  	_ =	swait.ge [sflag:s18], $0x2800;
	(pc) =	sbr.rel @p1 .LBB2_2-.Ltmp0, $4  }
0x6e: {  	[sflag:s18] =	ssyncset.done $0x0  }
0x6f: {  	[sflag:s18] =	ssyncadd.s32 $0xFFFFD800  }
0x70: {  	_ =	swait.ge [sflag:s22], $0x2800  }
0x71: {  	s30 =	sadd.s32 $0xA0, s30;
	s0 =	smov.u32 s2;
	[sflag:s22] =	ssyncset.done $0x0  }
0x72: {  	s0 =	sadd.s32 s31, s16;
	[sflag:s22] =	ssyncadd.s32 $0xFFFFD800  }
0x73: {  	[tilespmem:s24], [sflag:$0x3] =	stream.linear.gather [hbm4b:s0+s3], $0x50, $0x38;
	[tilespmem:$0x18A80] =	vst v63  }
0x74: {  	_ =	swait.ge [sflag:s18], $0x50  }
0x75: {  	[sflag:s18] =	ssyncset.done $0x0  }
0x76: {  	s8 =	sadd.s32 s31, s15;
	[sflag:s18] =	ssyncadd.s32 $0xFFFFFFB0  }
0x77: {  	[tilespmem:s25], [sflag:$0x2] =	stream.indirect.gather [hbm4b:s5+s20], $0x80, s24, s20, $0xb8;
	[tilespmem:$0x18A80] =	vst v63  }
0x78: {  	s2 =	sadd.s32 $0xA, s8  }
0x79: {  	[tilespmem:s26], [sflag:$0x3] =	stream.linear.gather [hbm4b:s2+s3], $0x50, $0x38;
	[tilespmem:$0x18A80] =	vst v63  }
0x7a: {  	_ =	swait.ge [sflag:s18], $0x50  }
0x7b: {  	[sflag:s18] =	ssyncset.done $0x0  }
0x7c: {  	[sflag:s18] =	ssyncadd.s32 $0xFFFFFFB0  }
0x7d: {  	[spmem:s1] =	stream.indirect.scatter.add.f32 [tilespmem:s21], [sflag:$0x3], $0x80, s23, s20, $0xb8;
	[tilespmem:$0x18A80] =	vst v63  }
0x7e: {  	_ =	swait.ge [sflag:s18], $0x2800  }
0x7f: {  	[sflag:s18] =	ssyncset.done $0x0  }
0x80: {  	[sflag:s18] =	ssyncadd.s32 $0xFFFFD800  }
0x81: {  	_ =	swait.ge [sflag:s28], $0x2800  }
0x82: {  	s31 =	sshrl.u32 s30, $0x3;
	[sflag:s28] =	ssyncset.done $0x0  }
0x83: {  	s2 =	sadd.s32 s4, s31;
	[sflag:s28] =	ssyncadd.s32 $0xFFFFD800  }
0x84: {  	[tilespmem:s3], [sflag:$0x3] =	stream.linear.gather [hbm4b:s2+s3], $0x50, $0x38;
	[tilespmem:$0x18A80] =	vst v63  }
0x85: {  	_ =	swait.ge [sflag:s18], $0x50  }
0x86: {  	[sflag:s18] =	ssyncset.done $0x0  }
0x87: {  	[sflag:s18] =	ssyncadd.s32 $0xFFFFFFB0  }
0x88: {  	[tilespmem:s21], [sflag:$0x1] =	stream.indirect.gather [hbm4b:s5+s20], $0x80, s3, s20, $0xb8;
	[tilespmem:$0x18A80] =	vst v63  }
0x89: {  	s0 =	sadd.s32 $0x14, s8  }
0x8a: {  	[tilespmem:s23], [sflag:$0x3] =	stream.linear.gather [hbm4b:s0+s3], $0x50, $0x38;
	[tilespmem:$0x18A80] =	vst v63  }
0x8b: {  	_ =	swait.ge [sflag:s18], $0x50  }
0x8c: {  	[sflag:s18] =	ssyncset.done $0x0  }
0x8d: {  	[sflag:s18] =	ssyncadd.s32 $0xFFFFFFB0  }
0x8e: {  	[spmem:s1] =	stream.indirect.scatter.add.f32 [tilespmem:s25], [sflag:$0x3], $0x80, s26, s20, $0xb8;
	[tilespmem:$0x18A80] =	vst v63  }
0x8f: {  	_ =	swait.ge [sflag:s18], $0x2800  }
0x90: {  	[sflag:s18] =	ssyncset.done $0x0  }
0x91: {  	[sflag:s18] =	ssyncadd.s32 $0xFFFFD800  }
0x92: {  	_ =	swait.ge [sflag:s22], $0x2800  }
0x93: {  	[sflag:s22] =	ssyncset.done $0x0  }
0x94: {  	[sflag:s22] =	ssyncadd.s32 $0xFFFFD800  }
0x95: {  	[spmem:s1] =	stream.indirect.scatter.add.f32 [tilespmem:s21], [sflag:$0x3], $0x80, s23, s20, $0xb8;
	[tilespmem:$0x18A80] =	vst v63  }
0x96: {  	_ =	swait.ge [sflag:s18], $0x2800  }
0x97: {  	[sflag:s18] =	ssyncset.done $0x0  }
0x98: {  	[sflag:s18] =	ssyncadd.s32 $0xFFFFD800  }
0x99: {  	[bflag:$0x0] =	sbarrier.arrive $0xFFFF  }
0x9a: {  	[hbm:s11], [sflag:s7] =	dma.local [spmem:s17], $0x2700  }
0x9b: {  	s29 =	sadd.s32 $0x1, s29;
	_ =	swait.ge [sflag:s18], $0x2700  }
0x9c: {  	p1 =	sne.s32 s29, s13;
	[sflag:s18] =	ssyncset.done $0x0  }
.Ltmp1:
0x9d: {  	s0 =	simm.s32 @!p0 $0x3;
	[sflag:s18] =	ssyncadd.s32 $0xFFFFD900;
	(pc) =	sbr.rel @p1 .LBB2_1-.Ltmp1, $4  }
0x9e: {  	[hbm:s12], [sflag:s7] =	dma.local @!p0 [spmem:s19], $0x100  }
0x9f: {  	_ =	swait.ge @!p0 [sflag:s0], $0x100  }
0xa0: {  	[sflag:s0] =	ssyncset.done @!p0 $0x0  }
0xa1: {  	[sflag:s0] =	ssyncadd.s32 @!p0 $0xFFFFFF00  }
0xa2: {  	_ =	sfence.sel $0x180000  }
0xa3: {  	[bflag:$0x0] =	sbarrier.arrive $0xFFFF  }
0xa4: {  	_ =	strace $0x90000050  }
0xa5: {  	s0 =	stileid.u32;
	[bflag:$0x2] =	sbarrier.arrive $0xFFFF  }
0xa6: {  	p0 =	sne.s32 s0, $0x0;
	s0 =	rddreg [dreg:$0x2]  }
0xa7: {  	s0 =	sadd.s32 @!p0 $0x100000, s0  }
0xa8: {  	[sflag:s0] =	ssyncadd.tile.s32 @!p0 $0x1;
	_ =	shalt  }
.Lfunc_end2:
_tile_overlayer_lowered:
.L_overlay_start_2:
0xa9: {  	(tag) =	ssettag $0x2  }
0xaa: {  	s0 =	rddreg [dreg:$0x0];
	s2 =	stileid.u32  }
0xab: {  	s1 =	rddreg [dreg:$0x1];
	p0 =	sne.s32 s2, $0x0  }
0xac: {  	s3 =	rddreg [dreg:$0x2];
	[bflag:$0x3] =	sbarrier.arrive $0xFFFF;
	s2 =	simm.s32 @!p0 $0x1C03  }
0xad: {  	[timem:s3], [sflag:s2] =	dma.local @!p0 [hbm:s0], s1  }
0xae: {  	s0 =	simm.s32 @!p0 $0x3  }
0xaf: {  	_ =	swait.ge @!p0 [sflag:s0], s1  }
0xb0: {  	s1 =	ssub.s32 @!p0 $0x0, s1;
	[sflag:s0] =	ssyncset.done @!p0 $0x0  }
0xb1: {  	[sflag:s0] =	ssyncadd.s32 @!p0 s1  }
0xb2: {  	[bflag:$0x3] =	sbarrier.arrive $0xFFFF  }
0xb3: {  	_ =	shalt  }

// kernel: kernel.27.cloned.1.call-start
scs
__scs_entry_jumppad:
0x0: {  	(pc) =	sbr.rel $0x88, $3  }
0x1: {  	(tag) =	ssettag $0x0;
	lr =	simm.s32 $0x1  }
0x2: {  	[smem:$0x3F96] =	sst lr;
	_ =	strace $0xD0000000  }
0x3: {  	_ = 	snop  }
0x4: {  	_ = 	snop  }
0x5: {  	_ = 	snop  }
0x6: {  	_ = 	snop  }
0x7: {  	_ = 	snop  }
__scs_overlays_trampoline_lowered:
0x8: {  	[smem:$0x3FA5] =	sst s0  }
0x9: {  	[smem:$0x3FA6] =	sst s1  }
0xa: {  	[smem:$0x3FA7] =	sst s2  }
0xb: {  	[smem:$0x3FA8] =	sst s3  }
0xc: {  	[smem:$0x3FA9] =	sst s4  }
0xd: {  	[smem:$0x3FAA] =	sst s5  }
0xe: {  	[smem:$0x3FAB] =	sst s6  }
0xf: {  	[smem:$0x3FAC] =	sst s7  }
0x10: {  	[smem:$0x3FAD] =	sst s8  }
0x11: {  	[smem:$0x3FAE] =	sst s9;
	s0 =	simm.s32 @!p0 $0x0  }
0x12: {  	s1 =	sld [smem:$0x3F94];
	s0 =	simm.s32 @p0 $0x1  }
0x13: {  	[smem:$0x3FAF] =	sst s0;
	s0 =	simm.s32 @!p1 $0x0  }
0x14: {  	s2 =	sld [smem:$0x3F93];
	s0 =	simm.s32 @p1 $0x1  }
0x15: {  	[smem:$0x3FB0] =	sst s0;
	s0 =	simm.s32 @!p2 $0x0  }
0x16: {  	s3 =	sld [smem:$0x3FDB];
	s0 =	simm.s32 @p2 $0x1  }
0x17: {  	s4 =	simm.s32 $0x1BF5;
	[smem:$0x3FB2] =	sst s0  }
0x18: {  	s0 =	sld [smem:$0x3F95];
	_ =	swait.ge [sflag:s4], $0x0  }
0x19: {  	s7 =	sld [smem:$0x3F96]  }
0x1a: {  	s8 =	sadd.s32 $0xFFFFE003, lr  }
0x1b: {  	s9 =	sadd.s32 $0xFFFFFEF7, lr;
	s5 =	simm.s32 $0xFFFFFFFF;
	p2 =	slt.u32 s8, $0xFFFFF086  }
0x1c: {  	p1 =	slt.u32 s9, $0xF7A;
	s5 =	simm.s32 @!p2 $0x0  }
0x1d: {  	s5 =	simm.s32 @p1 $0x1;
	p0 =	seq.s32 s7, s2  }
0x1e: {  	s7 =	smul.u32 @!p0 $0xF7A, s2;
	p2 =	seq.s32 @!p0 s5, $0x0  }
0x1f: {  	s9 =	smul.u32 $0xF7A, s1;
	s8 =	simm.s32 @!p0 $0x1BF5;
	p2 =	por !p2, p0  }
0x20: {  	[sflag:s8] =	ssyncset.s32 @!p0 $0xFFFFF086;
	s6 =	sadd.s32 @!p0 s3, s7;
	s7 =	simm.s32 @!p0 $0x108  }
0x21: {  	s3 =	sadd.s32 s3, s9;
	s6 =	sadd.s32 @!p0 $0x88, s6;
	s7 =	simm.s32 @p2 $0x1082  }
0x22: {  	[simem:s7], [sflag:s8] =	dma.local @!p0 [hbm:s6], $0xF7A  }
0x23: {  	s9 =	sor.u32 $0xD0000000, s2;
	s6 =	simm.s32 $0x108;
	_ =	swait.ge @!p0 [sflag:s8], $0x0  }
0x24: {  	s3 =	sadd.s32 $0x88, s3;
	s6 =	simm.s32 @!p1 $0x1082;
	[sflag:s4] =	ssyncset.s32 $0xFFFFF086  }
0x25: {  	[simem:s6], [sflag:s4] =	dma.local [hbm:s3], $0xF7A  }
0x26: {  	[smem:$0x3F96] =	sst s1;
	(tag) =	ssettag s2;
	_ =	strace s9  }
0x27: {  	s1 =	sld [smem:$0x3FA6]  }
0x28: {  	s2 =	sld [smem:$0x3FA7]  }
0x29: {  	s4 =	sld [smem:$0x3FA9]  }
0x2a: {  	p0 =	seq.s32 s5, $0x0;
	s5 =	sld [smem:$0x3FAA]  }
0x2b: {  	s6 =	sld [smem:$0x3FAB]  }
0x2c: {  	s7 =	sld [smem:$0x3FAC]  }
0x2d: {  	s3 =	simm.s32 $0x108;
	s8 =	sld [smem:$0x3FAD]  }
0x2e: {  	s3 =	simm.s32 @!p0 $0x1082;
	s9 =	sld [smem:$0x3FAE]  }
0x2f: {  	lr =	sadd.s32 s0, s3;
	s0 =	sld [smem:$0x3FA5]  }
0x30: {  	s3 =	sld [smem:$0x3FA8]  }
0x31: {  	[smem:$0x3FB1] =	sst s10  }
0x32: {  	s10 =	sld [smem:$0x3FAF];
	_ =	sdelay $0x3  }
0x33: {  	p0 =	seq.s32 s10, $0x1;
	s10 =	sld [smem:$0x3FB1];
	_ =	sdelay $0x3  }
0x34: {  	[smem:$0x3FB1] =	sst s10  }
0x35: {  	s10 =	sld [smem:$0x3FB0];
	_ =	sdelay $0x3  }
0x36: {  	p1 =	seq.s32 s10, $0x1;
	s10 =	sld [smem:$0x3FB1];
	_ =	sdelay $0x3  }
0x37: {  	[smem:$0x3FB1] =	sst s10  }
0x38: {  	s10 =	sld [smem:$0x3FB2]  }
0x39: {  	_ = 	snop;
	(pc) =	sbr.ind lr, $3  }
0x3a: {  	_ = 	snop  }
0x3b: {  	_ = 	snop  }
0x3c: {  	p2 =	seq.s32 s10, $0x1;
	s10 =	sld [smem:$0x3FB1]  }
0x3d: {  	_ =	shalt  }
0x3e: {  	_ =	shalt  }
0x3f: {  	_ =	shalt  }
0x40: {  	_ =	shalt  }
0x41: {  	_ =	shalt  }
0x42: {  	_ =	shalt  }
0x43: {  	_ =	shalt  }
0x44: {  	_ =	shalt  }
0x45: {  	_ =	shalt  }
0x46: {  	_ =	shalt  }
0x47: {  	_ =	shalt  }
0x48: {  	_ =	shalt  }
0x49: {  	_ =	shalt  }
0x4a: {  	_ =	shalt  }
0x4b: {  	_ =	shalt  }
0x4c: {  	_ =	shalt  }
0x4d: {  	_ =	shalt  }
0x4e: {  	_ =	shalt  }
0x4f: {  	_ =	shalt  }
0x50: {  	_ =	shalt  }
0x51: {  	_ =	shalt  }
0x52: {  	_ =	shalt  }
0x53: {  	_ =	shalt  }
0x54: {  	_ =	shalt  }
0x55: {  	_ =	shalt  }
0x56: {  	_ =	shalt  }
0x57: {  	_ =	shalt  }
0x58: {  	_ =	shalt  }
0x59: {  	_ =	shalt  }
0x5a: {  	_ =	shalt  }
0x5b: {  	_ =	shalt  }
0x5c: {  	_ =	shalt  }
0x5d: {  	_ =	shalt  }
0x5e: {  	_ =	shalt  }
0x5f: {  	_ =	shalt  }
0x60: {  	_ =	shalt  }
0x61: {  	_ =	shalt  }
0x62: {  	_ =	shalt  }
0x63: {  	_ =	shalt  }
0x64: {  	_ =	shalt  }
0x65: {  	_ =	shalt  }
0x66: {  	_ =	shalt  }
0x67: {  	_ =	shalt  }
0x68: {  	_ =	shalt  }
0x69: {  	_ =	shalt  }
0x6a: {  	_ =	shalt  }
0x6b: {  	_ =	shalt  }
0x6c: {  	_ =	shalt  }
0x6d: {  	_ =	shalt  }
0x6e: {  	_ =	shalt  }
0x6f: {  	_ =	shalt  }
0x70: {  	_ =	shalt  }
0x71: {  	_ =	shalt  }
0x72: {  	_ =	shalt  }
0x73: {  	_ =	shalt  }
0x74: {  	_ =	shalt  }
0x75: {  	_ =	shalt  }
0x76: {  	_ =	shalt  }
0x77: {  	_ =	shalt  }
0x78: {  	_ =	shalt  }
0x79: {  	_ =	shalt  }
0x7a: {  	_ =	shalt  }
0x7b: {  	_ =	shalt  }
0x7c: {  	_ =	shalt  }
0x7d: {  	_ =	shalt  }
0x7e: {  	_ =	shalt  }
0x7f: {  	_ =	shalt  }
0x80: {  	_ =	shalt  }
0x81: {  	_ =	shalt  }
0x82: {  	_ =	shalt  }
0x83: {  	_ =	shalt  }
0x84: {  	_ =	shalt  }
0x85: {  	_ =	shalt  }
0x86: {  	_ =	shalt  }
0x87: {  	_ =	shalt  }
.Lfunc_end0:
.L_simem_size_0:
called_computation.4_lowered:
.L_overlay_start_0:
0x88: {  	s2 =	sld [smem:$0x3FD9]  }
0x89: {  	s3 =	sld [smem:$0x3FFE];
	_ =	sdelay $0x1  }
0x8a: {  	s1 =	srdreg.scid  }
0x8b: {  	s0 =	sand.u32 $0x1, s1  }
0x8c: {  	s17 =	sshll.u32 s0, $0xA;
	s2 =	sadd.s32 s3, s2  }
0x8d: {  	s2 =	sadd.s32 s2, s17  }
0x8e: {  	[smem:$0x3FBD] =	sst s2  }
0x8f: {  	_ = 	snop  }
0x90: {  	s2 =	sld [smem:$0x3FC7];
	(tm) =	ssettm $0x1  }
0x91: {  	s18 =	sld [smem:$0x3FFB];
	_ =	sdelay $0x3  }
0x92: {  	_ =	strace s18  }
0x93: {  	s3 =	sld [smem:$0x3FFC];
	_ =	sdelay $0x3  }
0x94: {  	_ =	strace s3  }
0x95: {  	s3 =	sld [smem:$0x3FFD];
	_ =	sdelay $0x3  }
0x96: {  	_ =	strace s3  }
0x97: {  	_ =	strace $0x8FFFFFFF  }
0x98: {  	s19 =	sld [smem:$0x3FDB];
	_ =	sdelay $0x1  }
0x99: {  	s4 =	simm.s32 $_scs_section_size  }
0x9a: {  	s5 =	simm.s32 $_size__tile_overlayer_lowered;
	s6 =	simm.s32 $_tile_overlayer_lowered  }
0x9b: {  	s22 =	simm.s32 $0x1BFF;
	s21 =	sshll.u32 s6, $0x1;
	s3 =	sadd.s32 s4, s19  }
0x9c: {  	s7 =	simm.s32 $0x0;
	s20 =	sshll.u32 s5, $0x1;
	s5 =	sadd.s32 s21, s3  }
0x9d: {  	[timem:s7], [sflag:s22] =	dma.local [hbm:s5], s20  }
0x9e: {  	_ =	swait.ge [sflag:s22], s20  }
0x9f: {  	s4 =	ssub.s32 $0x0, s20;
	[sflag:s22] =	ssyncset.done $0x0  }
0xa0: {  	[sflag:s22] =	ssyncadd.s32 s4;
	_ =	sdelay $0x1  }
0xa1: {  	s23 =	simm.s32 $0x1B8B  }
0xa2: {  	_ =	swait.ge [sflag:s23], $0x1  }
0xa3: {  	[sflag:s23] =	ssyncset.done $0x0  }
0xa4: {  	s25 =	simm.s32 $0x1B8E;
	s24 =	sld [smem:$0x3FFE];
	[sflag:s23] =	ssyncadd.s32 $0xFFFFFFFF  }
0xa5: {  	s26 =	simm.s32 $execute0_lowered;
	[smem:$0x3FD2] =	sst s25  }
0xa6: {  	s5 =	sshll.u32 s26, $0x1;
	_ =	strace $0x80000052;
	[dreg:$0x1] =	wrdreg $0xFFFFFFFF  }
0xa7: {  	s28 =	simm.s32 $_size_execute0_lowered;
	s3 =	sadd.s32 s3, s5;
	[dreg:$0x0] =	wrdreg $0x0  }
0xa8: {  	s5 =	sshll.u32 s28, $0x1;
	[dreg:$0x2] =	wrdreg s3  }
0xa9: {  	[dreg:$0x3] =	wrdreg s5  }
0xaa: {  	[dreg:$0x4] =	wrdreg $0xC0  }
0xab: {  	_ =	task [dreg:s7], $0x5FFFF  }
0xac: {  	[dreg:$0x1] =	wrdreg $0xFFFFFFFF  }
0xad: {  	[dreg:$0x0] =	wrdreg $0x60  }
0xae: {  	[dreg:$0x2] =	wrdreg s24  }
0xaf: {  	[dreg:$0x3] =	wrdreg s2  }
0xb0: {  	[dreg:$0x4] =	wrdreg $0x9  }
0xb1: {  	_ =	task.clear_ibuf [dreg:s7], $0x5FFFF;
	_ =	strace $0x90000052  }
0xb2: {  	s29 =	simm.s32 $0x9;
	_ =	strace $0x80000054  }
0xb3: {  	_ =	swait.ge [sflag:s29], $0x1  }
0xb4: {  	[sflag:s29] =	ssyncadd.s32 $0xFFFFFFFF  }
0xb5: {  	_ =	strace $0x90000054  }
0xb6: {  	_ =	sfence  }
0xb7: {  	s30 =	sld [smem:$0x0];
	_ =	sdelay $0x2  }
0xb8: {  	s31 =	sshll.u32 s1, $0xD;
	s1 =	sshrl.u32 s1, $0x2  }
0xb9: {  	s3 =	sand.u32 $0x4000, s31;
	s1 =	sadd.s32 s1, s30  }
0xba: {  	s0 =	sor.u32 s3, s0;
	s1 =	sshll.u32 s1, $0x11  }
0xbb: {  	s0 =	sor.u32 s1, s0  }
0xbc: {  	s0 =	sadd.s32 $0x8F2B, s0  }
0xbd: {  	[sflag:s0] =	ssyncadd.remote.s32 $0x1  }
0xbe: {  	_ =	sfence.sel $0xFFFF  }
0xbf: {  	[dreg:$0x0] =	wrdreg $0xFFFFFFFF;
	(pc) =	sbr.abs _section_cstart, $3  }
0xc0: {  	[dreg:$0x1] =	wrdreg $0xFFFFFFFF  }
0xc1: {  	_ =	task.clear_ibuf [dreg:s7], $0x2FFFF;
	_ =	strace $0x9FFFFFFF  }
0xc2: {  	(tm) =	ssettm $0x7FFFFFFF  }
0xc3: {  	_ =	shalt  }
tec
execute0_lowered:
.L_overlay_start_1:
0x0: {  	(tag) =	ssettag $0x1  }
0x1: {  	s4 =	rddreg [dreg:$0x0]  }
0x2: {  	s5 =	rddreg [dreg:$0x1]  }
0x3: {  	s0 =	rddreg [dreg:$0x2];
	s1 =	simm.s32 $0x0  }
0x4: {  	s6 =	srdreg.scid;
	s2 =	stileid.u32;
	s10 =	simm.s32 $0x0  }
0x5: {  	[smem:$0x7FF] =	sst s1;
	s3 =	sadd.s32 $0x4000, s4;
	s6 =	sand.u32 $0x1, s6  }
0x6: {  	s7 =	sshll.u32 s2, $0xB;
	s8 =	sshll.u32 s2, $0x6;
	_ =	strace $0x80000053  }
0x7: {  	s9 =	sshll.u32 s6, $0x5;
	s7 =	sadd.s32 s7, s4;
	s30 =	ssub.s32 $0x2, s6  }
0x8: {  	s6 =	sshll.u32 s6, $0xA;
	s8 =	sor.u32 s9, s8;
	s31 =	sshrl.u32 s30, $0x1  }
0x9: {  	v0 =	vlaneseq.u32;
	s6 =	sadd.s32 s6, s7;
	s7 =	simm.s32 $0x2;
	s8 =	sshrl.u32 s8, $0x3  }
0xa: {  	v1 =	vshrl.u32 v0, $0x3;
	s9 =	ssub.s32 s30, s31;
	s6 =	sadd.s32 $0x52200, s6;
	s4 =	sadd.s32 s5, s8  }
0xb: {  	vm0 =	vmmov $0xffff;
	v0 =	vand.u32 $0x7, v0;
	v1 =	vmul.u32 $0x8, v1;
	s5 =	smax.u32 s9, $0x1;
	s8 =	simm.s32 $0x80;
	s9 =	simm.s32 $0x1  }
.LBB2_1:
0xc: {  	[tilespmem:s1], [sflag:$0x2] =	stream.linear.gather [hbm4b:s4+s1], $0x20, $0x38;
	[tilespmem:$0x880] =	vst v63  }
0xd: {  	_ =	swait.ge [sflag:s7], $0x20  }
0xe: {  	[sflag:s7] =	ssyncset.done $0x0  }
0xf: {  	s11 =	simm.s32 $0x0;
	[sflag:s7] =	ssyncadd.s32 $0xFFFFFFE0  }
0x10: {  	v2 =	vld.msk [tilespmem:s11+$0x0], $0xff;
	_ =	sdelay $0x4  }
0x11: {  	v3 =	vshll.u32 v2, $0x1  }
0x12: {  	v2 =	vand.u32 $0x7, v2;
	v3 =	vand.u32 $0xFFFFFFF0, v3  }
0x13: {  	v2 =	vor.u32 v2, v3  }
0x14: {  	v2 =	vperm.xlane v2, v0;
	_ =	sdelay $0x1  }
0x15: {  	v2 =	vadd.s32 v1, v2;
	_ =	sdelay $0x4  }
0x16: {  	[tilespmem:s8], [sflag:$0x1] =	stream.indirect_vreg.gather [hbm4b:s3+s1], $0x80, v2, vm0, $0xb8;
	[tilespmem:$0x880] =	vst v63  }
0x17: {  	_ =	swait.ge [sflag:s9], $0x800  }
0x18: {  	[sflag:s9] =	ssyncset.done $0x0  }
0x19: {  	[sflag:s9] =	ssyncadd.s32 $0xFFFFF800  }
0x1a: {  	[hbm4b:s6+s1] =	stream.linear.scatter [tilespmem:s8], [sflag:$0x2], $0x800, $0x38;
	[tilespmem:$0x880] =	vst v63  }
0x1b: {  	s12 =	simm.s32 $0x20;
	_ =	swait.ge [sflag:s7], $0x800  }
0x1c: {  	s13 =	simm.s32 $0x40;
	s11 =	sadd.s32 $0x100, s6;
	[sflag:s7] =	ssyncset.done $0x0  }
.LBB2_2:
0x1d: {  	s14 =	sshra.s32 s12, $0x2  }
0x1e: {  	[sflag:s7] =	ssyncadd.s32 $0xFFFFF800;
	s12 =	smov.u32 s13;
	s15 =	sadd.s32 $0x20, s13  }
0x1f: {  	p0 =	sne.s32 s13, $0x60;
	v2 =	vld.msk [tilespmem:s14+$0x0], $0xff;
	_ =	sdelay $0x4  }
0x20: {  	v3 =	vshll.u32 v2, $0x1  }
0x21: {  	v2 =	vand.u32 $0x7, v2;
	v3 =	vand.u32 $0xFFFFFFF0, v3  }
0x22: {  	v2 =	vor.u32 v2, v3  }
0x23: {  	v2 =	vperm.xlane v2, v0;
	_ =	sdelay $0x1  }
0x24: {  	v2 =	vadd.s32 v1, v2;
	_ =	sdelay $0x4  }
0x25: {  	[tilespmem:s8], [sflag:$0x1] =	stream.indirect_vreg.gather [hbm4b:s3+s1], $0x80, v2, vm0, $0xb8;
	[tilespmem:$0x880] =	vst v63  }
0x26: {  	_ =	swait.ge [sflag:s9], $0x800  }
.Ltmp0:
0x27: {  	[sflag:s9] =	ssyncset.done $0x0;
	(pc) =	sbr.rel @p0 .LBB2_2-.Ltmp0, $4  }
0x28: {  	[sflag:s9] =	ssyncadd.s32 $0xFFFFF800  }
0x29: {  	[hbm4b:s11+s1] =	stream.linear.scatter [tilespmem:s8], [sflag:$0x2], $0x800, $0x38;
	[tilespmem:$0x880] =	vst v63  }
0x2a: {  	_ =	swait.ge [sflag:s7], $0x800  }
0x2b: {  	s13 =	smov.u32 s15;
	s11 =	sadd.s32 $0x100, s11;
	[sflag:s7] =	ssyncset.done $0x0  }
0x2c: {  	s12 =	sshra.s32 s12, $0x2;
	[sflag:s7] =	ssyncadd.s32 $0xFFFFF800  }
0x2d: {  	v2 =	vld.msk [tilespmem:s12+$0x0], $0xff;
	_ =	sdelay $0x4  }
0x2e: {  	v3 =	vshll.u32 v2, $0x1  }
0x2f: {  	v2 =	vand.u32 $0x7, v2;
	v3 =	vand.u32 $0xFFFFFFF0, v3  }
0x30: {  	v2 =	vor.u32 v2, v3  }
0x31: {  	v2 =	vperm.xlane v2, v0;
	_ =	sdelay $0x1  }
0x32: {  	v2 =	vadd.s32 v1, v2;
	_ =	sdelay $0x4  }
0x33: {  	[tilespmem:s8], [sflag:$0x1] =	stream.indirect_vreg.gather [hbm4b:s3+s1], $0x80, v2, vm0, $0xb8;
	[tilespmem:$0x880] =	vst v63  }
0x34: {  	s10 =	sadd.s32 $0x1, s10;
	_ =	swait.ge [sflag:s9], $0x800  }
0x35: {  	p0 =	sne.s32 s10, s5;
	[sflag:s9] =	ssyncset.done $0x0  }
.Ltmp1:
0x36: {  	[sflag:s9] =	ssyncadd.s32 $0xFFFFF800;
	(pc) =	sbr.rel @p0 .LBB2_1-.Ltmp1, $4  }
0x37: {  	[hbm4b:s11+s1] =	stream.linear.scatter [tilespmem:s8], [sflag:$0x2], $0x800, $0x38;
	[tilespmem:$0x880] =	vst v63  }
0x38: {  	_ =	swait.ge [sflag:s7], $0x800  }
0x39: {  	[sflag:s7] =	ssyncset.done $0x0  }
0x3a: {  	[sflag:s7] =	ssyncadd.s32 $0xFFFFF800  }
0x3b: {  	_ =	sfence.sel $0x180000  }
0x3c: {  	[bflag:$0x0] =	sbarrier.arrive $0xFFFF  }
0x3d: {  	p0 =	sne.s32 s2, $0x0;
	_ =	strace $0x90000053  }
0x3e: {  	s0 =	sadd.s32 @!p0 $0x100000, s0;
	[bflag:$0x2] =	sbarrier.arrive $0xFFFF  }
0x3f: {  	[sflag:s0] =	ssyncadd.tile.s32 @!p0 $0x1;
	_ =	shalt  }
.Lfunc_end2:
_tile_overlayer_lowered:
.L_overlay_start_2:
0x40: {  	(tag) =	ssettag $0x2  }
0x41: {  	s0 =	rddreg [dreg:$0x0];
	s2 =	stileid.u32  }
0x42: {  	s1 =	rddreg [dreg:$0x1];
	p0 =	sne.s32 s2, $0x0  }
0x43: {  	s3 =	rddreg [dreg:$0x2];
	[bflag:$0x3] =	sbarrier.arrive $0xFFFF;
	s2 =	simm.s32 @!p0 $0x1C02  }
0x44: {  	[timem:s3], [sflag:s2] =	dma.local @!p0 [hbm:s0], s1  }
0x45: {  	s0 =	simm.s32 @!p0 $0x2  }
0x46: {  	_ =	swait.ge @!p0 [sflag:s0], s1  }
0x47: {  	s1 =	ssub.s32 @!p0 $0x0, s1;
	[sflag:s0] =	ssyncset.done @!p0 $0x0  }
0x48: {  	[sflag:s0] =	ssyncadd.s32 @!p0 s1  }
0x49: {  	[bflag:$0x3] =	sbarrier.arrive $0xFFFF  }
0x4a: {  	_ =	shalt  }

</sc_bundles>
